<compile_context>
chip_gen: v7x
topology: tpu7x:2x2x1
jax: 0.10.2.dev20260603
libtpu: 0.0.44.dev20260713+nightly
codegen_flags: <defaults>
</compile_context>

<pallas_src>
import functools

import jax
import jax.numpy as jnp
from jax import lax
from jax.experimental import pallas as pl
from jax.experimental.pallas import tpu as pltpu
from jax.experimental.pallas import tpu_sc as plsc

_NC = 2
_NS = 16
_NW = _NC * _NS
_CHUNK = 80


def _sc_gather(ids_flat, table):
    ntok = ids_flat.shape[0]
    dim = table.shape[1]
    dt = table.dtype
    per_w = ntok // _NW
    n_ch = per_w // _CHUNK
    mesh = plsc.VectorSubcoreMesh(
        core_axis_name="c", subcore_axis_name="s",
        num_cores=_NC, num_subcores=_NS)

    @functools.partial(
        pl.kernel,
        out_type=jax.ShapeDtypeStruct((ntok, dim), dt),
        mesh=mesh,
        scratch_types=[
            pltpu.VMEM((2, _CHUNK), jnp.int32),
            pltpu.VMEM((2, _CHUNK, dim), dt),
            pltpu.SemaphoreType.DMA,
            pltpu.SemaphoreType.DMA,
        ],
    )
    def gather_kernel(ids_hbm, table_hbm, out_hbm, idx_v, rows_v, gsem, osem):
        wid = lax.axis_index("s") * _NC + lax.axis_index("c")
        base = wid * per_w

        def chunk_off(i):
            return pl.multiple_of(base + i * _CHUNK, 8)

        pltpu.sync_copy(ids_hbm.at[pl.ds(chunk_off(0), _CHUNK)], idx_v.at[0])
        pltpu.async_copy(table_hbm.at[idx_v.at[0]], rows_v.at[0], gsem)

        def body(i, _):
            slot = lax.rem(i, 2)
            nslot = lax.rem(i + 1, 2)

            @pl.when(i > 0)
            def _drain_prev():
                pltpu.make_async_copy(
                    rows_v.at[nslot],
                    out_hbm.at[pl.ds(chunk_off(i - 1), _CHUNK)], osem).wait()

            @pl.when(i + 1 < n_ch)
            def _prefetch():
                pltpu.sync_copy(
                    ids_hbm.at[pl.ds(chunk_off(i + 1), _CHUNK)], idx_v.at[nslot])
                pltpu.async_copy(
                    table_hbm.at[idx_v.at[nslot]], rows_v.at[nslot], gsem)

            pltpu.make_async_copy(
                table_hbm.at[idx_v.at[slot]], rows_v.at[slot], gsem).wait()
            pltpu.async_copy(
                rows_v.at[slot], out_hbm.at[pl.ds(chunk_off(i), _CHUNK)], osem)
            return 0

        lax.fori_loop(0, n_ch, body, 0)
        pltpu.make_async_copy(
            rows_v.at[lax.rem(n_ch - 1, 2)],
            out_hbm.at[pl.ds(chunk_off(n_ch - 1), _CHUNK)], osem).wait()

    return gather_kernel(ids_flat, table)


def _ln_body(tt_ref, w_ref, type_ref, pos_ref, g_ref, b_ref, o_ref):
    d = pos_ref.shape[-1]
    w = w_ref[...]
    ng, l, seqs = tt_ref.shape
    tt = tt_ref[...].reshape(ng * l, seqs)
    dt = type_ref[1:2, :] - type_ref[0:1, :]
    t_term = jnp.concatenate(
        [tt[g * l:(g + 1) * l, j:j + 1] * dt
         for g in range(ng) for j in range(seqs)], axis=0)
    x = w + t_term + pos_ref[...]
    j = jnp.full((d, d), 1.0 / d, dtype=jnp.bfloat16)
    xb = x.astype(jnp.bfloat16)
    mean = jax.lax.dot(xb, j, preferred_element_type=jnp.float32)
    msq = jax.lax.dot(xb * xb, j, preferred_element_type=jnp.float32)
    xc = x - mean
    r = lax.rsqrt(msq - mean * mean + 1e-5)
    o_ref[...] = xc * (r * g_ref[...]) + b_ref[...]


def _ln_body_acc(tt_ref, w_ref, type_ref, pos_ref, g_ref, b_ref, acc_ref, o_ref):
    _ln_body(tt_ref, w_ref, type_ref, pos_ref, g_ref, b_ref, o_ref)


def _tc_layernorm_slice(tt_t, w_slice, type_table, pos_tile, ln_gamma,
                        ln_beta, acc, blk_off):
    ntok_s, dw = w_slice.shape
    d = pos_tile.shape[1]
    nblk, l, seqs = tt_t.shape
    ntok = nblk * l * seqs
    rows = pos_tile.shape[0]
    grid = (ntok_s // rows,)
    in_specs = [
        pl.BlockSpec((rows // (l * seqs), l, seqs),
                     lambda i: (blk_off + i, 0, 0)),
        pl.BlockSpec((rows, dw), lambda i: (i, 0)),
        pl.BlockSpec((2, d), lambda i: (0, 0)),
        pl.BlockSpec((rows, d), lambda i: (0, 0)),
        pl.BlockSpec((1, d), lambda i: (0, 0)),
        pl.BlockSpec((1, d), lambda i: (0, 0)),
    ]
    args = [tt_t, w_slice, type_table, pos_tile, ln_gamma, ln_beta]
    body = _ln_body
    kwargs = {}
    if acc is not None:
        in_specs.append(pl.BlockSpec(memory_space=pl.ANY))
        args.append(acc)
        body = _ln_body_acc
        kwargs["input_output_aliases"] = {6: 0}
    return pl.pallas_call(
        body,
        grid=grid,
        in_specs=in_specs,
        out_specs=pl.BlockSpec((rows, d), lambda i: (blk_off + i, 0)),
        out_shape=jax.ShapeDtypeStruct((ntok, d), jnp.float32),
        **kwargs,
    )(*args)


_K = 4


def kernel(word_ids, token_type_ids, word_table, type_table, pos_emb, ln_gamma, ln_beta):
    b, l = word_ids.shape
    d = word_table.shape[1]
    ntok = b * l
    ids_flat = word_ids.reshape(-1).astype(jnp.int32)
    tt_t = token_type_ids.reshape(b // 8, 8, l).transpose(0, 2, 1).astype(jnp.float32)
    pos_tile = jnp.tile(pos_emb[:l] + type_table[0:1, :], (32, 1))
    rows = pos_tile.shape[0]
    gamma = ln_gamma.reshape(1, d)
    beta = ln_beta.reshape(1, d)

    ntok_s = ntok // _K
    w_slices = [
        _sc_gather(lax.slice_in_dim(ids_flat, k * ntok_s, (k + 1) * ntok_s),
                   word_table)
        for k in range(_K)
    ]
    acc = None
    for k in range(_K):
        acc = _tc_layernorm_slice(tt_t, w_slices[k], type_table, pos_tile,
                                  gamma, beta, acc,
                                  k * (ntok_s // rows))
    return acc.reshape(b, l, d)

# --- scband reference (transcript-rebuilt; emitter-appended) ---
"""Pipeline reference for scband-word-embeddings-29712583753859 (READ-ONLY COPY).

The authoritative reference and input builder live on the scoring server;
editing this copy changes nothing except your own understanding.
"""

import jax, jax.numpy as jnp
import numpy as np

VOCAB = 100000
DIM = 128
MAX_SEQ = 200
B = 1024
L = 200


def setup_inputs(seed: int = 0) -> dict:
    key = jax.random.key(seed)
    k1, k2, k3, k4, k5 = jax.random.split(key, 5)
    word_ids = jax.random.randint(k1, (B, L), 0, VOCAB, dtype=jnp.int64 if jax.config.jax_enable_x64 else jnp.int32)
    token_type_ids = jax.random.randint(k2, (B, L), 0, 2, dtype=jnp.int64 if jax.config.jax_enable_x64 else jnp.int32)
    word_table = jax.random.normal(k3, (VOCAB, DIM), dtype=jnp.float32)
    type_table = jax.random.normal(k4, (2, DIM), dtype=jnp.float32)
    # xavier_uniform init for position embeddings: bound = sqrt(6/(fan_in+fan_out))
    bound = float(np.sqrt(6.0 / (MAX_SEQ + DIM)))
    pos_emb = jax.random.uniform(k5, (MAX_SEQ, DIM), dtype=jnp.float32, minval=-bound, maxval=bound)
    ln_gamma = jnp.ones((DIM,), dtype=jnp.float32)
    ln_beta = jnp.zeros((DIM,), dtype=jnp.float32)
    return {
        "word_ids": word_ids,
        "token_type_ids": token_type_ids,
        "word_table": word_table,
        "type_table": type_table,
        "pos_emb": pos_emb,
        "ln_gamma": ln_gamma,
        "ln_beta": ln_beta,
    }


def reference(word_ids, token_type_ids, word_table, type_table, pos_emb, ln_gamma, ln_beta):
    # embedding lookups (gather)
    w_emb = jnp.take(word_table, word_ids, axis=0)        # [B, L, D]
    t_emb = jnp.take(type_table, token_type_ids, axis=0)  # [B, L, D]
    x = w_emb + t_emb + pos_emb[: w_emb.shape[1], :]
    # layer norm over last dim, eps=1e-5 (PyTorch default)
    mean = jnp.mean(x, axis=-1, keepdims=True)
    var = jnp.mean(jnp.square(x - mean), axis=-1, keepdims=True)
    x = (x - mean) / jnp.sqrt(var + 1e-5)
    x = x * ln_gamma + ln_beta
    # dropout is identity in eval / deterministic reference
    return x

if __name__ == "__main__":
    import jax
    _d = setup_inputs()
    print(jax.jit(kernel)(*tuple(_d.values())))

</pallas_src>

<mosaic_0001>
#map = affine_map<(d0, d1) -> (0)>
#map1 = affine_map<(d0, d1) -> (0, 0)>
module attributes {stable_mosaic.version = 14 : i64} {
  func.func @gather_kernel(%arg0: i32, %arg1: i32, %arg2: memref<51200xi32, #tpu.memory_space<hbm>>, %arg3: memref<100000x128xf32, #tpu.memory_space<hbm>>, %arg4: memref<51200x128xf32, #tpu.memory_space<hbm>>, %arg5: memref<2x80xi32, #tpu.memory_space<vmem>>, %arg6: memref<2x80x128xf32, #tpu.memory_space<vmem>>, %arg7: memref<!tpu.dma_semaphore, #tpu.memory_space<semaphore_mem>>, %arg8: memref<!tpu.dma_semaphore, #tpu.memory_space<semaphore_mem>>) attributes {dimension_semantics = [#tpu.dimension_semantics<core_parallel>, #tpu.dimension_semantics<subcore_parallel>], iteration_bounds = array<i64: 2, 16>, scalar_prefetch = 0 : i64, scratch_operands = 4 : i64, tpu.core_type = #tpu.core_type<sc_vector_subcore>, window_params = [{transform_indices = #map}, {transform_indices = #map1}, {transform_indices = #map1}]} {
    %mul3A = arith.constant 2 : i32
    %mul3A_0 = arith.muli %arg1, %mul3A : i32
    %add3A = arith.addi %mul3A_0, %arg0 : i32
    %mul3A_1 = arith.constant 1600 : i32
    %mul3A_2 = arith.muli %add3A, %mul3A_1 : i32
    %add3A_3 = arith.constant 0 : i32
    %add3A_4 = arith.addi %mul3A_2, %add3A_3 : i32
    %multiple_of3A = tpu.assume_multiple %add3A_4, 8 : i32
    %run_scoped3A = arith.constant 0 : i32
    "tpu.region"() ({
      %run_scoped3A_38 = tpu.sem_alloc : memref<!tpu.dma_semaphore, #tpu.memory_space<semaphore_mem>>
      %dma_start3A_39 = arith.constant 0 : i32
      %dma_start3A_40 = tpu.memref_slice %arg5[%run_scoped3A, %dma_start3A_39] : memref<2x80xi32, #tpu.memory_space<vmem>> -> memref<1x80xi32, #tpu.memory_space<vmem>>
      %dma_start3A_41 = tpu.memref_squeeze %dma_start3A_40 : memref<1x80xi32, #tpu.memory_space<vmem>> -> memref<80xi32, #tpu.memory_space<vmem>>
      %dma_start3A_42 = tpu.memref_slice %arg2[%multiple_of3A] : memref<51200xi32, #tpu.memory_space<hbm>> -> memref<80xi32, #tpu.memory_space<hbm>>
      %dma_start3A_43 = arith.constant 0 : i32
      %dma_start3A_44 = tpu.memref_slice %arg5[%run_scoped3A, %dma_start3A_43] : memref<2x80xi32, #tpu.memory_space<vmem>> -> memref<1x80xi32, #tpu.memory_space<vmem>>
      %dma_start3A_45 = tpu.memref_squeeze %dma_start3A_44 : memref<1x80xi32, #tpu.memory_space<vmem>> -> memref<80xi32, #tpu.memory_space<vmem>>
      %dma_start3A_46 = tpu.memref_slice %arg2[%multiple_of3A] : memref<51200xi32, #tpu.memory_space<hbm>> -> memref<80xi32, #tpu.memory_space<hbm>>
      tpu.enqueue_dma source(%dma_start3A_46 : memref<80xi32, #tpu.memory_space<hbm>>) target(%dma_start3A_45 : memref<80xi32, #tpu.memory_space<vmem>>) target_semaphore(%run_scoped3A_38 : memref<!tpu.dma_semaphore, #tpu.memory_space<semaphore_mem>>)
      %dma_wait3A_47 = arith.constant 0 : i32
      %dma_wait3A_48 = tpu.memref_slice %arg5[%run_scoped3A, %dma_wait3A_47] : memref<2x80xi32, #tpu.memory_space<vmem>> -> memref<1x80xi32, #tpu.memory_space<vmem>>
      %dma_wait3A_49 = tpu.memref_squeeze %dma_wait3A_48 : memref<1x80xi32, #tpu.memory_space<vmem>> -> memref<80xi32, #tpu.memory_space<vmem>>
      %dma_wait3A_50 = tpu.memref_slice %arg2[%multiple_of3A] : memref<51200xi32, #tpu.memory_space<hbm>> -> memref<80xi32, #tpu.memory_space<hbm>>
      %dma_wait3A_51 = arith.constant 0 : i32
      %dma_wait3A_52 = tpu.memref_slice %arg5[%run_scoped3A, %dma_wait3A_51] : memref<2x80xi32, #tpu.memory_space<vmem>> -> memref<1x80xi32, #tpu.memory_space<vmem>>
      %dma_wait3A_53 = tpu.memref_squeeze %dma_wait3A_52 : memref<1x80xi32, #tpu.memory_space<vmem>> -> memref<80xi32, #tpu.memory_space<vmem>>
      %dma_wait3A_54 = tpu.memref_slice %arg2[%multiple_of3A] : memref<51200xi32, #tpu.memory_space<hbm>> -> memref<80xi32, #tpu.memory_space<hbm>>
      tpu.wait_dma2 semaphore(%run_scoped3A_38 : memref<!tpu.dma_semaphore, #tpu.memory_space<semaphore_mem>>) src(%dma_wait3A_54 : memref<80xi32, #tpu.memory_space<hbm>>) dst(%dma_wait3A_53 : memref<80xi32, #tpu.memory_space<vmem>>)
      tpu.yield
    }) : () -> ()
    %dma_start3A = arith.constant 0 : i32
    %dma_start3A_5 = arith.constant 0 : i32
    %dma_start3A_6 = arith.constant 0 : i32
    %dma_start3A_7 = arith.constant 0 : i32
    %dma_start3A_8 = tpu.memref_slice %arg6[%dma_start3A_5, %dma_start3A_6, %dma_start3A_7] : memref<2x80x128xf32, #tpu.memory_space<vmem>> -> memref<1x80x128xf32, #tpu.memory_space<vmem>>
    %dma_start3A_9 = tpu.memref_squeeze %dma_start3A_8 : memref<1x80x128xf32, #tpu.memory_space<vmem>> -> memref<80x128xf32, #tpu.memory_space<vmem>>
    %dma_start3A_10 = arith.constant 0 : i32
    %dma_start3A_11 = tpu.memref_slice %arg5[%dma_start3A, %dma_start3A_10] : memref<2x80xi32, #tpu.memory_space<vmem>> -> memref<1x80xi32, #tpu.memory_space<vmem>>
    %dma_start3A_12 = tpu.memref_squeeze %dma_start3A_11 : memref<1x80xi32, #tpu.memory_space<vmem>> -> memref<80xi32, #tpu.memory_space<vmem>>
    %dma_start3A_13 = arith.constant 0 : i32
    %dma_start3A_14 = arith.constant 0 : i32
    %dma_start3A_15 = tpu.memref_slice %arg3[%dma_start3A_13, %dma_start3A_14] : memref<100000x128xf32, #tpu.memory_space<hbm>> -> memref<100000x128xf32, #tpu.memory_space<hbm>>
    tpu.enqueue_indirect_dma source(%dma_start3A_15 : memref<100000x128xf32, #tpu.memory_space<hbm>>) target(%dma_start3A_9 : memref<80x128xf32, #tpu.memory_space<vmem>>) offsets(%dma_start3A_12 : memref<80xi32, #tpu.memory_space<vmem>>) semaphore(%arg7 : memref<!tpu.dma_semaphore, #tpu.memory_space<semaphore_mem>>)
    %scan3A = arith.constant 0 : i32
    %scan3A_16 = arith.constant 0 : i32
    %scan3A_17 = arith.constant 20 : i32
    %scan3A_18 = arith.addi %scan3A_16, %scan3A_17 : i32
    %scan3A_19 = arith.constant 1 : i32
    %scan3A_20 = scf.for %scan3A_38 = %scan3A_16 to %scan3A_18 step %scan3A_19 iter_args(%scan3A_39 = %scan3A) -> (i32)  : i32 {
      %rem3A_40 = arith.constant 2 : i32
      %rem3A_41 = arith.remsi %scan3A_38, %rem3A_40 : i32
      %add3A_42 = arith.constant 1 : i32
      %add3A_43 = arith.addi %scan3A_38, %add3A_42 : i32
      %rem3A_44 = arith.constant 2 : i32
      %rem3A_45 = arith.remsi %add3A_43, %rem3A_44 : i32
      %gt3A = arith.constant 0 : i32
      %gt3A_46 = arith.cmpi sgt, %scan3A_38, %gt3A : i32
      %convert_element_type3A = arith.extui %gt3A_46 : i1 to i32
      %cond3A = arith.constant 0 : i32
      %cond3A_47 = arith.cmpi ne, %convert_element_type3A, %cond3A : i32
      scf.if %cond3A_47 {
        %sub3A = arith.constant 1 : i32
        %sub3A_81 = arith.subi %scan3A_38, %sub3A : i32
        %mul3A_82 = arith.constant 80 : i32
        %mul3A_83 = arith.muli %sub3A_81, %mul3A_82 : i32
        %add3A_84 = arith.addi %mul3A_2, %mul3A_83 : i32
        %multiple_of3A_85 = tpu.assume_multiple %add3A_84, 8 : i32
        %dma_wait3A_86 = arith.constant 0 : i32
        %dma_wait3A_87 = arith.constant 0 : i32
        %dma_wait3A_88 = tpu.memref_slice %arg6[%rem3A_45, %dma_wait3A_86, %dma_wait3A_87] : memref<2x80x128xf32, #tpu.memory_space<vmem>> -> memref<1x80x128xf32, #tpu.memory_space<vmem>>
        %dma_wait3A_89 = tpu.memref_squeeze %dma_wait3A_88 : memref<1x80x128xf32, #tpu.memory_space<vmem>> -> memref<80x128xf32, #tpu.memory_space<vmem>>
        %dma_wait3A_90 = arith.constant 0 : i32
        %dma_wait3A_91 = tpu.memref_slice %arg4[%multiple_of3A_85, %dma_wait3A_90] : memref<51200x128xf32, #tpu.memory_space<hbm>> -> memref<80x128xf32, #tpu.memory_space<hbm>>
        %dma_wait3A_92 = arith.constant 0 : i32
        %dma_wait3A_93 = tpu.memref_slice %arg4[%multiple_of3A_85, %dma_wait3A_92] : memref<51200x128xf32, #tpu.memory_space<hbm>> -> memref<80x128xf32, #tpu.memory_space<hbm>>
        %dma_wait3A_94 = arith.constant 0 : i32
        %dma_wait3A_95 = arith.constant 0 : i32
        %dma_wait3A_96 = tpu.memref_slice %arg6[%rem3A_45, %dma_wait3A_94, %dma_wait3A_95] : memref<2x80x128xf32, #tpu.memory_space<vmem>> -> memref<1x80x128xf32, #tpu.memory_space<vmem>>
        %dma_wait3A_97 = tpu.memref_squeeze %dma_wait3A_96 : memref<1x80x128xf32, #tpu.memory_space<vmem>> -> memref<80x128xf32, #tpu.memory_space<vmem>>
        tpu.wait_dma2 semaphore(%arg8 : memref<!tpu.dma_semaphore, #tpu.memory_space<semaphore_mem>>) src(%dma_wait3A_97 : memref<80x128xf32, #tpu.memory_space<vmem>>) dst(%dma_wait3A_93 : memref<80x128xf32, #tpu.memory_space<hbm>>)
      } else {
      }
      %add3A_48 = arith.constant 1 : i32
      %add3A_49 = arith.addi %scan3A_38, %add3A_48 : i32
      %lt3A = arith.constant 20 : i32
      %lt3A_50 = arith.cmpi slt, %add3A_49, %lt3A : i32
      %convert_element_type3A_51 = arith.extui %lt3A_50 : i1 to i32
      %cond3A_52 = arith.constant 0 : i32
      %cond3A_53 = arith.cmpi ne, %convert_element_type3A_51, %cond3A_52 : i32
      scf.if %cond3A_53 {
        %add3A_81 = arith.constant 1 : i32
        %add3A_82 = arith.addi %scan3A_38, %add3A_81 : i32
        %mul3A_83 = arith.constant 80 : i32
        %mul3A_84 = arith.muli %add3A_82, %mul3A_83 : i32
        %add3A_85 = arith.addi %mul3A_2, %mul3A_84 : i32
        %multiple_of3A_86 = tpu.assume_multiple %add3A_85, 8 : i32
        "tpu.region"() ({
          %run_scoped3A_97 = tpu.sem_alloc : memref<!tpu.dma_semaphore, #tpu.memory_space<semaphore_mem>>
          %dma_start3A_98 = arith.constant 0 : i32
          %dma_start3A_99 = tpu.memref_slice %arg5[%rem3A_45, %dma_start3A_98] : memref<2x80xi32, #tpu.memory_space<vmem>> -> memref<1x80xi32, #tpu.memory_space<vmem>>
          %dma_start3A_100 = tpu.memref_squeeze %dma_start3A_99 : memref<1x80xi32, #tpu.memory_space<vmem>> -> memref<80xi32, #tpu.memory_space<vmem>>
          %dma_start3A_101 = tpu.memref_slice %arg2[%multiple_of3A_86] : memref<51200xi32, #tpu.memory_space<hbm>> -> memref<80xi32, #tpu.memory_space<hbm>>
          %dma_start3A_102 = arith.constant 0 : i32
          %dma_start3A_103 = tpu.memref_slice %arg5[%rem3A_45, %dma_start3A_102] : memref<2x80xi32, #tpu.memory_space<vmem>> -> memref<1x80xi32, #tpu.memory_space<vmem>>
          %dma_start3A_104 = tpu.memref_squeeze %dma_start3A_103 : memref<1x80xi32, #tpu.memory_space<vmem>> -> memref<80xi32, #tpu.memory_space<vmem>>
          %dma_start3A_105 = tpu.memref_slice %arg2[%multiple_of3A_86] : memref<51200xi32, #tpu.memory_space<hbm>> -> memref<80xi32, #tpu.memory_space<hbm>>
          tpu.enqueue_dma source(%dma_start3A_105 : memref<80xi32, #tpu.memory_space<hbm>>) target(%dma_start3A_104 : memref<80xi32, #tpu.memory_space<vmem>>) target_semaphore(%run_scoped3A_97 : memref<!tpu.dma_semaphore, #tpu.memory_space<semaphore_mem>>)
          %dma_wait3A_106 = arith.constant 0 : i32
          %dma_wait3A_107 = tpu.memref_slice %arg5[%rem3A_45, %dma_wait3A_106] : memref<2x80xi32, #tpu.memory_space<vmem>> -> memref<1x80xi32, #tpu.memory_space<vmem>>
          %dma_wait3A_108 = tpu.memref_squeeze %dma_wait3A_107 : memref<1x80xi32, #tpu.memory_space<vmem>> -> memref<80xi32, #tpu.memory_space<vmem>>
          %dma_wait3A_109 = tpu.memref_slice %arg2[%multiple_of3A_86] : memref<51200xi32, #tpu.memory_space<hbm>> -> memref<80xi32, #tpu.memory_space<hbm>>
          %dma_wait3A_110 = arith.constant 0 : i32
          %dma_wait3A_111 = tpu.memref_slice %arg5[%rem3A_45, %dma_wait3A_110] : memref<2x80xi32, #tpu.memory_space<vmem>> -> memref<1x80xi32, #tpu.memory_space<vmem>>
          %dma_wait3A_112 = tpu.memref_squeeze %dma_wait3A_111 : memref<1x80xi32, #tpu.memory_space<vmem>> -> memref<80xi32, #tpu.memory_space<vmem>>
          %dma_wait3A_113 = tpu.memref_slice %arg2[%multiple_of3A_86] : memref<51200xi32, #tpu.memory_space<hbm>> -> memref<80xi32, #tpu.memory_space<hbm>>
          tpu.wait_dma2 semaphore(%run_scoped3A_97 : memref<!tpu.dma_semaphore, #tpu.memory_space<semaphore_mem>>) src(%dma_wait3A_113 : memref<80xi32, #tpu.memory_space<hbm>>) dst(%dma_wait3A_112 : memref<80xi32, #tpu.memory_space<vmem>>)
          tpu.yield
        }) : () -> ()
        %dma_start3A_87 = arith.constant 0 : i32
        %dma_start3A_88 = arith.constant 0 : i32
        %dma_start3A_89 = tpu.memref_slice %arg6[%rem3A_45, %dma_start3A_87, %dma_start3A_88] : memref<2x80x128xf32, #tpu.memory_space<vmem>> -> memref<1x80x128xf32, #tpu.memory_space<vmem>>
        %dma_start3A_90 = tpu.memref_squeeze %dma_start3A_89 : memref<1x80x128xf32, #tpu.memory_space<vmem>> -> memref<80x128xf32, #tpu.memory_space<vmem>>
        %dma_start3A_91 = arith.constant 0 : i32
        %dma_start3A_92 = tpu.memref_slice %arg5[%rem3A_45, %dma_start3A_91] : memref<2x80xi32, #tpu.memory_space<vmem>> -> memref<1x80xi32, #tpu.memory_space<vmem>>
        %dma_start3A_93 = tpu.memref_squeeze %dma_start3A_92 : memref<1x80xi32, #tpu.memory_space<vmem>> -> memref<80xi32, #tpu.memory_space<vmem>>
        %dma_start3A_94 = arith.constant 0 : i32
        %dma_start3A_95 = arith.constant 0 : i32
        %dma_start3A_96 = tpu.memref_slice %arg3[%dma_start3A_94, %dma_start3A_95] : memref<100000x128xf32, #tpu.memory_space<hbm>> -> memref<100000x128xf32, #tpu.memory_space<hbm>>
        tpu.enqueue_indirect_dma source(%dma_start3A_96 : memref<100000x128xf32, #tpu.memory_space<hbm>>) target(%dma_start3A_90 : memref<80x128xf32, #tpu.memory_space<vmem>>) offsets(%dma_start3A_93 : memref<80xi32, #tpu.memory_space<vmem>>) semaphore(%arg7 : memref<!tpu.dma_semaphore, #tpu.memory_space<semaphore_mem>>)
      } else {
      }
      %dma_wait3A_54 = arith.constant 0 : i32
      %dma_wait3A_55 = arith.constant 0 : i32
      %dma_wait3A_56 = tpu.memref_slice %arg6[%rem3A_41, %dma_wait3A_54, %dma_wait3A_55] : memref<2x80x128xf32, #tpu.memory_space<vmem>> -> memref<1x80x128xf32, #tpu.memory_space<vmem>>
      %dma_wait3A_57 = tpu.memref_squeeze %dma_wait3A_56 : memref<1x80x128xf32, #tpu.memory_space<vmem>> -> memref<80x128xf32, #tpu.memory_space<vmem>>
      %dma_wait3A_58 = arith.constant 0 : i32
      %dma_wait3A_59 = tpu.memref_slice %arg5[%rem3A_41, %dma_wait3A_58] : memref<2x80xi32, #tpu.memory_space<vmem>> -> memref<1x80xi32, #tpu.memory_space<vmem>>
      %dma_wait3A_60 = tpu.memref_squeeze %dma_wait3A_59 : memref<1x80xi32, #tpu.memory_space<vmem>> -> memref<80xi32, #tpu.memory_space<vmem>>
      %dma_wait3A_61 = arith.constant 0 : i32
      %dma_wait3A_62 = arith.constant 0 : i32
      %dma_wait3A_63 = tpu.memref_slice %arg3[%dma_wait3A_61, %dma_wait3A_62] : memref<100000x128xf32, #tpu.memory_space<hbm>> -> memref<100000x128xf32, #tpu.memory_space<hbm>>
      tpu.wait_indirect_dma semaphore(%arg7 : memref<!tpu.dma_semaphore, #tpu.memory_space<semaphore_mem>>) src(%dma_wait3A_63 : memref<100000x128xf32, #tpu.memory_space<hbm>>) dst(%dma_wait3A_57 : memref<80x128xf32, #tpu.memory_space<vmem>>)
      %mul3A_64 = arith.constant 80 : i32
      %mul3A_65 = arith.muli %scan3A_38, %mul3A_64 : i32
      %add3A_66 = arith.addi %mul3A_2, %mul3A_65 : i32
      %multiple_of3A_67 = tpu.assume_multiple %add3A_66, 8 : i32
      %dma_start3A_68 = arith.constant 0 : i32
      %dma_start3A_69 = arith.constant 0 : i32
      %dma_start3A_70 = tpu.memref_slice %arg6[%rem3A_41, %dma_start3A_68, %dma_start3A_69] : memref<2x80x128xf32, #tpu.memory_space<vmem>> -> memref<1x80x128xf32, #tpu.memory_space<vmem>>
      %dma_start3A_71 = tpu.memref_squeeze %dma_start3A_70 : memref<1x80x128xf32, #tpu.memory_space<vmem>> -> memref<80x128xf32, #tpu.memory_space<vmem>>
      %dma_start3A_72 = arith.constant 0 : i32
      %dma_start3A_73 = tpu.memref_slice %arg4[%multiple_of3A_67, %dma_start3A_72] : memref<51200x128xf32, #tpu.memory_space<hbm>> -> memref<80x128xf32, #tpu.memory_space<hbm>>
      %dma_start3A_74 = arith.constant 0 : i32
      %dma_start3A_75 = tpu.memref_slice %arg4[%multiple_of3A_67, %dma_start3A_74] : memref<51200x128xf32, #tpu.memory_space<hbm>> -> memref<80x128xf32, #tpu.memory_space<hbm>>
      %dma_start3A_76 = arith.constant 0 : i32
      %dma_start3A_77 = arith.constant 0 : i32
      %dma_start3A_78 = tpu.memref_slice %arg6[%rem3A_41, %dma_start3A_76, %dma_start3A_77] : memref<2x80x128xf32, #tpu.memory_space<vmem>> -> memref<1x80x128xf32, #tpu.memory_space<vmem>>
      %dma_start3A_79 = tpu.memref_squeeze %dma_start3A_78 : memref<1x80x128xf32, #tpu.memory_space<vmem>> -> memref<80x128xf32, #tpu.memory_space<vmem>>
      tpu.enqueue_dma source(%dma_start3A_79 : memref<80x128xf32, #tpu.memory_space<vmem>>) target(%dma_start3A_75 : memref<80x128xf32, #tpu.memory_space<hbm>>) target_semaphore(%arg8 : memref<!tpu.dma_semaphore, #tpu.memory_space<semaphore_mem>>)
      %scan3A_80 = arith.constant 0 : i32
      scf.yield %scan3A_80 : i32
    }
    %scan3A_21 = arith.constant 20 : i32
    %rem3A = arith.constant 19 : i32
    %rem3A_22 = arith.constant 2 : i32
    %rem3A_23 = arith.remsi %rem3A, %rem3A_22 : i32
    %add3A_24 = arith.constant 1520 : i32
    %add3A_25 = arith.addi %mul3A_2, %add3A_24 : i32
    %multiple_of3A_26 = tpu.assume_multiple %add3A_25, 8 : i32
    %dma_wait3A = arith.constant 0 : i32
    %dma_wait3A_27 = arith.constant 0 : i32
    %dma_wait3A_28 = tpu.memref_slice %arg6[%rem3A_23, %dma_wait3A, %dma_wait3A_27] : memref<2x80x128xf32, #tpu.memory_space<vmem>> -> memref<1x80x128xf32, #tpu.memory_space<vmem>>
    %dma_wait3A_29 = tpu.memref_squeeze %dma_wait3A_28 : memref<1x80x128xf32, #tpu.memory_space<vmem>> -> memref<80x128xf32, #tpu.memory_space<vmem>>
    %dma_wait3A_30 = arith.constant 0 : i32
    %dma_wait3A_31 = tpu.memref_slice %arg4[%multiple_of3A_26, %dma_wait3A_30] : memref<51200x128xf32, #tpu.memory_space<hbm>> -> memref<80x128xf32, #tpu.memory_space<hbm>>
    %dma_wait3A_32 = arith.constant 0 : i32
    %dma_wait3A_33 = tpu.memref_slice %arg4[%multiple_of3A_26, %dma_wait3A_32] : memref<51200x128xf32, #tpu.memory_space<hbm>> -> memref<80x128xf32, #tpu.memory_space<hbm>>
    %dma_wait3A_34 = arith.constant 0 : i32
    %dma_wait3A_35 = arith.constant 0 : i32
    %dma_wait3A_36 = tpu.memref_slice %arg6[%rem3A_23, %dma_wait3A_34, %dma_wait3A_35] : memref<2x80x128xf32, #tpu.memory_space<vmem>> -> memref<1x80x128xf32, #tpu.memory_space<vmem>>
    %dma_wait3A_37 = tpu.memref_squeeze %dma_wait3A_36 : memref<1x80x128xf32, #tpu.memory_space<vmem>> -> memref<80x128xf32, #tpu.memory_space<vmem>>
    tpu.wait_dma2 semaphore(%arg8 : memref<!tpu.dma_semaphore, #tpu.memory_space<semaphore_mem>>) src(%dma_wait3A_37 : memref<80x128xf32, #tpu.memory_space<vmem>>) dst(%dma_wait3A_33 : memref<80x128xf32, #tpu.memory_space<hbm>>)
    return
  }
}

#map = affine_map<(d0, d1) -> (0)>
#map1 = affine_map<(d0, d1) -> (0, 0)>
module attributes {stable_mosaic.version = 14 : i64} {
  func.func @gather_kernel(%arg0: i32, %arg1: i32, %arg2: memref<51200xi32, #tpu.memory_space<hbm>>, %arg3: memref<100000x128xf32, #tpu.memory_space<hbm>>, %arg4: memref<51200x128xf32, #tpu.memory_space<hbm>>, %arg5: memref<2x80xi32, #tpu.memory_space<vmem>>, %arg6: memref<2x80x128xf32, #tpu.memory_space<vmem>>, %arg7: memref<!tpu.dma_semaphore, #tpu.memory_space<semaphore_mem>>, %arg8: memref<!tpu.dma_semaphore, #tpu.memory_space<semaphore_mem>>) attributes {dimension_semantics = [#tpu.dimension_semantics<core_parallel>, #tpu.dimension_semantics<subcore_parallel>], iteration_bounds = array<i64: 2, 16>, scalar_prefetch = 0 : i64, scratch_operands = 4 : i64, tpu.core_type = #tpu.core_type<sc_vector_subcore>, window_params = [{transform_indices = #map}, {transform_indices = #map1}, {transform_indices = #map1}]} {
    %mul3A = arith.constant 2 : i32
    %mul3A_0 = arith.muli %arg1, %mul3A : i32
    %add3A = arith.addi %mul3A_0, %arg0 : i32
    %mul3A_1 = arith.constant 1600 : i32
    %mul3A_2 = arith.muli %add3A, %mul3A_1 : i32
    %add3A_3 = arith.constant 0 : i32
    %add3A_4 = arith.addi %mul3A_2, %add3A_3 : i32
    %multiple_of3A = tpu.assume_multiple %add3A_4, 8 : i32
    %run_scoped3A = arith.constant 0 : i32
    "tpu.region"() ({
      %run_scoped3A_38 = tpu.sem_alloc : memref<!tpu.dma_semaphore, #tpu.memory_space<semaphore_mem>>
      %dma_start3A_39 = arith.constant 0 : i32
      %dma_start3A_40 = tpu.memref_slice %arg5[%run_scoped3A, %dma_start3A_39] : memref<2x80xi32, #tpu.memory_space<vmem>> -> memref<1x80xi32, #tpu.memory_space<vmem>>
      %dma_start3A_41 = tpu.memref_squeeze %dma_start3A_40 : memref<1x80xi32, #tpu.memory_space<vmem>> -> memref<80xi32, #tpu.memory_space<vmem>>
      %dma_start3A_42 = tpu.memref_slice %arg2[%multiple_of3A] : memref<51200xi32, #tpu.memory_space<hbm>> -> memref<80xi32, #tpu.memory_space<hbm>>
      %dma_start3A_43 = arith.constant 0 : i32
      %dma_start3A_44 = tpu.memref_slice %arg5[%run_scoped3A, %dma_start3A_43] : memref<2x80xi32, #tpu.memory_space<vmem>> -> memref<1x80xi32, #tpu.memory_space<vmem>>
      %dma_start3A_45 = tpu.memref_squeeze %dma_start3A_44 : memref<1x80xi32, #tpu.memory_space<vmem>> -> memref<80xi32, #tpu.memory_space<vmem>>
      %dma_start3A_46 = tpu.memref_slice %arg2[%multiple_of3A] : memref<51200xi32, #tpu.memory_space<hbm>> -> memref<80xi32, #tpu.memory_space<hbm>>
      tpu.enqueue_dma source(%dma_start3A_46 : memref<80xi32, #tpu.memory_space<hbm>>) target(%dma_start3A_45 : memref<80xi32, #tpu.memory_space<vmem>>) target_semaphore(%run_scoped3A_38 : memref<!tpu.dma_semaphore, #tpu.memory_space<semaphore_mem>>)
      %dma_wait3A_47 = arith.constant 0 : i32
      %dma_wait3A_48 = tpu.memref_slice %arg5[%run_scoped3A, %dma_wait3A_47] : memref<2x80xi32, #tpu.memory_space<vmem>> -> memref<1x80xi32, #tpu.memory_space<vmem>>
      %dma_wait3A_49 = tpu.memref_squeeze %dma_wait3A_48 : memref<1x80xi32, #tpu.memory_space<vmem>> -> memref<80xi32, #tpu.memory_space<vmem>>
      %dma_wait3A_50 = tpu.memref_slice %arg2[%multiple_of3A] : memref<51200xi32, #tpu.memory_space<hbm>> -> memref<80xi32, #tpu.memory_space<hbm>>
      %dma_wait3A_51 = arith.constant 0 : i32
      %dma_wait3A_52 = tpu.memref_slice %arg5[%run_scoped3A, %dma_wait3A_51] : memref<2x80xi32, #tpu.memory_space<vmem>> -> memref<1x80xi32, #tpu.memory_space<vmem>>
      %dma_wait3A_53 = tpu.memref_squeeze %dma_wait3A_52 : memref<1x80xi32, #tpu.memory_space<vmem>> -> memref<80xi32, #tpu.memory_space<vmem>>
      %dma_wait3A_54 = tpu.memref_slice %arg2[%multiple_of3A] : memref<51200xi32, #tpu.memory_space<hbm>> -> memref<80xi32, #tpu.memory_space<hbm>>
      tpu.wait_dma2 semaphore(%run_scoped3A_38 : memref<!tpu.dma_semaphore, #tpu.memory_space<semaphore_mem>>) src(%dma_wait3A_54 : memref<80xi32, #tpu.memory_space<hbm>>) dst(%dma_wait3A_53 : memref<80xi32, #tpu.memory_space<vmem>>)
      tpu.yield
    }) : () -> ()
    %dma_start3A = arith.constant 0 : i32
    %dma_start3A_5 = arith.constant 0 : i32
    %dma_start3A_6 = arith.constant 0 : i32
    %dma_start3A_7 = arith.constant 0 : i32
    %dma_start3A_8 = tpu.memref_slice %arg6[%dma_start3A_5, %dma_start3A_6, %dma_start3A_7] : memref<2x80x128xf32, #tpu.memory_space<vmem>> -> memref<1x80x128xf32, #tpu.memory_space<vmem>>
    %dma_start3A_9 = tpu.memref_squeeze %dma_start3A_8 : memref<1x80x128xf32, #tpu.memory_space<vmem>> -> memref<80x128xf32, #tpu.memory_space<vmem>>
    %dma_start3A_10 = arith.constant 0 : i32
    %dma_start3A_11 = tpu.memref_slice %arg5[%dma_start3A, %dma_start3A_10] : memref<2x80xi32, #tpu.memory_space<vmem>> -> memref<1x80xi32, #tpu.memory_space<vmem>>
    %dma_start3A_12 = tpu.memref_squeeze %dma_start3A_11 : memref<1x80xi32, #tpu.memory_space<vmem>> -> memref<80xi32, #tpu.memory_space<vmem>>
    %dma_start3A_13 = arith.constant 0 : i32
    %dma_start3A_14 = arith.constant 0 : i32
    %dma_start3A_15 = tpu.memref_slice %arg3[%dma_start3A_13, %dma_start3A_14] : memref<100000x128xf32, #tpu.memory_space<hbm>> -> memref<100000x128xf32, #tpu.memory_space<hbm>>
    tpu.enqueue_indirect_dma source(%dma_start3A_15 : memref<100000x128xf32, #tpu.memory_space<hbm>>) target(%dma_start3A_9 : memref<80x128xf32, #tpu.memory_space<vmem>>) offsets(%dma_start3A_12 : memref<80xi32, #tpu.memory_space<vmem>>) semaphore(%arg7 : memref<!tpu.dma_semaphore, #tpu.memory_space<semaphore_mem>>)
    %scan3A = arith.constant 0 : i32
    %scan3A_16 = arith.constant 0 : i32
    %scan3A_17 = arith.constant 20 : i32
    %scan3A_18 = arith.addi %scan3A_16, %scan3A_17 : i32
    %scan3A_19 = arith.constant 1 : i32
    %scan3A_20 = scf.for %scan3A_38 = %scan3A_16 to %scan3A_18 step %scan3A_19 iter_args(%scan3A_39 = %scan3A) -> (i32)  : i32 {
      %rem3A_40 = arith.constant 2 : i32
      %rem3A_41 = arith.remsi %scan3A_38, %rem3A_40 : i32
      %add3A_42 = arith.constant 1 : i32
      %add3A_43 = arith.addi %scan3A_38, %add3A_42 : i32
      %rem3A_44 = arith.constant 2 : i32
      %rem3A_45 = arith.remsi %add3A_43, %rem3A_44 : i32
      %gt3A = arith.constant 0 : i32
      %gt3A_46 = arith.cmpi sgt, %scan3A_38, %gt3A : i32
      %convert_element_type3A = arith.extui %gt3A_46 : i1 to i32
      %cond3A = arith.constant 0 : i32
      %cond3A_47 = arith.cmpi ne, %convert_element_type3A, %cond3A : i32
      scf.if %cond3A_47 {
        %sub3A = arith.constant 1 : i32
        %sub3A_81 = arith.subi %scan3A_38, %sub3A : i32
        %mul3A_82 = arith.constant 80 : i32
        %mul3A_83 = arith.muli %sub3A_81, %mul3A_82 : i32
        %add3A_84 = arith.addi %mul3A_2, %mul3A_83 : i32
        %multiple_of3A_85 = tpu.assume_multiple %add3A_84, 8 : i32
        %dma_wait3A_86 = arith.constant 0 : i32
        %dma_wait3A_87 = arith.constant 0 : i32
        %dma_wait3A_88 = tpu.memref_slice %arg6[%rem3A_45, %dma_wait3A_86, %dma_wait3A_87] : memref<2x80x128xf32, #tpu.memory_space<vmem>> -> memref<1x80x128xf32, #tpu.memory_space<vmem>>
        %dma_wait3A_89 = tpu.memref_squeeze %dma_wait3A_88 : memref<1x80x128xf32, #tpu.memory_space<vmem>> -> memref<80x128xf32, #tpu.memory_space<vmem>>
        %dma_wait3A_90 = arith.constant 0 : i32
        %dma_wait3A_91 = tpu.memref_slice %arg4[%multiple_of3A_85, %dma_wait3A_90] : memref<51200x128xf32, #tpu.memory_space<hbm>> -> memref<80x128xf32, #tpu.memory_space<hbm>>
        %dma_wait3A_92 = arith.constant 0 : i32
        %dma_wait3A_93 = tpu.memref_slice %arg4[%multiple_of3A_85, %dma_wait3A_92] : memref<51200x128xf32, #tpu.memory_space<hbm>> -> memref<80x128xf32, #tpu.memory_space<hbm>>
        %dma_wait3A_94 = arith.constant 0 : i32
        %dma_wait3A_95 = arith.constant 0 : i32
        %dma_wait3A_96 = tpu.memref_slice %arg6[%rem3A_45, %dma_wait3A_94, %dma_wait3A_95] : memref<2x80x128xf32, #tpu.memory_space<vmem>> -> memref<1x80x128xf32, #tpu.memory_space<vmem>>
        %dma_wait3A_97 = tpu.memref_squeeze %dma_wait3A_96 : memref<1x80x128xf32, #tpu.memory_space<vmem>> -> memref<80x128xf32, #tpu.memory_space<vmem>>
        tpu.wait_dma2 semaphore(%arg8 : memref<!tpu.dma_semaphore, #tpu.memory_space<semaphore_mem>>) src(%dma_wait3A_97 : memref<80x128xf32, #tpu.memory_space<vmem>>) dst(%dma_wait3A_93 : memref<80x128xf32, #tpu.memory_space<hbm>>)
      } else {
      }
      %add3A_48 = arith.constant 1 : i32
      %add3A_49 = arith.addi %scan3A_38, %add3A_48 : i32
      %lt3A = arith.constant 20 : i32
      %lt3A_50 = arith.cmpi slt, %add3A_49, %lt3A : i32
      %convert_element_type3A_51 = arith.extui %lt3A_50 : i1 to i32
      %cond3A_52 = arith.constant 0 : i32
      %cond3A_53 = arith.cmpi ne, %convert_element_type3A_51, %cond3A_52 : i32
      scf.if %cond3A_53 {
        %add3A_81 = arith.constant 1 : i32
        %add3A_82 = arith.addi %scan3A_38, %add3A_81 : i32
        %mul3A_83 = arith.constant 80 : i32
        %mul3A_84 = arith.muli %add3A_82, %mul3A_83 : i32
        %add3A_85 = arith.addi %mul3A_2, %mul3A_84 : i32
        %multiple_of3A_86 = tpu.assume_multiple %add3A_85, 8 : i32
        "tpu.region"() ({
          %run_scoped3A_97 = tpu.sem_alloc : memref<!tpu.dma_semaphore, #tpu.memory_space<semaphore_mem>>
          %dma_start3A_98 = arith.constant 0 : i32
          %dma_start3A_99 = tpu.memref_slice %arg5[%rem3A_45, %dma_start3A_98] : memref<2x80xi32, #tpu.memory_space<vmem>> -> memref<1x80xi32, #tpu.memory_space<vmem>>
          %dma_start3A_100 = tpu.memref_squeeze %dma_start3A_99 : memref<1x80xi32, #tpu.memory_space<vmem>> -> memref<80xi32, #tpu.memory_space<vmem>>
          %dma_start3A_101 = tpu.memref_slice %arg2[%multiple_of3A_86] : memref<51200xi32, #tpu.memory_space<hbm>> -> memref<80xi32, #tpu.memory_space<hbm>>
          %dma_start3A_102 = arith.constant 0 : i32
          %dma_start3A_103 = tpu.memref_slice %arg5[%rem3A_45, %dma_start3A_102] : memref<2x80xi32, #tpu.memory_space<vmem>> -> memref<1x80xi32, #tpu.memory_space<vmem>>
          %dma_start3A_104 = tpu.memref_squeeze %dma_start3A_103 : memref<1x80xi32, #tpu.memory_space<vmem>> -> memref<80xi32, #tpu.memory_space<vmem>>
          %dma_start3A_105 = tpu.memref_slice %arg2[%multiple_of3A_86] : memref<51200xi32, #tpu.memory_space<hbm>> -> memref<80xi32, #tpu.memory_space<hbm>>
          tpu.enqueue_dma source(%dma_start3A_105 : memref<80xi32, #tpu.memory_space<hbm>>) target(%dma_start3A_104 : memref<80xi32, #tpu.memory_space<vmem>>) target_semaphore(%run_scoped3A_97 : memref<!tpu.dma_semaphore, #tpu.memory_space<semaphore_mem>>)
          %dma_wait3A_106 = arith.constant 0 : i32
          %dma_wait3A_107 = tpu.memref_slice %arg5[%rem3A_45, %dma_wait3A_106] : memref<2x80xi32, #tpu.memory_space<vmem>> -> memref<1x80xi32, #tpu.memory_space<vmem>>
          %dma_wait3A_108 = tpu.memref_squeeze %dma_wait3A_107 : memref<1x80xi32, #tpu.memory_space<vmem>> -> memref<80xi32, #tpu.memory_space<vmem>>
          %dma_wait3A_109 = tpu.memref_slice %arg2[%multiple_of3A_86] : memref<51200xi32, #tpu.memory_space<hbm>> -> memref<80xi32, #tpu.memory_space<hbm>>
          %dma_wait3A_110 = arith.constant 0 : i32
          %dma_wait3A_111 = tpu.memref_slice %arg5[%rem3A_45, %dma_wait3A_110] : memref<2x80xi32, #tpu.memory_space<vmem>> -> memref<1x80xi32, #tpu.memory_space<vmem>>
          %dma_wait3A_112 = tpu.memref_squeeze %dma_wait3A_111 : memref<1x80xi32, #tpu.memory_space<vmem>> -> memref<80xi32, #tpu.memory_space<vmem>>
          %dma_wait3A_113 = tpu.memref_slice %arg2[%multiple_of3A_86] : memref<51200xi32, #tpu.memory_space<hbm>> -> memref<80xi32, #tpu.memory_space<hbm>>
          tpu.wait_dma2 semaphore(%run_scoped3A_97 : memref<!tpu.dma_semaphore, #tpu.memory_space<semaphore_mem>>) src(%dma_wait3A_113 : memref<80xi32, #tpu.memory_space<hbm>>) dst(%dma_wait3A_112 : memref<80xi32, #tpu.memory_space<vmem>>)
          tpu.yield
        }) : () -> ()
        %dma_start3A_87 = arith.constant 0 : i32
        %dma_start3A_88 = arith.constant 0 : i32
        %dma_start3A_89 = tpu.memref_slice %arg6[%rem3A_45, %dma_start3A_87, %dma_start3A_88] : memref<2x80x128xf32, #tpu.memory_space<vmem>> -> memref<1x80x128xf32, #tpu.memory_space<vmem>>
        %dma_start3A_90 = tpu.memref_squeeze %dma_start3A_89 : memref<1x80x128xf32, #tpu.memory_space<vmem>> -> memref<80x128xf32, #tpu.memory_space<vmem>>
        %dma_start3A_91 = arith.constant 0 : i32
        %dma_start3A_92 = tpu.memref_slice %arg5[%rem3A_45, %dma_start3A_91] : memref<2x80xi32, #tpu.memory_space<vmem>> -> memref<1x80xi32, #tpu.memory_space<vmem>>
        %dma_start3A_93 = tpu.memref_squeeze %dma_start3A_92 : memref<1x80xi32, #tpu.memory_space<vmem>> -> memref<80xi32, #tpu.memory_space<vmem>>
        %dma_start3A_94 = arith.constant 0 : i32
        %dma_start3A_95 = arith.constant 0 : i32
        %dma_start3A_96 = tpu.memref_slice %arg3[%dma_start3A_94, %dma_start3A_95] : memref<100000x128xf32, #tpu.memory_space<hbm>> -> memref<100000x128xf32, #tpu.memory_space<hbm>>
        tpu.enqueue_indirect_dma source(%dma_start3A_96 : memref<100000x128xf32, #tpu.memory_space<hbm>>) target(%dma_start3A_90 : memref<80x128xf32, #tpu.memory_space<vmem>>) offsets(%dma_start3A_93 : memref<80xi32, #tpu.memory_space<vmem>>) semaphore(%arg7 : memref<!tpu.dma_semaphore, #tpu.memory_space<semaphore_mem>>)
      } else {
      }
      %dma_wait3A_54 = arith.constant 0 : i32
      %dma_wait3A_55 = arith.constant 0 : i32
      %dma_wait3A_56 = tpu.memref_slice %arg6[%rem3A_41, %dma_wait3A_54, %dma_wait3A_55] : memref<2x80x128xf32, #tpu.memory_space<vmem>> -> memref<1x80x128xf32, #tpu.memory_space<vmem>>
      %dma_wait3A_57 = tpu.memref_squeeze %dma_wait3A_56 : memref<1x80x128xf32, #tpu.memory_space<vmem>> -> memref<80x128xf32, #tpu.memory_space<vmem>>
      %dma_wait3A_58 = arith.constant 0 : i32
      %dma_wait3A_59 = tpu.memref_slice %arg5[%rem3A_41, %dma_wait3A_58] : memref<2x80xi32, #tpu.memory_space<vmem>> -> memref<1x80xi32, #tpu.memory_space<vmem>>
      %dma_wait3A_60 = tpu.memref_squeeze %dma_wait3A_59 : memref<1x80xi32, #tpu.memory_space<vmem>> -> memref<80xi32, #tpu.memory_space<vmem>>
      %dma_wait3A_61 = arith.constant 0 : i32
      %dma_wait3A_62 = arith.constant 0 : i32
      %dma_wait3A_63 = tpu.memref_slice %arg3[%dma_wait3A_61, %dma_wait3A_62] : memref<100000x128xf32, #tpu.memory_space<hbm>> -> memref<100000x128xf32, #tpu.memory_space<hbm>>
      tpu.wait_indirect_dma semaphore(%arg7 : memref<!tpu.dma_semaphore, #tpu.memory_space<semaphore_mem>>) src(%dma_wait3A_63 : memref<100000x128xf32, #tpu.memory_space<hbm>>) dst(%dma_wait3A_57 : memref<80x128xf32, #tpu.memory_space<vmem>>)
      %mul3A_64 = arith.constant 80 : i32
      %mul3A_65 = arith.muli %scan3A_38, %mul3A_64 : i32
      %add3A_66 = arith.addi %mul3A_2, %mul3A_65 : i32
      %multiple_of3A_67 = tpu.assume_multiple %add3A_66, 8 : i32
      %dma_start3A_68 = arith.constant 0 : i32
      %dma_start3A_69 = arith.constant 0 : i32
      %dma_start3A_70 = tpu.memref_slice %arg6[%rem3A_41, %dma_start3A_68, %dma_start3A_69] : memref<2x80x128xf32, #tpu.memory_space<vmem>> -> memref<1x80x128xf32, #tpu.memory_space<vmem>>
      %dma_start3A_71 = tpu.memref_squeeze %dma_start3A_70 : memref<1x80x128xf32, #tpu.memory_space<vmem>> -> memref<80x128xf32, #tpu.memory_space<vmem>>
      %dma_start3A_72 = arith.constant 0 : i32
      %dma_start3A_73 = tpu.memref_slice %arg4[%multiple_of3A_67, %dma_start3A_72] : memref<51200x128xf32, #tpu.memory_space<hbm>> -> memref<80x128xf32, #tpu.memory_space<hbm>>
      %dma_start3A_74 = arith.constant 0 : i32
      %dma_start3A_75 = tpu.memref_slice %arg4[%multiple_of3A_67, %dma_start3A_74] : memref<51200x128xf32, #tpu.memory_space<hbm>> -> memref<80x128xf32, #tpu.memory_space<hbm>>
      %dma_start3A_76 = arith.constant 0 : i32
      %dma_start3A_77 = arith.constant 0 : i32
      %dma_start3A_78 = tpu.memref_slice %arg6[%rem3A_41, %dma_start3A_76, %dma_start3A_77] : memref<2x80x128xf32, #tpu.memory_space<vmem>> -> memref<1x80x128xf32, #tpu.memory_space<vmem>>
      %dma_start3A_79 = tpu.memref_squeeze %dma_start3A_78 : memref<1x80x128xf32, #tpu.memory_space<vmem>> -> memref<80x128xf32, #tpu.memory_space<vmem>>
      tpu.enqueue_dma source(%dma_start3A_79 : memref<80x128xf32, #tpu.memory_space<vmem>>) target(%dma_start3A_75 : memref<80x128xf32, #tpu.memory_space<hbm>>) target_semaphore(%arg8 : memref<!tpu.dma_semaphore, #tpu.memory_space<semaphore_mem>>)
      %scan3A_80 = arith.constant 0 : i32
      scf.yield %scan3A_80 : i32
    }
    %scan3A_21 = arith.constant 20 : i32
    %rem3A = arith.constant 19 : i32
    %rem3A_22 = arith.constant 2 : i32
    %rem3A_23 = arith.remsi %rem3A, %rem3A_22 : i32
    %add3A_24 = arith.constant 1520 : i32
    %add3A_25 = arith.addi %mul3A_2, %add3A_24 : i32
    %multiple_of3A_26 = tpu.assume_multiple %add3A_25, 8 : i32
    %dma_wait3A = arith.constant 0 : i32
    %dma_wait3A_27 = arith.constant 0 : i32
    %dma_wait3A_28 = tpu.memref_slice %arg6[%rem3A_23, %dma_wait3A, %dma_wait3A_27] : memref<2x80x128xf32, #tpu.memory_space<vmem>> -> memref<1x80x128xf32, #tpu.memory_space<vmem>>
    %dma_wait3A_29 = tpu.memref_squeeze %dma_wait3A_28 : memref<1x80x128xf32, #tpu.memory_space<vmem>> -> memref<80x128xf32, #tpu.memory_space<vmem>>
    %dma_wait3A_30 = arith.constant 0 : i32
    %dma_wait3A_31 = tpu.memref_slice %arg4[%multiple_of3A_26, %dma_wait3A_30] : memref<51200x128xf32, #tpu.memory_space<hbm>> -> memref<80x128xf32, #tpu.memory_space<hbm>>
    %dma_wait3A_32 = arith.constant 0 : i32
    %dma_wait3A_33 = tpu.memref_slice %arg4[%multiple_of3A_26, %dma_wait3A_32] : memref<51200x128xf32, #tpu.memory_space<hbm>> -> memref<80x128xf32, #tpu.memory_space<hbm>>
    %dma_wait3A_34 = arith.constant 0 : i32
    %dma_wait3A_35 = arith.constant 0 : i32
    %dma_wait3A_36 = tpu.memref_slice %arg6[%rem3A_23, %dma_wait3A_34, %dma_wait3A_35] : memref<2x80x128xf32, #tpu.memory_space<vmem>> -> memref<1x80x128xf32, #tpu.memory_space<vmem>>
    %dma_wait3A_37 = tpu.memref_squeeze %dma_wait3A_36 : memref<1x80x128xf32, #tpu.memory_space<vmem>> -> memref<80x128xf32, #tpu.memory_space<vmem>>
    tpu.wait_dma2 semaphore(%arg8 : memref<!tpu.dma_semaphore, #tpu.memory_space<semaphore_mem>>) src(%dma_wait3A_37 : memref<80x128xf32, #tpu.memory_space<vmem>>) dst(%dma_wait3A_33 : memref<80x128xf32, #tpu.memory_space<hbm>>)
    return
  }
}

#map = affine_map<(d0, d1) -> (0)>
#map1 = affine_map<(d0, d1) -> (0, 0)>
module attributes {stable_mosaic.version = 14 : i64} {
  func.func @gather_kernel(%arg0: i32, %arg1: i32, %arg2: memref<51200xi32, #tpu.memory_space<hbm>>, %arg3: memref<100000x128xf32, #tpu.memory_space<hbm>>, %arg4: memref<51200x128xf32, #tpu.memory_space<hbm>>, %arg5: memref<2x80xi32, #tpu.memory_space<vmem>>, %arg6: memref<2x80x128xf32, #tpu.memory_space<vmem>>, %arg7: memref<!tpu.dma_semaphore, #tpu.memory_space<semaphore_mem>>, %arg8: memref<!tpu.dma_semaphore, #tpu.memory_space<semaphore_mem>>) attributes {dimension_semantics = [#tpu.dimension_semantics<core_parallel>, #tpu.dimension_semantics<subcore_parallel>], iteration_bounds = array<i64: 2, 16>, scalar_prefetch = 0 : i64, scratch_operands = 4 : i64, tpu.core_type = #tpu.core_type<sc_vector_subcore>, window_params = [{transform_indices = #map}, {transform_indices = #map1}, {transform_indices = #map1}]} {
    %mul3A = arith.constant 2 : i32
    %mul3A_0 = arith.muli %arg1, %mul3A : i32
    %add3A = arith.addi %mul3A_0, %arg0 : i32
    %mul3A_1 = arith.constant 1600 : i32
    %mul3A_2 = arith.muli %add3A, %mul3A_1 : i32
    %add3A_3 = arith.constant 0 : i32
    %add3A_4 = arith.addi %mul3A_2, %add3A_3 : i32
    %multiple_of3A = tpu.assume_multiple %add3A_4, 8 : i32
    %run_scoped3A = arith.constant 0 : i32
    "tpu.region"() ({
      %run_scoped3A_38 = tpu.sem_alloc : memref<!tpu.dma_semaphore, #tpu.memory_space<semaphore_mem>>
      %dma_start3A_39 = arith.constant 0 : i32
      %dma_start3A_40 = tpu.memref_slice %arg5[%run_scoped3A, %dma_start3A_39] : memref<2x80xi32, #tpu.memory_space<vmem>> -> memref<1x80xi32, #tpu.memory_space<vmem>>
      %dma_start3A_41 = tpu.memref_squeeze %dma_start3A_40 : memref<1x80xi32, #tpu.memory_space<vmem>> -> memref<80xi32, #tpu.memory_space<vmem>>
      %dma_start3A_42 = tpu.memref_slice %arg2[%multiple_of3A] : memref<51200xi32, #tpu.memory_space<hbm>> -> memref<80xi32, #tpu.memory_space<hbm>>
      %dma_start3A_43 = arith.constant 0 : i32
      %dma_start3A_44 = tpu.memref_slice %arg5[%run_scoped3A, %dma_start3A_43] : memref<2x80xi32, #tpu.memory_space<vmem>> -> memref<1x80xi32, #tpu.memory_space<vmem>>
      %dma_start3A_45 = tpu.memref_squeeze %dma_start3A_44 : memref<1x80xi32, #tpu.memory_space<vmem>> -> memref<80xi32, #tpu.memory_space<vmem>>
      %dma_start3A_46 = tpu.memref_slice %arg2[%multiple_of3A] : memref<51200xi32, #tpu.memory_space<hbm>> -> memref<80xi32, #tpu.memory_space<hbm>>
      tpu.enqueue_dma source(%dma_start3A_46 : memref<80xi32, #tpu.memory_space<hbm>>) target(%dma_start3A_45 : memref<80xi32, #tpu.memory_space<vmem>>) target_semaphore(%run_scoped3A_38 : memref<!tpu.dma_semaphore, #tpu.memory_space<semaphore_mem>>)
      %dma_wait3A_47 = arith.constant 0 : i32
      %dma_wait3A_48 = tpu.memref_slice %arg5[%run_scoped3A, %dma_wait3A_47] : memref<2x80xi32, #tpu.memory_space<vmem>> -> memref<1x80xi32, #tpu.memory_space<vmem>>
      %dma_wait3A_49 = tpu.memref_squeeze %dma_wait3A_48 : memref<1x80xi32, #tpu.memory_space<vmem>> -> memref<80xi32, #tpu.memory_space<vmem>>
      %dma_wait3A_50 = tpu.memref_slice %arg2[%multiple_of3A] : memref<51200xi32, #tpu.memory_space<hbm>> -> memref<80xi32, #tpu.memory_space<hbm>>
      %dma_wait3A_51 = arith.constant 0 : i32
      %dma_wait3A_52 = tpu.memref_slice %arg5[%run_scoped3A, %dma_wait3A_51] : memref<2x80xi32, #tpu.memory_space<vmem>> -> memref<1x80xi32, #tpu.memory_space<vmem>>
      %dma_wait3A_53 = tpu.memref_squeeze %dma_wait3A_52 : memref<1x80xi32, #tpu.memory_space<vmem>> -> memref<80xi32, #tpu.memory_space<vmem>>
      %dma_wait3A_54 = tpu.memref_slice %arg2[%multiple_of3A] : memref<51200xi32, #tpu.memory_space<hbm>> -> memref<80xi32, #tpu.memory_space<hbm>>
      tpu.wait_dma2 semaphore(%run_scoped3A_38 : memref<!tpu.dma_semaphore, #tpu.memory_space<semaphore_mem>>) src(%dma_wait3A_54 : memref<80xi32, #tpu.memory_space<hbm>>) dst(%dma_wait3A_53 : memref<80xi32, #tpu.memory_space<vmem>>)
      tpu.yield
    }) : () -> ()
    %dma_start3A = arith.constant 0 : i32
    %dma_start3A_5 = arith.constant 0 : i32
    %dma_start3A_6 = arith.constant 0 : i32
    %dma_start3A_7 = arith.constant 0 : i32
    %dma_start3A_8 = tpu.memref_slice %arg6[%dma_start3A_5, %dma_start3A_6, %dma_start3A_7] : memref<2x80x128xf32, #tpu.memory_space<vmem>> -> memref<1x80x128xf32, #tpu.memory_space<vmem>>
    %dma_start3A_9 = tpu.memref_squeeze %dma_start3A_8 : memref<1x80x128xf32, #tpu.memory_space<vmem>> -> memref<80x128xf32, #tpu.memory_space<vmem>>
    %dma_start3A_10 = arith.constant 0 : i32
    %dma_start3A_11 = tpu.memref_slice %arg5[%dma_start3A, %dma_start3A_10] : memref<2x80xi32, #tpu.memory_space<vmem>> -> memref<1x80xi32, #tpu.memory_space<vmem>>
    %dma_start3A_12 = tpu.memref_squeeze %dma_start3A_11 : memref<1x80xi32, #tpu.memory_space<vmem>> -> memref<80xi32, #tpu.memory_space<vmem>>
    %dma_start3A_13 = arith.constant 0 : i32
    %dma_start3A_14 = arith.constant 0 : i32
    %dma_start3A_15 = tpu.memref_slice %arg3[%dma_start3A_13, %dma_start3A_14] : memref<100000x128xf32, #tpu.memory_space<hbm>> -> memref<100000x128xf32, #tpu.memory_space<hbm>>
    tpu.enqueue_indirect_dma source(%dma_start3A_15 : memref<100000x128xf32, #tpu.memory_space<hbm>>) target(%dma_start3A_9 : memref<80x128xf32, #tpu.memory_space<vmem>>) offsets(%dma_start3A_12 : memref<80xi32, #tpu.memory_space<vmem>>) semaphore(%arg7 : memref<!tpu.dma_semaphore, #tpu.memory_space<semaphore_mem>>)
    %scan3A = arith.constant 0 : i32
    %scan3A_16 = arith.constant 0 : i32
    %scan3A_17 = arith.constant 20 : i32
    %scan3A_18 = arith.addi %scan3A_16, %scan3A_17 : i32
    %scan3A_19 = arith.constant 1 : i32
    %scan3A_20 = scf.for %scan3A_38 = %scan3A_16 to %scan3A_18 step %scan3A_19 iter_args(%scan3A_39 = %scan3A) -> (i32)  : i32 {
      %rem3A_40 = arith.constant 2 : i32
      %rem3A_41 = arith.remsi %scan3A_38, %rem3A_40 : i32
      %add3A_42 = arith.constant 1 : i32
      %add3A_43 = arith.addi %scan3A_38, %add3A_42 : i32
      %rem3A_44 = arith.constant 2 : i32
      %rem3A_45 = arith.remsi %add3A_43, %rem3A_44 : i32
      %gt3A = arith.constant 0 : i32
      %gt3A_46 = arith.cmpi sgt, %scan3A_38, %gt3A : i32
      %convert_element_type3A = arith.extui %gt3A_46 : i1 to i32
      %cond3A = arith.constant 0 : i32
      %cond3A_47 = arith.cmpi ne, %convert_element_type3A, %cond3A : i32
      scf.if %cond3A_47 {
        %sub3A = arith.constant 1 : i32
        %sub3A_81 = arith.subi %scan3A_38, %sub3A : i32
        %mul3A_82 = arith.constant 80 : i32
        %mul3A_83 = arith.muli %sub3A_81, %mul3A_82 : i32
        %add3A_84 = arith.addi %mul3A_2, %mul3A_83 : i32
        %multiple_of3A_85 = tpu.assume_multiple %add3A_84, 8 : i32
        %dma_wait3A_86 = arith.constant 0 : i32
        %dma_wait3A_87 = arith.constant 0 : i32
        %dma_wait3A_88 = tpu.memref_slice %arg6[%rem3A_45, %dma_wait3A_86, %dma_wait3A_87] : memref<2x80x128xf32, #tpu.memory_space<vmem>> -> memref<1x80x128xf32, #tpu.memory_space<vmem>>
        %dma_wait3A_89 = tpu.memref_squeeze %dma_wait3A_88 : memref<1x80x128xf32, #tpu.memory_space<vmem>> -> memref<80x128xf32, #tpu.memory_space<vmem>>
        %dma_wait3A_90 = arith.constant 0 : i32
        %dma_wait3A_91 = tpu.memref_slice %arg4[%multiple_of3A_85, %dma_wait3A_90] : memref<51200x128xf32, #tpu.memory_space<hbm>> -> memref<80x128xf32, #tpu.memory_space<hbm>>
        %dma_wait3A_92 = arith.constant 0 : i32
        %dma_wait3A_93 = tpu.memref_slice %arg4[%multiple_of3A_85, %dma_wait3A_92] : memref<51200x128xf32, #tpu.memory_space<hbm>> -> memref<80x128xf32, #tpu.memory_space<hbm>>
        %dma_wait3A_94 = arith.constant 0 : i32
        %dma_wait3A_95 = arith.constant 0 : i32
        %dma_wait3A_96 = tpu.memref_slice %arg6[%rem3A_45, %dma_wait3A_94, %dma_wait3A_95] : memref<2x80x128xf32, #tpu.memory_space<vmem>> -> memref<1x80x128xf32, #tpu.memory_space<vmem>>
        %dma_wait3A_97 = tpu.memref_squeeze %dma_wait3A_96 : memref<1x80x128xf32, #tpu.memory_space<vmem>> -> memref<80x128xf32, #tpu.memory_space<vmem>>
        tpu.wait_dma2 semaphore(%arg8 : memref<!tpu.dma_semaphore, #tpu.memory_space<semaphore_mem>>) src(%dma_wait3A_97 : memref<80x128xf32, #tpu.memory_space<vmem>>) dst(%dma_wait3A_93 : memref<80x128xf32, #tpu.memory_space<hbm>>)
      } else {
      }
      %add3A_48 = arith.constant 1 : i32
      %add3A_49 = arith.addi %scan3A_38, %add3A_48 : i32
      %lt3A = arith.constant 20 : i32
      %lt3A_50 = arith.cmpi slt, %add3A_49, %lt3A : i32
      %convert_element_type3A_51 = arith.extui %lt3A_50 : i1 to i32
      %cond3A_52 = arith.constant 0 : i32
      %cond3A_53 = arith.cmpi ne, %convert_element_type3A_51, %cond3A_52 : i32
      scf.if %cond3A_53 {
        %add3A_81 = arith.constant 1 : i32
        %add3A_82 = arith.addi %scan3A_38, %add3A_81 : i32
        %mul3A_83 = arith.constant 80 : i32
        %mul3A_84 = arith.muli %add3A_82, %mul3A_83 : i32
        %add3A_85 = arith.addi %mul3A_2, %mul3A_84 : i32
        %multiple_of3A_86 = tpu.assume_multiple %add3A_85, 8 : i32
        "tpu.region"() ({
          %run_scoped3A_97 = tpu.sem_alloc : memref<!tpu.dma_semaphore, #tpu.memory_space<semaphore_mem>>
          %dma_start3A_98 = arith.constant 0 : i32
          %dma_start3A_99 = tpu.memref_slice %arg5[%rem3A_45, %dma_start3A_98] : memref<2x80xi32, #tpu.memory_space<vmem>> -> memref<1x80xi32, #tpu.memory_space<vmem>>
          %dma_start3A_100 = tpu.memref_squeeze %dma_start3A_99 : memref<1x80xi32, #tpu.memory_space<vmem>> -> memref<80xi32, #tpu.memory_space<vmem>>
          %dma_start3A_101 = tpu.memref_slice %arg2[%multiple_of3A_86] : memref<51200xi32, #tpu.memory_space<hbm>> -> memref<80xi32, #tpu.memory_space<hbm>>
          %dma_start3A_102 = arith.constant 0 : i32
          %dma_start3A_103 = tpu.memref_slice %arg5[%rem3A_45, %dma_start3A_102] : memref<2x80xi32, #tpu.memory_space<vmem>> -> memref<1x80xi32, #tpu.memory_space<vmem>>
          %dma_start3A_104 = tpu.memref_squeeze %dma_start3A_103 : memref<1x80xi32, #tpu.memory_space<vmem>> -> memref<80xi32, #tpu.memory_space<vmem>>
          %dma_start3A_105 = tpu.memref_slice %arg2[%multiple_of3A_86] : memref<51200xi32, #tpu.memory_space<hbm>> -> memref<80xi32, #tpu.memory_space<hbm>>
          tpu.enqueue_dma source(%dma_start3A_105 : memref<80xi32, #tpu.memory_space<hbm>>) target(%dma_start3A_104 : memref<80xi32, #tpu.memory_space<vmem>>) target_semaphore(%run_scoped3A_97 : memref<!tpu.dma_semaphore, #tpu.memory_space<semaphore_mem>>)
          %dma_wait3A_106 = arith.constant 0 : i32
          %dma_wait3A_107 = tpu.memref_slice %arg5[%rem3A_45, %dma_wait3A_106] : memref<2x80xi32, #tpu.memory_space<vmem>> -> memref<1x80xi32, #tpu.memory_space<vmem>>
          %dma_wait3A_108 = tpu.memref_squeeze %dma_wait3A_107 : memref<1x80xi32, #tpu.memory_space<vmem>> -> memref<80xi32, #tpu.memory_space<vmem>>
          %dma_wait3A_109 = tpu.memref_slice %arg2[%multiple_of3A_86] : memref<51200xi32, #tpu.memory_space<hbm>> -> memref<80xi32, #tpu.memory_space<hbm>>
          %dma_wait3A_110 = arith.constant 0 : i32
          %dma_wait3A_111 = tpu.memref_slice %arg5[%rem3A_45, %dma_wait3A_110] : memref<2x80xi32, #tpu.memory_space<vmem>> -> memref<1x80xi32, #tpu.memory_space<vmem>>
          %dma_wait3A_112 = tpu.memref_squeeze %dma_wait3A_111 : memref<1x80xi32, #tpu.memory_space<vmem>> -> memref<80xi32, #tpu.memory_space<vmem>>
          %dma_wait3A_113 = tpu.memref_slice %arg2[%multiple_of3A_86] : memref<51200xi32, #tpu.memory_space<hbm>> -> memref<80xi32, #tpu.memory_space<hbm>>
          tpu.wait_dma2 semaphore(%run_scoped3A_97 : memref<!tpu.dma_semaphore, #tpu.memory_space<semaphore_mem>>) src(%dma_wait3A_113 : memref<80xi32, #tpu.memory_space<hbm>>) dst(%dma_wait3A_112 : memref<80xi32, #tpu.memory_space<vmem>>)
          tpu.yield
        }) : () -> ()
        %dma_start3A_87 = arith.constant 0 : i32
        %dma_start3A_88 = arith.constant 0 : i32
        %dma_start3A_89 = tpu.memref_slice %arg6[%rem3A_45, %dma_start3A_87, %dma_start3A_88] : memref<2x80x128xf32, #tpu.memory_space<vmem>> -> memref<1x80x128xf32, #tpu.memory_space<vmem>>
        %dma_start3A_90 = tpu.memref_squeeze %dma_start3A_89 : memref<1x80x128xf32, #tpu.memory_space<vmem>> -> memref<80x128xf32, #tpu.memory_space<vmem>>
        %dma_start3A_91 = arith.constant 0 : i32
        %dma_start3A_92 = tpu.memref_slice %arg5[%rem3A_45, %dma_start3A_91] : memref<2x80xi32, #tpu.memory_space<vmem>> -> memref<1x80xi32, #tpu.memory_space<vmem>>
        %dma_start3A_93 = tpu.memref_squeeze %dma_start3A_92 : memref<1x80xi32, #tpu.memory_space<vmem>> -> memref<80xi32, #tpu.memory_space<vmem>>
        %dma_start3A_94 = arith.constant 0 : i32
        %dma_start3A_95 = arith.constant 0 : i32
        %dma_start3A_96 = tpu.memref_slice %arg3[%dma_start3A_94, %dma_start3A_95] : memref<100000x128xf32, #tpu.memory_space<hbm>> -> memref<100000x128xf32, #tpu.memory_space<hbm>>
        tpu.enqueue_indirect_dma source(%dma_start3A_96 : memref<100000x128xf32, #tpu.memory_space<hbm>>) target(%dma_start3A_90 : memref<80x128xf32, #tpu.memory_space<vmem>>) offsets(%dma_start3A_93 : memref<80xi32, #tpu.memory_space<vmem>>) semaphore(%arg7 : memref<!tpu.dma_semaphore, #tpu.memory_space<semaphore_mem>>)
      } else {
      }
      %dma_wait3A_54 = arith.constant 0 : i32
      %dma_wait3A_55 = arith.constant 0 : i32
      %dma_wait3A_56 = tpu.memref_slice %arg6[%rem3A_41, %dma_wait3A_54, %dma_wait3A_55] : memref<2x80x128xf32, #tpu.memory_space<vmem>> -> memref<1x80x128xf32, #tpu.memory_space<vmem>>
      %dma_wait3A_57 = tpu.memref_squeeze %dma_wait3A_56 : memref<1x80x128xf32, #tpu.memory_space<vmem>> -> memref<80x128xf32, #tpu.memory_space<vmem>>
      %dma_wait3A_58 = arith.constant 0 : i32
      %dma_wait3A_59 = tpu.memref_slice %arg5[%rem3A_41, %dma_wait3A_58] : memref<2x80xi32, #tpu.memory_space<vmem>> -> memref<1x80xi32, #tpu.memory_space<vmem>>
      %dma_wait3A_60 = tpu.memref_squeeze %dma_wait3A_59 : memref<1x80xi32, #tpu.memory_space<vmem>> -> memref<80xi32, #tpu.memory_space<vmem>>
      %dma_wait3A_61 = arith.constant 0 : i32
      %dma_wait3A_62 = arith.constant 0 : i32
      %dma_wait3A_63 = tpu.memref_slice %arg3[%dma_wait3A_61, %dma_wait3A_62] : memref<100000x128xf32, #tpu.memory_space<hbm>> -> memref<100000x128xf32, #tpu.memory_space<hbm>>
      tpu.wait_indirect_dma semaphore(%arg7 : memref<!tpu.dma_semaphore, #tpu.memory_space<semaphore_mem>>) src(%dma_wait3A_63 : memref<100000x128xf32, #tpu.memory_space<hbm>>) dst(%dma_wait3A_57 : memref<80x128xf32, #tpu.memory_space<vmem>>)
      %mul3A_64 = arith.constant 80 : i32
      %mul3A_65 = arith.muli %scan3A_38, %mul3A_64 : i32
      %add3A_66 = arith.addi %mul3A_2, %mul3A_65 : i32
      %multiple_of3A_67 = tpu.assume_multiple %add3A_66, 8 : i32
      %dma_start3A_68 = arith.constant 0 : i32
      %dma_start3A_69 = arith.constant 0 : i32
      %dma_start3A_70 = tpu.memref_slice %arg6[%rem3A_41, %dma_start3A_68, %dma_start3A_69] : memref<2x80x128xf32, #tpu.memory_space<vmem>> -> memref<1x80x128xf32, #tpu.memory_space<vmem>>
      %dma_start3A_71 = tpu.memref_squeeze %dma_start3A_70 : memref<1x80x128xf32, #tpu.memory_space<vmem>> -> memref<80x128xf32, #tpu.memory_space<vmem>>
      %dma_start3A_72 = arith.constant 0 : i32
      %dma_start3A_73 = tpu.memref_slice %arg4[%multiple_of3A_67, %dma_start3A_72] : memref<51200x128xf32, #tpu.memory_space<hbm>> -> memref<80x128xf32, #tpu.memory_space<hbm>>
      %dma_start3A_74 = arith.constant 0 : i32
      %dma_start3A_75 = tpu.memref_slice %arg4[%multiple_of3A_67, %dma_start3A_74] : memref<51200x128xf32, #tpu.memory_space<hbm>> -> memref<80x128xf32, #tpu.memory_space<hbm>>
      %dma_start3A_76 = arith.constant 0 : i32
      %dma_start3A_77 = arith.constant 0 : i32
      %dma_start3A_78 = tpu.memref_slice %arg6[%rem3A_41, %dma_start3A_76, %dma_start3A_77] : memref<2x80x128xf32, #tpu.memory_space<vmem>> -> memref<1x80x128xf32, #tpu.memory_space<vmem>>
      %dma_start3A_79 = tpu.memref_squeeze %dma_start3A_78 : memref<1x80x128xf32, #tpu.memory_space<vmem>> -> memref<80x128xf32, #tpu.memory_space<vmem>>
      tpu.enqueue_dma source(%dma_start3A_79 : memref<80x128xf32, #tpu.memory_space<vmem>>) target(%dma_start3A_75 : memref<80x128xf32, #tpu.memory_space<hbm>>) target_semaphore(%arg8 : memref<!tpu.dma_semaphore, #tpu.memory_space<semaphore_mem>>)
      %scan3A_80 = arith.constant 0 : i32
      scf.yield %scan3A_80 : i32
    }
    %scan3A_21 = arith.constant 20 : i32
    %rem3A = arith.constant 19 : i32
    %rem3A_22 = arith.constant 2 : i32
    %rem3A_23 = arith.remsi %rem3A, %rem3A_22 : i32
    %add3A_24 = arith.constant 1520 : i32
    %add3A_25 = arith.addi %mul3A_2, %add3A_24 : i32
    %multiple_of3A_26 = tpu.assume_multiple %add3A_25, 8 : i32
    %dma_wait3A = arith.constant 0 : i32
    %dma_wait3A_27 = arith.constant 0 : i32
    %dma_wait3A_28 = tpu.memref_slice %arg6[%rem3A_23, %dma_wait3A, %dma_wait3A_27] : memref<2x80x128xf32, #tpu.memory_space<vmem>> -> memref<1x80x128xf32, #tpu.memory_space<vmem>>
    %dma_wait3A_29 = tpu.memref_squeeze %dma_wait3A_28 : memref<1x80x128xf32, #tpu.memory_space<vmem>> -> memref<80x128xf32, #tpu.memory_space<vmem>>
    %dma_wait3A_30 = arith.constant 0 : i32
    %dma_wait3A_31 = tpu.memref_slice %arg4[%multiple_of3A_26, %dma_wait3A_30] : memref<51200x128xf32, #tpu.memory_space<hbm>> -> memref<80x128xf32, #tpu.memory_space<hbm>>
    %dma_wait3A_32 = arith.constant 0 : i32
    %dma_wait3A_33 = tpu.memref_slice %arg4[%multiple_of3A_26, %dma_wait3A_32] : memref<51200x128xf32, #tpu.memory_space<hbm>> -> memref<80x128xf32, #tpu.memory_space<hbm>>
    %dma_wait3A_34 = arith.constant 0 : i32
    %dma_wait3A_35 = arith.constant 0 : i32
    %dma_wait3A_36 = tpu.memref_slice %arg6[%rem3A_23, %dma_wait3A_34, %dma_wait3A_35] : memref<2x80x128xf32, #tpu.memory_space<vmem>> -> memref<1x80x128xf32, #tpu.memory_space<vmem>>
    %dma_wait3A_37 = tpu.memref_squeeze %dma_wait3A_36 : memref<1x80x128xf32, #tpu.memory_space<vmem>> -> memref<80x128xf32, #tpu.memory_space<vmem>>
    tpu.wait_dma2 semaphore(%arg8 : memref<!tpu.dma_semaphore, #tpu.memory_space<semaphore_mem>>) src(%dma_wait3A_37 : memref<80x128xf32, #tpu.memory_space<vmem>>) dst(%dma_wait3A_33 : memref<80x128xf32, #tpu.memory_space<hbm>>)
    return
  }
}

#map = affine_map<(d0, d1) -> (0)>
#map1 = affine_map<(d0, d1) -> (0, 0)>
module attributes {stable_mosaic.version = 14 : i64} {
  func.func @gather_kernel(%arg0: i32, %arg1: i32, %arg2: memref<51200xi32, #tpu.memory_space<hbm>>, %arg3: memref<100000x128xf32, #tpu.memory_space<hbm>>, %arg4: memref<51200x128xf32, #tpu.memory_space<hbm>>, %arg5: memref<2x80xi32, #tpu.memory_space<vmem>>, %arg6: memref<2x80x128xf32, #tpu.memory_space<vmem>>, %arg7: memref<!tpu.dma_semaphore, #tpu.memory_space<semaphore_mem>>, %arg8: memref<!tpu.dma_semaphore, #tpu.memory_space<semaphore_mem>>) attributes {dimension_semantics = [#tpu.dimension_semantics<core_parallel>, #tpu.dimension_semantics<subcore_parallel>], iteration_bounds = array<i64: 2, 16>, scalar_prefetch = 0 : i64, scratch_operands = 4 : i64, tpu.core_type = #tpu.core_type<sc_vector_subcore>, window_params = [{transform_indices = #map}, {transform_indices = #map1}, {transform_indices = #map1}]} {
    %mul3A = arith.constant 2 : i32
    %mul3A_0 = arith.muli %arg1, %mul3A : i32
    %add3A = arith.addi %mul3A_0, %arg0 : i32
    %mul3A_1 = arith.constant 1600 : i32
    %mul3A_2 = arith.muli %add3A, %mul3A_1 : i32
    %add3A_3 = arith.constant 0 : i32
    %add3A_4 = arith.addi %mul3A_2, %add3A_3 : i32
    %multiple_of3A = tpu.assume_multiple %add3A_4, 8 : i32
    %run_scoped3A = arith.constant 0 : i32
    "tpu.region"() ({
      %run_scoped3A_38 = tpu.sem_alloc : memref<!tpu.dma_semaphore, #tpu.memory_space<semaphore_mem>>
      %dma_start3A_39 = arith.constant 0 : i32
      %dma_start3A_40 = tpu.memref_slice %arg5[%run_scoped3A, %dma_start3A_39] : memref<2x80xi32, #tpu.memory_space<vmem>> -> memref<1x80xi32, #tpu.memory_space<vmem>>
      %dma_start3A_41 = tpu.memref_squeeze %dma_start3A_40 : memref<1x80xi32, #tpu.memory_space<vmem>> -> memref<80xi32, #tpu.memory_space<vmem>>
      %dma_start3A_42 = tpu.memref_slice %arg2[%multiple_of3A] : memref<51200xi32, #tpu.memory_space<hbm>> -> memref<80xi32, #tpu.memory_space<hbm>>
      %dma_start3A_43 = arith.constant 0 : i32
      %dma_start3A_44 = tpu.memref_slice %arg5[%run_scoped3A, %dma_start3A_43] : memref<2x80xi32, #tpu.memory_space<vmem>> -> memref<1x80xi32, #tpu.memory_space<vmem>>
      %dma_start3A_45 = tpu.memref_squeeze %dma_start3A_44 : memref<1x80xi32, #tpu.memory_space<vmem>> -> memref<80xi32, #tpu.memory_space<vmem>>
      %dma_start3A_46 = tpu.memref_slice %arg2[%multiple_of3A] : memref<51200xi32, #tpu.memory_space<hbm>> -> memref<80xi32, #tpu.memory_space<hbm>>
      tpu.enqueue_dma source(%dma_start3A_46 : memref<80xi32, #tpu.memory_space<hbm>>) target(%dma_start3A_45 : memref<80xi32, #tpu.memory_space<vmem>>) target_semaphore(%run_scoped3A_38 : memref<!tpu.dma_semaphore, #tpu.memory_space<semaphore_mem>>)
      %dma_wait3A_47 = arith.constant 0 : i32
      %dma_wait3A_48 = tpu.memref_slice %arg5[%run_scoped3A, %dma_wait3A_47] : memref<2x80xi32, #tpu.memory_space<vmem>> -> memref<1x80xi32, #tpu.memory_space<vmem>>
      %dma_wait3A_49 = tpu.memref_squeeze %dma_wait3A_48 : memref<1x80xi32, #tpu.memory_space<vmem>> -> memref<80xi32, #tpu.memory_space<vmem>>
      %dma_wait3A_50 = tpu.memref_slice %arg2[%multiple_of3A] : memref<51200xi32, #tpu.memory_space<hbm>> -> memref<80xi32, #tpu.memory_space<hbm>>
      %dma_wait3A_51 = arith.constant 0 : i32
      %dma_wait3A_52 = tpu.memref_slice %arg5[%run_scoped3A, %dma_wait3A_51] : memref<2x80xi32, #tpu.memory_space<vmem>> -> memref<1x80xi32, #tpu.memory_space<vmem>>
      %dma_wait3A_53 = tpu.memref_squeeze %dma_wait3A_52 : memref<1x80xi32, #tpu.memory_space<vmem>> -> memref<80xi32, #tpu.memory_space<vmem>>
      %dma_wait3A_54 = tpu.memref_slice %arg2[%multiple_of3A] : memref<51200xi32, #tpu.memory_space<hbm>> -> memref<80xi32, #tpu.memory_space<hbm>>
      tpu.wait_dma2 semaphore(%run_scoped3A_38 : memref<!tpu.dma_semaphore, #tpu.memory_space<semaphore_mem>>) src(%dma_wait3A_54 : memref<80xi32, #tpu.memory_space<hbm>>) dst(%dma_wait3A_53 : memref<80xi32, #tpu.memory_space<vmem>>)
      tpu.yield
    }) : () -> ()
    %dma_start3A = arith.constant 0 : i32
    %dma_start3A_5 = arith.constant 0 : i32
    %dma_start3A_6 = arith.constant 0 : i32
    %dma_start3A_7 = arith.constant 0 : i32
    %dma_start3A_8 = tpu.memref_slice %arg6[%dma_start3A_5, %dma_start3A_6, %dma_start3A_7] : memref<2x80x128xf32, #tpu.memory_space<vmem>> -> memref<1x80x128xf32, #tpu.memory_space<vmem>>
    %dma_start3A_9 = tpu.memref_squeeze %dma_start3A_8 : memref<1x80x128xf32, #tpu.memory_space<vmem>> -> memref<80x128xf32, #tpu.memory_space<vmem>>
    %dma_start3A_10 = arith.constant 0 : i32
    %dma_start3A_11 = tpu.memref_slice %arg5[%dma_start3A, %dma_start3A_10] : memref<2x80xi32, #tpu.memory_space<vmem>> -> memref<1x80xi32, #tpu.memory_space<vmem>>
    %dma_start3A_12 = tpu.memref_squeeze %dma_start3A_11 : memref<1x80xi32, #tpu.memory_space<vmem>> -> memref<80xi32, #tpu.memory_space<vmem>>
    %dma_start3A_13 = arith.constant 0 : i32
    %dma_start3A_14 = arith.constant 0 : i32
    %dma_start3A_15 = tpu.memref_slice %arg3[%dma_start3A_13, %dma_start3A_14] : memref<100000x128xf32, #tpu.memory_space<hbm>> -> memref<100000x128xf32, #tpu.memory_space<hbm>>
    tpu.enqueue_indirect_dma source(%dma_start3A_15 : memref<100000x128xf32, #tpu.memory_space<hbm>>) target(%dma_start3A_9 : memref<80x128xf32, #tpu.memory_space<vmem>>) offsets(%dma_start3A_12 : memref<80xi32, #tpu.memory_space<vmem>>) semaphore(%arg7 : memref<!tpu.dma_semaphore, #tpu.memory_space<semaphore_mem>>)
    %scan3A = arith.constant 0 : i32
    %scan3A_16 = arith.constant 0 : i32
    %scan3A_17 = arith.constant 20 : i32
    %scan3A_18 = arith.addi %scan3A_16, %scan3A_17 : i32
    %scan3A_19 = arith.constant 1 : i32
    %scan3A_20 = scf.for %scan3A_38 = %scan3A_16 to %scan3A_18 step %scan3A_19 iter_args(%scan3A_39 = %scan3A) -> (i32)  : i32 {
      %rem3A_40 = arith.constant 2 : i32
      %rem3A_41 = arith.remsi %scan3A_38, %rem3A_40 : i32
      %add3A_42 = arith.constant 1 : i32
      %add3A_43 = arith.addi %scan3A_38, %add3A_42 : i32
      %rem3A_44 = arith.constant 2 : i32
      %rem3A_45 = arith.remsi %add3A_43, %rem3A_44 : i32
      %gt3A = arith.constant 0 : i32
      %gt3A_46 = arith.cmpi sgt, %scan3A_38, %gt3A : i32
      %convert_element_type3A = arith.extui %gt3A_46 : i1 to i32
      %cond3A = arith.constant 0 : i32
      %cond3A_47 = arith.cmpi ne, %convert_element_type3A, %cond3A : i32
      scf.if %cond3A_47 {
        %sub3A = arith.constant 1 : i32
        %sub3A_81 = arith.subi %scan3A_38, %sub3A : i32
        %mul3A_82 = arith.constant 80 : i32
        %mul3A_83 = arith.muli %sub3A_81, %mul3A_82 : i32
        %add3A_84 = arith.addi %mul3A_2, %mul3A_83 : i32
        %multiple_of3A_85 = tpu.assume_multiple %add3A_84, 8 : i32
        %dma_wait3A_86 = arith.constant 0 : i32
        %dma_wait3A_87 = arith.constant 0 : i32
        %dma_wait3A_88 = tpu.memref_slice %arg6[%rem3A_45, %dma_wait3A_86, %dma_wait3A_87] : memref<2x80x128xf32, #tpu.memory_space<vmem>> -> memref<1x80x128xf32, #tpu.memory_space<vmem>>
        %dma_wait3A_89 = tpu.memref_squeeze %dma_wait3A_88 : memref<1x80x128xf32, #tpu.memory_space<vmem>> -> memref<80x128xf32, #tpu.memory_space<vmem>>
        %dma_wait3A_90 = arith.constant 0 : i32
        %dma_wait3A_91 = tpu.memref_slice %arg4[%multiple_of3A_85, %dma_wait3A_90] : memref<51200x128xf32, #tpu.memory_space<hbm>> -> memref<80x128xf32, #tpu.memory_space<hbm>>
        %dma_wait3A_92 = arith.constant 0 : i32
        %dma_wait3A_93 = tpu.memref_slice %arg4[%multiple_of3A_85, %dma_wait3A_92] : memref<51200x128xf32, #tpu.memory_space<hbm>> -> memref<80x128xf32, #tpu.memory_space<hbm>>
        %dma_wait3A_94 = arith.constant 0 : i32
        %dma_wait3A_95 = arith.constant 0 : i32
        %dma_wait3A_96 = tpu.memref_slice %arg6[%rem3A_45, %dma_wait3A_94, %dma_wait3A_95] : memref<2x80x128xf32, #tpu.memory_space<vmem>> -> memref<1x80x128xf32, #tpu.memory_space<vmem>>
        %dma_wait3A_97 = tpu.memref_squeeze %dma_wait3A_96 : memref<1x80x128xf32, #tpu.memory_space<vmem>> -> memref<80x128xf32, #tpu.memory_space<vmem>>
        tpu.wait_dma2 semaphore(%arg8 : memref<!tpu.dma_semaphore, #tpu.memory_space<semaphore_mem>>) src(%dma_wait3A_97 : memref<80x128xf32, #tpu.memory_space<vmem>>) dst(%dma_wait3A_93 : memref<80x128xf32, #tpu.memory_space<hbm>>)
      } else {
      }
      %add3A_48 = arith.constant 1 : i32
      %add3A_49 = arith.addi %scan3A_38, %add3A_48 : i32
      %lt3A = arith.constant 20 : i32
      %lt3A_50 = arith.cmpi slt, %add3A_49, %lt3A : i32
      %convert_element_type3A_51 = arith.extui %lt3A_50 : i1 to i32
      %cond3A_52 = arith.constant 0 : i32
      %cond3A_53 = arith.cmpi ne, %convert_element_type3A_51, %cond3A_52 : i32
      scf.if %cond3A_53 {
        %add3A_81 = arith.constant 1 : i32
        %add3A_82 = arith.addi %scan3A_38, %add3A_81 : i32
        %mul3A_83 = arith.constant 80 : i32
        %mul3A_84 = arith.muli %add3A_82, %mul3A_83 : i32
        %add3A_85 = arith.addi %mul3A_2, %mul3A_84 : i32
        %multiple_of3A_86 = tpu.assume_multiple %add3A_85, 8 : i32
        "tpu.region"() ({
          %run_scoped3A_97 = tpu.sem_alloc : memref<!tpu.dma_semaphore, #tpu.memory_space<semaphore_mem>>
          %dma_start3A_98 = arith.constant 0 : i32
          %dma_start3A_99 = tpu.memref_slice %arg5[%rem3A_45, %dma_start3A_98] : memref<2x80xi32, #tpu.memory_space<vmem>> -> memref<1x80xi32, #tpu.memory_space<vmem>>
          %dma_start3A_100 = tpu.memref_squeeze %dma_start3A_99 : memref<1x80xi32, #tpu.memory_space<vmem>> -> memref<80xi32, #tpu.memory_space<vmem>>
          %dma_start3A_101 = tpu.memref_slice %arg2[%multiple_of3A_86] : memref<51200xi32, #tpu.memory_space<hbm>> -> memref<80xi32, #tpu.memory_space<hbm>>
          %dma_start3A_102 = arith.constant 0 : i32
          %dma_start3A_103 = tpu.memref_slice %arg5[%rem3A_45, %dma_start3A_102] : memref<2x80xi32, #tpu.memory_space<vmem>> -> memref<1x80xi32, #tpu.memory_space<vmem>>
          %dma_start3A_104 = tpu.memref_squeeze %dma_start3A_103 : memref<1x80xi32, #tpu.memory_space<vmem>> -> memref<80xi32, #tpu.memory_space<vmem>>
          %dma_start3A_105 = tpu.memref_slice %arg2[%multiple_of3A_86] : memref<51200xi32, #tpu.memory_space<hbm>> -> memref<80xi32, #tpu.memory_space<hbm>>
          tpu.enqueue_dma source(%dma_start3A_105 : memref<80xi32, #tpu.memory_space<hbm>>) target(%dma_start3A_104 : memref<80xi32, #tpu.memory_space<vmem>>) target_semaphore(%run_scoped3A_97 : memref<!tpu.dma_semaphore, #tpu.memory_space<semaphore_mem>>)
          %dma_wait3A_106 = arith.constant 0 : i32
          %dma_wait3A_107 = tpu.memref_slice %arg5[%rem3A_45, %dma_wait3A_106] : memref<2x80xi32, #tpu.memory_space<vmem>> -> memref<1x80xi32, #tpu.memory_space<vmem>>
          %dma_wait3A_108 = tpu.memref_squeeze %dma_wait3A_107 : memref<1x80xi32, #tpu.memory_space<vmem>> -> memref<80xi32, #tpu.memory_space<vmem>>
          %dma_wait3A_109 = tpu.memref_slice %arg2[%multiple_of3A_86] : memref<51200xi32, #tpu.memory_space<hbm>> -> memref<80xi32, #tpu.memory_space<hbm>>
          %dma_wait3A_110 = arith.constant 0 : i32
          %dma_wait3A_111 = tpu.memref_slice %arg5[%rem3A_45, %dma_wait3A_110] : memref<2x80xi32, #tpu.memory_space<vmem>> -> memref<1x80xi32, #tpu.memory_space<vmem>>
          %dma_wait3A_112 = tpu.memref_squeeze %dma_wait3A_111 : memref<1x80xi32, #tpu.memory_space<vmem>> -> memref<80xi32, #tpu.memory_space<vmem>>
          %dma_wait3A_113 = tpu.memref_slice %arg2[%multiple_of3A_86] : memref<51200xi32, #tpu.memory_space<hbm>> -> memref<80xi32, #tpu.memory_space<hbm>>
          tpu.wait_dma2 semaphore(%run_scoped3A_97 : memref<!tpu.dma_semaphore, #tpu.memory_space<semaphore_mem>>) src(%dma_wait3A_113 : memref<80xi32, #tpu.memory_space<hbm>>) dst(%dma_wait3A_112 : memref<80xi32, #tpu.memory_space<vmem>>)
          tpu.yield
        }) : () -> ()
        %dma_start3A_87 = arith.constant 0 : i32
        %dma_start3A_88 = arith.constant 0 : i32
        %dma_start3A_89 = tpu.memref_slice %arg6[%rem3A_45, %dma_start3A_87, %dma_start3A_88] : memref<2x80x128xf32, #tpu.memory_space<vmem>> -> memref<1x80x128xf32, #tpu.memory_space<vmem>>
        %dma_start3A_90 = tpu.memref_squeeze %dma_start3A_89 : memref<1x80x128xf32, #tpu.memory_space<vmem>> -> memref<80x128xf32, #tpu.memory_space<vmem>>
        %dma_start3A_91 = arith.constant 0 : i32
        %dma_start3A_92 = tpu.memref_slice %arg5[%rem3A_45, %dma_start3A_91] : memref<2x80xi32, #tpu.memory_space<vmem>> -> memref<1x80xi32, #tpu.memory_space<vmem>>
        %dma_start3A_93 = tpu.memref_squeeze %dma_start3A_92 : memref<1x80xi32, #tpu.memory_space<vmem>> -> memref<80xi32, #tpu.memory_space<vmem>>
        %dma_start3A_94 = arith.constant 0 : i32
        %dma_start3A_95 = arith.constant 0 : i32
        %dma_start3A_96 = tpu.memref_slice %arg3[%dma_start3A_94, %dma_start3A_95] : memref<100000x128xf32, #tpu.memory_space<hbm>> -> memref<100000x128xf32, #tpu.memory_space<hbm>>
        tpu.enqueue_indirect_dma source(%dma_start3A_96 : memref<100000x128xf32, #tpu.memory_space<hbm>>) target(%dma_start3A_90 : memref<80x128xf32, #tpu.memory_space<vmem>>) offsets(%dma_start3A_93 : memref<80xi32, #tpu.memory_space<vmem>>) semaphore(%arg7 : memref<!tpu.dma_semaphore, #tpu.memory_space<semaphore_mem>>)
      } else {
      }
      %dma_wait3A_54 = arith.constant 0 : i32
      %dma_wait3A_55 = arith.constant 0 : i32
      %dma_wait3A_56 = tpu.memref_slice %arg6[%rem3A_41, %dma_wait3A_54, %dma_wait3A_55] : memref<2x80x128xf32, #tpu.memory_space<vmem>> -> memref<1x80x128xf32, #tpu.memory_space<vmem>>
      %dma_wait3A_57 = tpu.memref_squeeze %dma_wait3A_56 : memref<1x80x128xf32, #tpu.memory_space<vmem>> -> memref<80x128xf32, #tpu.memory_space<vmem>>
      %dma_wait3A_58 = arith.constant 0 : i32
      %dma_wait3A_59 = tpu.memref_slice %arg5[%rem3A_41, %dma_wait3A_58] : memref<2x80xi32, #tpu.memory_space<vmem>> -> memref<1x80xi32, #tpu.memory_space<vmem>>
      %dma_wait3A_60 = tpu.memref_squeeze %dma_wait3A_59 : memref<1x80xi32, #tpu.memory_space<vmem>> -> memref<80xi32, #tpu.memory_space<vmem>>
      %dma_wait3A_61 = arith.constant 0 : i32
      %dma_wait3A_62 = arith.constant 0 : i32
      %dma_wait3A_63 = tpu.memref_slice %arg3[%dma_wait3A_61, %dma_wait3A_62] : memref<100000x128xf32, #tpu.memory_space<hbm>> -> memref<100000x128xf32, #tpu.memory_space<hbm>>
      tpu.wait_indirect_dma semaphore(%arg7 : memref<!tpu.dma_semaphore, #tpu.memory_space<semaphore_mem>>) src(%dma_wait3A_63 : memref<100000x128xf32, #tpu.memory_space<hbm>>) dst(%dma_wait3A_57 : memref<80x128xf32, #tpu.memory_space<vmem>>)
      %mul3A_64 = arith.constant 80 : i32
      %mul3A_65 = arith.muli %scan3A_38, %mul3A_64 : i32
      %add3A_66 = arith.addi %mul3A_2, %mul3A_65 : i32
      %multiple_of3A_67 = tpu.assume_multiple %add3A_66, 8 : i32
      %dma_start3A_68 = arith.constant 0 : i32
      %dma_start3A_69 = arith.constant 0 : i32
      %dma_start3A_70 = tpu.memref_slice %arg6[%rem3A_41, %dma_start3A_68, %dma_start3A_69] : memref<2x80x128xf32, #tpu.memory_space<vmem>> -> memref<1x80x128xf32, #tpu.memory_space<vmem>>
      %dma_start3A_71 = tpu.memref_squeeze %dma_start3A_70 : memref<1x80x128xf32, #tpu.memory_space<vmem>> -> memref<80x128xf32, #tpu.memory_space<vmem>>
      %dma_start3A_72 = arith.constant 0 : i32
      %dma_start3A_73 = tpu.memref_slice %arg4[%multiple_of3A_67, %dma_start3A_72] : memref<51200x128xf32, #tpu.memory_space<hbm>> -> memref<80x128xf32, #tpu.memory_space<hbm>>
      %dma_start3A_74 = arith.constant 0 : i32
      %dma_start3A_75 = tpu.memref_slice %arg4[%multiple_of3A_67, %dma_start3A_74] : memref<51200x128xf32, #tpu.memory_space<hbm>> -> memref<80x128xf32, #tpu.memory_space<hbm>>
      %dma_start3A_76 = arith.constant 0 : i32
      %dma_start3A_77 = arith.constant 0 : i32
      %dma_start3A_78 = tpu.memref_slice %arg6[%rem3A_41, %dma_start3A_76, %dma_start3A_77] : memref<2x80x128xf32, #tpu.memory_space<vmem>> -> memref<1x80x128xf32, #tpu.memory_space<vmem>>
      %dma_start3A_79 = tpu.memref_squeeze %dma_start3A_78 : memref<1x80x128xf32, #tpu.memory_space<vmem>> -> memref<80x128xf32, #tpu.memory_space<vmem>>
      tpu.enqueue_dma source(%dma_start3A_79 : memref<80x128xf32, #tpu.memory_space<vmem>>) target(%dma_start3A_75 : memref<80x128xf32, #tpu.memory_space<hbm>>) target_semaphore(%arg8 : memref<!tpu.dma_semaphore, #tpu.memory_space<semaphore_mem>>)
      %scan3A_80 = arith.constant 0 : i32
      scf.yield %scan3A_80 : i32
    }
    %scan3A_21 = arith.constant 20 : i32
    %rem3A = arith.constant 19 : i32
    %rem3A_22 = arith.constant 2 : i32
    %rem3A_23 = arith.remsi %rem3A, %rem3A_22 : i32
    %add3A_24 = arith.constant 1520 : i32
    %add3A_25 = arith.addi %mul3A_2, %add3A_24 : i32
    %multiple_of3A_26 = tpu.assume_multiple %add3A_25, 8 : i32
    %dma_wait3A = arith.constant 0 : i32
    %dma_wait3A_27 = arith.constant 0 : i32
    %dma_wait3A_28 = tpu.memref_slice %arg6[%rem3A_23, %dma_wait3A, %dma_wait3A_27] : memref<2x80x128xf32, #tpu.memory_space<vmem>> -> memref<1x80x128xf32, #tpu.memory_space<vmem>>
    %dma_wait3A_29 = tpu.memref_squeeze %dma_wait3A_28 : memref<1x80x128xf32, #tpu.memory_space<vmem>> -> memref<80x128xf32, #tpu.memory_space<vmem>>
    %dma_wait3A_30 = arith.constant 0 : i32
    %dma_wait3A_31 = tpu.memref_slice %arg4[%multiple_of3A_26, %dma_wait3A_30] : memref<51200x128xf32, #tpu.memory_space<hbm>> -> memref<80x128xf32, #tpu.memory_space<hbm>>
    %dma_wait3A_32 = arith.constant 0 : i32
    %dma_wait3A_33 = tpu.memref_slice %arg4[%multiple_of3A_26, %dma_wait3A_32] : memref<51200x128xf32, #tpu.memory_space<hbm>> -> memref<80x128xf32, #tpu.memory_space<hbm>>
    %dma_wait3A_34 = arith.constant 0 : i32
    %dma_wait3A_35 = arith.constant 0 : i32
    %dma_wait3A_36 = tpu.memref_slice %arg6[%rem3A_23, %dma_wait3A_34, %dma_wait3A_35] : memref<2x80x128xf32, #tpu.memory_space<vmem>> -> memref<1x80x128xf32, #tpu.memory_space<vmem>>
    %dma_wait3A_37 = tpu.memref_squeeze %dma_wait3A_36 : memref<1x80x128xf32, #tpu.memory_space<vmem>> -> memref<80x128xf32, #tpu.memory_space<vmem>>
    tpu.wait_dma2 semaphore(%arg8 : memref<!tpu.dma_semaphore, #tpu.memory_space<semaphore_mem>>) src(%dma_wait3A_37 : memref<80x128xf32, #tpu.memory_space<vmem>>) dst(%dma_wait3A_33 : memref<80x128xf32, #tpu.memory_space<hbm>>)
    return
  }
}

module attributes {stable_mosaic.version = 14 : i64} {
  func.func @_ln_body_acc(%arg0: i32, %arg1: memref<4x200x8xf32, #tpu.memory_space<vmem>>, %arg2: memref<6400x128xf32, #tpu.memory_space<vmem>>, %arg3: memref<2x128xf32, #tpu.memory_space<vmem>>, %arg4: memref<6400x128xf32, #tpu.memory_space<vmem>>, %arg5: memref<1x128xf32, #tpu.memory_space<vmem>>, %arg6: memref<1x128xf32, #tpu.memory_space<vmem>>, %arg7: memref<204800x128xf32, #tpu.memory_space<any>>, %arg8: memref<6400x128xf32, #tpu.memory_space<vmem>>) attributes {dimension_semantics = [#tpu.dimension_semantics<arbitrary>], iteration_bounds = array<i64: 8>, scalar_prefetch = 0 : i64, scratch_operands = 0 : i64, tpu.core_type = #tpu.core_type<tc>, window_params = [{transform_indices = @transform_0, window_bounds = array<i64: 4, 200, 8>}, {transform_indices = @transform_1, window_bounds = array<i64: 6400, 128>}, {pipeline_mode = #tpu.pipeline_mode<synchronous>, transform_indices = @transform_2, window_bounds = array<i64: 2, 128>}, {pipeline_mode = #tpu.pipeline_mode<synchronous>, transform_indices = @transform_3, window_bounds = array<i64: 6400, 128>}, {pipeline_mode = #tpu.pipeline_mode<synchronous>, transform_indices = @transform_4, window_bounds = array<i64: 1, 128>}, {pipeline_mode = #tpu.pipeline_mode<synchronous>, transform_indices = @transform_5, window_bounds = array<i64: 1, 128>}, {}, {transform_indices = @transform_7, window_bounds = array<i64: 6400, 128>}]} {
    %get3A = arith.constant 0 : index
    %get3A_0 = arith.constant 0 : index
    %get3A_1 = vector.load %arg2[%get3A, %get3A_0] : memref<6400x128xf32, #tpu.memory_space<vmem>>, vector<6400x128xf32>
    %get3A_2 = arith.constant 0 : index
    %get3A_3 = arith.constant 0 : index
    %get3A_4 = arith.constant 0 : index
    %get3A_5 = vector.load %arg1[%get3A_2, %get3A_3, %get3A_4] : memref<4x200x8xf32, #tpu.memory_space<vmem>>, vector<4x200x8xf32>
    %reshape3A = vector.shape_cast %get3A_5 : vector<4x200x8xf32> to vector<800x8xf32>
    %get3A_6 = arith.constant 1 : index
    %get3A_7 = arith.constant 0 : index
    %get3A_8 = vector.load %arg3[%get3A_6, %get3A_7] : memref<2x128xf32, #tpu.memory_space<vmem>>, vector<1x128xf32>
    %get3A_9 = arith.constant 0 : index
    %get3A_10 = arith.constant 0 : index
    %get3A_11 = vector.load %arg3[%get3A_9, %get3A_10] : memref<2x128xf32, #tpu.memory_space<vmem>>, vector<1x128xf32>
    %sub3A = arith.subf %get3A_8, %get3A_11 : vector<1x128xf32>
    %slice3A = vector.extract_strided_slice %reshape3A {offsets = [0, 0], sizes = [200, 1], strides = [1, 1]} : vector<800x8xf32> to vector<200x1xf32>
    %mul3A = vector.broadcast %slice3A : vector<200x1xf32> to vector<200x128xf32>
    %mul3A_12 = vector.broadcast %sub3A : vector<1x128xf32> to vector<200x128xf32>
    %mul3A_13 = arith.mulf %mul3A, %mul3A_12 : vector<200x128xf32>
    %slice3A_14 = vector.extract_strided_slice %reshape3A {offsets = [0, 1], sizes = [200, 1], strides = [1, 1]} : vector<800x8xf32> to vector<200x1xf32>
    %mul3A_15 = vector.broadcast %slice3A_14 : vector<200x1xf32> to vector<200x128xf32>
    %mul3A_16 = vector.broadcast %sub3A : vector<1x128xf32> to vector<200x128xf32>
    %mul3A_17 = arith.mulf %mul3A_15, %mul3A_16 : vector<200x128xf32>
    %slice3A_18 = vector.extract_strided_slice %reshape3A {offsets = [0, 2], sizes = [200, 1], strides = [1, 1]} : vector<800x8xf32> to vector<200x1xf32>
    %mul3A_19 = vector.broadcast %slice3A_18 : vector<200x1xf32> to vector<200x128xf32>
    %mul3A_20 = vector.broadcast %sub3A : vector<1x128xf32> to vector<200x128xf32>
    %mul3A_21 = arith.mulf %mul3A_19, %mul3A_20 : vector<200x128xf32>
    %slice3A_22 = vector.extract_strided_slice %reshape3A {offsets = [0, 3], sizes = [200, 1], strides = [1, 1]} : vector<800x8xf32> to vector<200x1xf32>
    %mul3A_23 = vector.broadcast %slice3A_22 : vector<200x1xf32> to vector<200x128xf32>
    %mul3A_24 = vector.broadcast %sub3A : vector<1x128xf32> to vector<200x128xf32>
    %mul3A_25 = arith.mulf %mul3A_23, %mul3A_24 : vector<200x128xf32>
    %slice3A_26 = vector.extract_strided_slice %reshape3A {offsets = [0, 4], sizes = [200, 1], strides = [1, 1]} : vector<800x8xf32> to vector<200x1xf32>
    %mul3A_27 = vector.broadcast %slice3A_26 : vector<200x1xf32> to vector<200x128xf32>
    %mul3A_28 = vector.broadcast %sub3A : vector<1x128xf32> to vector<200x128xf32>
    %mul3A_29 = arith.mulf %mul3A_27, %mul3A_28 : vector<200x128xf32>
    %slice3A_30 = vector.extract_strided_slice %reshape3A {offsets = [0, 5], sizes = [200, 1], strides = [1, 1]} : vector<800x8xf32> to vector<200x1xf32>
    %mul3A_31 = vector.broadcast %slice3A_30 : vector<200x1xf32> to vector<200x128xf32>
    %mul3A_32 = vector.broadcast %sub3A : vector<1x128xf32> to vector<200x128xf32>
    %mul3A_33 = arith.mulf %mul3A_31, %mul3A_32 : vector<200x128xf32>
    %slice3A_34 = vector.extract_strided_slice %reshape3A {offsets = [0, 6], sizes = [200, 1], strides = [1, 1]} : vector<800x8xf32> to vector<200x1xf32>
    %mul3A_35 = vector.broadcast %slice3A_34 : vector<200x1xf32> to vector<200x128xf32>
    %mul3A_36 = vector.broadcast %sub3A : vector<1x128xf32> to vector<200x128xf32>
    %mul3A_37 = arith.mulf %mul3A_35, %mul3A_36 : vector<200x128xf32>
    %slice3A_38 = vector.extract_strided_slice %reshape3A {offsets = [0, 7], sizes = [200, 1], strides = [1, 1]} : vector<800x8xf32> to vector<200x1xf32>
    %mul3A_39 = vector.broadcast %slice3A_38 : vector<200x1xf32> to vector<200x128xf32>
    %mul3A_40 = vector.broadcast %sub3A : vector<1x128xf32> to vector<200x128xf32>
    %mul3A_41 = arith.mulf %mul3A_39, %mul3A_40 : vector<200x128xf32>
    %slice3A_42 = vector.extract_strided_slice %reshape3A {offsets = [200, 0], sizes = [200, 1], strides = [1, 1]} : vector<800x8xf32> to vector<200x1xf32>
    %mul3A_43 = vector.broadcast %slice3A_42 : vector<200x1xf32> to vector<200x128xf32>
    %mul3A_44 = vector.broadcast %sub3A : vector<1x128xf32> to vector<200x128xf32>
    %mul3A_45 = arith.mulf %mul3A_43, %mul3A_44 : vector<200x128xf32>
    %slice3A_46 = vector.extract_strided_slice %reshape3A {offsets = [200, 1], sizes = [200, 1], strides = [1, 1]} : vector<800x8xf32> to vector<200x1xf32>
    %mul3A_47 = vector.broadcast %slice3A_46 : vector<200x1xf32> to vector<200x128xf32>
    %mul3A_48 = vector.broadcast %sub3A : vector<1x128xf32> to vector<200x128xf32>
    %mul3A_49 = arith.mulf %mul3A_47, %mul3A_48 : vector<200x128xf32>
    %slice3A_50 = vector.extract_strided_slice %reshape3A {offsets = [200, 2], sizes = [200, 1], strides = [1, 1]} : vector<800x8xf32> to vector<200x1xf32>
    %mul3A_51 = vector.broadcast %slice3A_50 : vector<200x1xf32> to vector<200x128xf32>
    %mul3A_52 = vector.broadcast %sub3A : vector<1x128xf32> to vector<200x128xf32>
    %mul3A_53 = arith.mulf %mul3A_51, %mul3A_52 : vector<200x128xf32>
    %slice3A_54 = vector.extract_strided_slice %reshape3A {offsets = [200, 3], sizes = [200, 1], strides = [1, 1]} : vector<800x8xf32> to vector<200x1xf32>
    %mul3A_55 = vector.broadcast %slice3A_54 : vector<200x1xf32> to vector<200x128xf32>
    %mul3A_56 = vector.broadcast %sub3A : vector<1x128xf32> to vector<200x128xf32>
    %mul3A_57 = arith.mulf %mul3A_55, %mul3A_56 : vector<200x128xf32>
    %slice3A_58 = vector.extract_strided_slice %reshape3A {offsets = [200, 4], sizes = [200, 1], strides = [1, 1]} : vector<800x8xf32> to vector<200x1xf32>
    %mul3A_59 = vector.broadcast %slice3A_58 : vector<200x1xf32> to vector<200x128xf32>
    %mul3A_60 = vector.broadcast %sub3A : vector<1x128xf32> to vector<200x128xf32>
    %mul3A_61 = arith.mulf %mul3A_59, %mul3A_60 : vector<200x128xf32>
    %slice3A_62 = vector.extract_strided_slice %reshape3A {offsets = [200, 5], sizes = [200, 1], strides = [1, 1]} : vector<800x8xf32> to vector<200x1xf32>
    %mul3A_63 = vector.broadcast %slice3A_62 : vector<200x1xf32> to vector<200x128xf32>
    %mul3A_64 = vector.broadcast %sub3A : vector<1x128xf32> to vector<200x128xf32>
    %mul3A_65 = arith.mulf %mul3A_63, %mul3A_64 : vector<200x128xf32>
    %slice3A_66 = vector.extract_strided_slice %reshape3A {offsets = [200, 6], sizes = [200, 1], strides = [1, 1]} : vector<800x8xf32> to vector<200x1xf32>
    %mul3A_67 = vector.broadcast %slice3A_66 : vector<200x1xf32> to vector<200x128xf32>
    %mul3A_68 = vector.broadcast %sub3A : vector<1x128xf32> to vector<200x128xf32>
    %mul3A_69 = arith.mulf %mul3A_67, %mul3A_68 : vector<200x128xf32>
    %slice3A_70 = vector.extract_strided_slice %reshape3A {offsets = [200, 7], sizes = [200, 1], strides = [1, 1]} : vector<800x8xf32> to vector<200x1xf32>
    %mul3A_71 = vector.broadcast %slice3A_70 : vector<200x1xf32> to vector<200x128xf32>
    %mul3A_72 = vector.broadcast %sub3A : vector<1x128xf32> to vector<200x128xf32>
    %mul3A_73 = arith.mulf %mul3A_71, %mul3A_72 : vector<200x128xf32>
    %slice3A_74 = vector.extract_strided_slice %reshape3A {offsets = [400, 0], sizes = [200, 1], strides = [1, 1]} : vector<800x8xf32> to vector<200x1xf32>
    %mul3A_75 = vector.broadcast %slice3A_74 : vector<200x1xf32> to vector<200x128xf32>
    %mul3A_76 = vector.broadcast %sub3A : vector<1x128xf32> to vector<200x128xf32>
    %mul3A_77 = arith.mulf %mul3A_75, %mul3A_76 : vector<200x128xf32>
    %slice3A_78 = vector.extract_strided_slice %reshape3A {offsets = [400, 1], sizes = [200, 1], strides = [1, 1]} : vector<800x8xf32> to vector<200x1xf32>
    %mul3A_79 = vector.broadcast %slice3A_78 : vector<200x1xf32> to vector<200x128xf32>
    %mul3A_80 = vector.broadcast %sub3A : vector<1x128xf32> to vector<200x128xf32>
    %mul3A_81 = arith.mulf %mul3A_79, %mul3A_80 : vector<200x128xf32>
    %slice3A_82 = vector.extract_strided_slice %reshape3A {offsets = [400, 2], sizes = [200, 1], strides = [1, 1]} : vector<800x8xf32> to vector<200x1xf32>
    %mul3A_83 = vector.broadcast %slice3A_82 : vector<200x1xf32> to vector<200x128xf32>
    %mul3A_84 = vector.broadcast %sub3A : vector<1x128xf32> to vector<200x128xf32>
    %mul3A_85 = arith.mulf %mul3A_83, %mul3A_84 : vector<200x128xf32>
    %slice3A_86 = vector.extract_strided_slice %reshape3A {offsets = [400, 3], sizes = [200, 1], strides = [1, 1]} : vector<800x8xf32> to vector<200x1xf32>
    %mul3A_87 = vector.broadcast %slice3A_86 : vector<200x1xf32> to vector<200x128xf32>
    %mul3A_88 = vector.broadcast %sub3A : vector<1x128xf32> to vector<200x128xf32>
    %mul3A_89 = arith.mulf %mul3A_87, %mul3A_88 : vector<200x128xf32>
    %slice3A_90 = vector.extract_strided_slice %reshape3A {offsets = [400, 4], sizes = [200, 1], strides = [1, 1]} : vector<800x8xf32> to vector<200x1xf32>
    %mul3A_91 = vector.broadcast %slice3A_90 : vector<200x1xf32> to vector<200x128xf32>
    %mul3A_92 = vector.broadcast %sub3A : vector<1x128xf32> to vector<200x128xf32>
    %mul3A_93 = arith.mulf %mul3A_91, %mul3A_92 : vector<200x128xf32>
    %slice3A_94 = vector.extract_strided_slice %reshape3A {offsets = [400, 5], sizes = [200, 1], strides = [1, 1]} : vector<800x8xf32> to vector<200x1xf32>
    %mul3A_95 = vector.broadcast %slice3A_94 : vector<200x1xf32> to vector<200x128xf32>
    %mul3A_96 = vector.broadcast %sub3A : vector<1x128xf32> to vector<200x128xf32>
    %mul3A_97 = arith.mulf %mul3A_95, %mul3A_96 : vector<200x128xf32>
    %slice3A_98 = vector.extract_strided_slice %reshape3A {offsets = [400, 6], sizes = [200, 1], strides = [1, 1]} : vector<800x8xf32> to vector<200x1xf32>
    %mul3A_99 = vector.broadcast %slice3A_98 : vector<200x1xf32> to vector<200x128xf32>
    %mul3A_100 = vector.broadcast %sub3A : vector<1x128xf32> to vector<200x128xf32>
    %mul3A_101 = arith.mulf %mul3A_99, %mul3A_100 : vector<200x128xf32>
    %slice3A_102 = vector.extract_strided_slice %reshape3A {offsets = [400, 7], sizes = [200, 1], strides = [1, 1]} : vector<800x8xf32> to vector<200x1xf32>
    %mul3A_103 = vector.broadcast %slice3A_102 : vector<200x1xf32> to vector<200x128xf32>
    %mul3A_104 = vector.broadcast %sub3A : vector<1x128xf32> to vector<200x128xf32>
    %mul3A_105 = arith.mulf %mul3A_103, %mul3A_104 : vector<200x128xf32>
    %slice3A_106 = vector.extract_strided_slice %reshape3A {offsets = [600, 0], sizes = [200, 1], strides = [1, 1]} : vector<800x8xf32> to vector<200x1xf32>
    %mul3A_107 = vector.broadcast %slice3A_106 : vector<200x1xf32> to vector<200x128xf32>
    %mul3A_108 = vector.broadcast %sub3A : vector<1x128xf32> to vector<200x128xf32>
    %mul3A_109 = arith.mulf %mul3A_107, %mul3A_108 : vector<200x128xf32>
    %slice3A_110 = vector.extract_strided_slice %reshape3A {offsets = [600, 1], sizes = [200, 1], strides = [1, 1]} : vector<800x8xf32> to vector<200x1xf32>
    %mul3A_111 = vector.broadcast %slice3A_110 : vector<200x1xf32> to vector<200x128xf32>
    %mul3A_112 = vector.broadcast %sub3A : vector<1x128xf32> to vector<200x128xf32>
    %mul3A_113 = arith.mulf %mul3A_111, %mul3A_112 : vector<200x128xf32>
    %slice3A_114 = vector.extract_strided_slice %reshape3A {offsets = [600, 2], sizes = [200, 1], strides = [1, 1]} : vector<800x8xf32> to vector<200x1xf32>
    %mul3A_115 = vector.broadcast %slice3A_114 : vector<200x1xf32> to vector<200x128xf32>
    %mul3A_116 = vector.broadcast %sub3A : vector<1x128xf32> to vector<200x128xf32>
    %mul3A_117 = arith.mulf %mul3A_115, %mul3A_116 : vector<200x128xf32>
    %slice3A_118 = vector.extract_strided_slice %reshape3A {offsets = [600, 3], sizes = [200, 1], strides = [1, 1]} : vector<800x8xf32> to vector<200x1xf32>
    %mul3A_119 = vector.broadcast %slice3A_118 : vector<200x1xf32> to vector<200x128xf32>
    %mul3A_120 = vector.broadcast %sub3A : vector<1x128xf32> to vector<200x128xf32>
    %mul3A_121 = arith.mulf %mul3A_119, %mul3A_120 : vector<200x128xf32>
    %slice3A_122 = vector.extract_strided_slice %reshape3A {offsets = [600, 4], sizes = [200, 1], strides = [1, 1]} : vector<800x8xf32> to vector<200x1xf32>
    %mul3A_123 = vector.broadcast %slice3A_122 : vector<200x1xf32> to vector<200x128xf32>
    %mul3A_124 = vector.broadcast %sub3A : vector<1x128xf32> to vector<200x128xf32>
    %mul3A_125 = arith.mulf %mul3A_123, %mul3A_124 : vector<200x128xf32>
    %slice3A_126 = vector.extract_strided_slice %reshape3A {offsets = [600, 5], sizes = [200, 1], strides = [1, 1]} : vector<800x8xf32> to vector<200x1xf32>
    %mul3A_127 = vector.broadcast %slice3A_126 : vector<200x1xf32> to vector<200x128xf32>
    %mul3A_128 = vector.broadcast %sub3A : vector<1x128xf32> to vector<200x128xf32>
    %mul3A_129 = arith.mulf %mul3A_127, %mul3A_128 : vector<200x128xf32>
    %slice3A_130 = vector.extract_strided_slice %reshape3A {offsets = [600, 6], sizes = [200, 1], strides = [1, 1]} : vector<800x8xf32> to vector<200x1xf32>
    %mul3A_131 = vector.broadcast %slice3A_130 : vector<200x1xf32> to vector<200x128xf32>
    %mul3A_132 = vector.broadcast %sub3A : vector<1x128xf32> to vector<200x128xf32>
    %mul3A_133 = arith.mulf %mul3A_131, %mul3A_132 : vector<200x128xf32>
    %slice3A_134 = vector.extract_strided_slice %reshape3A {offsets = [600, 7], sizes = [200, 1], strides = [1, 1]} : vector<800x8xf32> to vector<200x1xf32>
    %mul3A_135 = vector.broadcast %slice3A_134 : vector<200x1xf32> to vector<200x128xf32>
    %mul3A_136 = vector.broadcast %sub3A : vector<1x128xf32> to vector<200x128xf32>
    %mul3A_137 = arith.mulf %mul3A_135, %mul3A_136 : vector<200x128xf32>
    %concatenate3A = tpu.concatenate %mul3A_13, %mul3A_17, %mul3A_21, %mul3A_25, %mul3A_29, %mul3A_33, %mul3A_37, %mul3A_41, %mul3A_45, %mul3A_49, %mul3A_53, %mul3A_57, %mul3A_61, %mul3A_65, %mul3A_69, %mul3A_73, %mul3A_77, %mul3A_81, %mul3A_85, %mul3A_89, %mul3A_93, %mul3A_97, %mul3A_101, %mul3A_105, %mul3A_109, %mul3A_113, %mul3A_117, %mul3A_121, %mul3A_125, %mul3A_129, %mul3A_133, %mul3A_137 in 0 : vector<200x128xf32>, vector<200x128xf32>, vector<200x128xf32>, vector<200x128xf32>, vector<200x128xf32>, vector<200x128xf32>, vector<200x128xf32>, vector<200x128xf32>, vector<200x128xf32>, vector<200x128xf32>, vector<200x128xf32>, vector<200x128xf32>, vector<200x128xf32>, vector<200x128xf32>, vector<200x128xf32>, vector<200x128xf32>, vector<200x128xf32>, vector<200x128xf32>, vector<200x128xf32>, vector<200x128xf32>, vector<200x128xf32>, vector<200x128xf32>, vector<200x128xf32>, vector<200x128xf32>, vector<200x128xf32>, vector<200x128xf32>, vector<200x128xf32>, vector<200x128xf32>, vector<200x128xf32>, vector<200x128xf32>, vector<200x128xf32>, vector<200x128xf32> -> vector<6400x128xf32>
    %add3A = arith.addf %get3A_1, %concatenate3A : vector<6400x128xf32>
    %get3A_138 = arith.constant 0 : index
    %get3A_139 = arith.constant 0 : index
    %get3A_140 = vector.load %arg4[%get3A_138, %get3A_139] : memref<6400x128xf32, #tpu.memory_space<vmem>>, vector<6400x128xf32>
    %add3A_141 = arith.addf %add3A, %get3A_140 : vector<6400x128xf32>
    %broadcast_in_dim3A = arith.constant 7.812500e-03 : bf16
    %broadcast_in_dim3A_142 = vector.broadcast %broadcast_in_dim3A : bf16 to vector<128x128xbf16>
    %convert_element_type3A = arith.truncf %add3A_141 : vector<6400x128xf32> to vector<6400x128xbf16>
    %dot_general3A = arith.constant dense<0.000000e+00> : vector<6400x128xf32>
    %dot_general3A_143 = tpu.matmul %convert_element_type3A, %broadcast_in_dim3A_142, %dot_general3A {dimension_numbers = #tpu.dot_dimension_numbers<[1], [0], [0], [1], [0, 0, 1, 1], [], []>, transpose_lhs_hint = false} : vector<6400x128xbf16>, vector<128x128xbf16>, vector<6400x128xf32> -> vector<6400x128xf32>
    %mul3A_144 = arith.mulf %convert_element_type3A, %convert_element_type3A : vector<6400x128xbf16>
    %dot_general3A_145 = arith.constant dense<0.000000e+00> : vector<6400x128xf32>
    %dot_general3A_146 = tpu.matmul %mul3A_144, %broadcast_in_dim3A_142, %dot_general3A_145 {dimension_numbers = #tpu.dot_dimension_numbers<[1], [0], [0], [1], [0, 0, 1, 1], [], []>, transpose_lhs_hint = false} : vector<6400x128xbf16>, vector<128x128xbf16>, vector<6400x128xf32> -> vector<6400x128xf32>
    %sub3A_147 = arith.subf %add3A_141, %dot_general3A_143 : vector<6400x128xf32>
    %mul3A_148 = arith.mulf %dot_general3A_143, %dot_general3A_143 : vector<6400x128xf32>
    %sub3A_149 = arith.subf %dot_general3A_146, %mul3A_148 : vector<6400x128xf32>
    %add3A_150 = arith.constant 9.99999974E-6 : f32
    %add3A_151 = vector.broadcast %add3A_150 : f32 to vector<6400x128xf32>
    %add3A_152 = arith.addf %sub3A_149, %add3A_151 : vector<6400x128xf32>
    %rsqrt3A = math.rsqrt %add3A_152 : vector<6400x128xf32>
    %get3A_153 = arith.constant 0 : index
    %get3A_154 = arith.constant 0 : index
    %get3A_155 = vector.load %arg5[%get3A_153, %get3A_154] : memref<1x128xf32, #tpu.memory_space<vmem>>, vector<1x128xf32>
    %mul3A_156 = vector.broadcast %get3A_155 : vector<1x128xf32> to vector<6400x128xf32>
    %mul3A_157 = arith.mulf %rsqrt3A, %mul3A_156 : vector<6400x128xf32>
    %mul3A_158 = arith.mulf %sub3A_147, %mul3A_157 : vector<6400x128xf32>
    %get3A_159 = arith.constant 0 : index
    %get3A_160 = arith.constant 0 : index
    %get3A_161 = vector.load %arg6[%get3A_159, %get3A_160] : memref<1x128xf32, #tpu.memory_space<vmem>>, vector<1x128xf32>
    %add3A_162 = vector.broadcast %get3A_161 : vector<1x128xf32> to vector<6400x128xf32>
    %add3A_163 = arith.addf %mul3A_158, %add3A_162 : vector<6400x128xf32>
    %swap3A = arith.constant 0 : index
    %swap3A_164 = arith.constant 0 : index
    %swap3A_165 = vector.load %arg8[%swap3A, %swap3A_164] : memref<6400x128xf32, #tpu.memory_space<vmem>>, vector<6400x128xf32>
    tpu.vector_store %arg8[%swap3A, %swap3A_164], %add3A_163 {strides = array<i32>} : memref<6400x128xf32, #tpu.memory_space<vmem>>, vector<6400x128xf32>,
    return
  }
  func.func @transform_0(%arg0: i32) -> (i32, i32, i32) {
    %add3A = arith.constant 8 : i32
    %add3A_0 = arith.addi %add3A, %arg0 : i32
    %c0_i32 = arith.constant 0 : i32
    %c0_i32_1 = arith.constant 0 : i32
    %c0_i32_2 = arith.constant 0 : i32
    return %add3A_0, %c0_i32, %c0_i32_1 : i32, i32, i32
  }
  func.func @transform_1(%arg0: i32) -> (i32, i32) {
    %c0_i32 = arith.constant 0 : i32
    %c0_i32_0 = arith.constant 0 : i32
    return %arg0, %c0_i32 : i32, i32
  }
  func.func @transform_2(%arg0: i32) -> (i32, i32) {
    %c0_i32 = arith.constant 0 : i32
    %c0_i32_0 = arith.constant 0 : i32
    %c0_i32_1 = arith.constant 0 : i32
    return %c0_i32, %c0_i32_0 : i32, i32
  }
  func.func @transform_3(%arg0: i32) -> (i32, i32) {
    %c0_i32 = arith.constant 0 : i32
    %c0_i32_0 = arith.constant 0 : i32
    %c0_i32_1 = arith.constant 0 : i32
    return %c0_i32, %c0_i32_0 : i32, i32
  }
  func.func @transform_4(%arg0: i32) -> (i32, i32) {
    %c0_i32 = arith.constant 0 : i32
    %c0_i32_0 = arith.constant 0 : i32
    %c0_i32_1 = arith.constant 0 : i32
    return %c0_i32, %c0_i32_0 : i32, i32
  }
  func.func @transform_5(%arg0: i32) -> (i32, i32) {
    %c0_i32 = arith.constant 0 : i32
    %c0_i32_0 = arith.constant 0 : i32
    %c0_i32_1 = arith.constant 0 : i32
    return %c0_i32, %c0_i32_0 : i32, i32
  }
  func.func @transform_7(%arg0: i32) -> (i32, i32) {
    %add3A = arith.constant 8 : i32
    %add3A_0 = arith.addi %add3A, %arg0 : i32
    %c0_i32 = arith.constant 0 : i32
    %c0_i32_1 = arith.constant 0 : i32
    return %add3A_0, %c0_i32 : i32, i32
  }
}

module attributes {stable_mosaic.version = 14 : i64} {
  func.func @_ln_body(%arg0: i32, %arg1: memref<4x200x8xf32, #tpu.memory_space<vmem>>, %arg2: memref<6400x128xf32, #tpu.memory_space<vmem>>, %arg3: memref<2x128xf32, #tpu.memory_space<vmem>>, %arg4: memref<6400x128xf32, #tpu.memory_space<vmem>>, %arg5: memref<1x128xf32, #tpu.memory_space<vmem>>, %arg6: memref<1x128xf32, #tpu.memory_space<vmem>>, %arg7: memref<6400x128xf32, #tpu.memory_space<vmem>>) attributes {dimension_semantics = [#tpu.dimension_semantics<arbitrary>], iteration_bounds = array<i64: 8>, scalar_prefetch = 0 : i64, scratch_operands = 0 : i64, tpu.core_type = #tpu.core_type<tc>, window_params = [{transform_indices = @transform_0, window_bounds = array<i64: 4, 200, 8>}, {transform_indices = @transform_1, window_bounds = array<i64: 6400, 128>}, {pipeline_mode = #tpu.pipeline_mode<synchronous>, transform_indices = @transform_2, window_bounds = array<i64: 2, 128>}, {pipeline_mode = #tpu.pipeline_mode<synchronous>, transform_indices = @transform_3, window_bounds = array<i64: 6400, 128>}, {pipeline_mode = #tpu.pipeline_mode<synchronous>, transform_indices = @transform_4, window_bounds = array<i64: 1, 128>}, {pipeline_mode = #tpu.pipeline_mode<synchronous>, transform_indices = @transform_5, window_bounds = array<i64: 1, 128>}, {transform_indices = @transform_6, window_bounds = array<i64: 6400, 128>}]} {
    %get3A = arith.constant 0 : index
    %get3A_0 = arith.constant 0 : index
    %get3A_1 = vector.load %arg2[%get3A, %get3A_0] : memref<6400x128xf32, #tpu.memory_space<vmem>>, vector<6400x128xf32>
    %get3A_2 = arith.constant 0 : index
    %get3A_3 = arith.constant 0 : index
    %get3A_4 = arith.constant 0 : index
    %get3A_5 = vector.load %arg1[%get3A_2, %get3A_3, %get3A_4] : memref<4x200x8xf32, #tpu.memory_space<vmem>>, vector<4x200x8xf32>
    %reshape3A = vector.shape_cast %get3A_5 : vector<4x200x8xf32> to vector<800x8xf32>
    %get3A_6 = arith.constant 1 : index
    %get3A_7 = arith.constant 0 : index
    %get3A_8 = vector.load %arg3[%get3A_6, %get3A_7] : memref<2x128xf32, #tpu.memory_space<vmem>>, vector<1x128xf32>
    %get3A_9 = arith.constant 0 : index
    %get3A_10 = arith.constant 0 : index
    %get3A_11 = vector.load %arg3[%get3A_9, %get3A_10] : memref<2x128xf32, #tpu.memory_space<vmem>>, vector<1x128xf32>
    %sub3A = arith.subf %get3A_8, %get3A_11 : vector<1x128xf32>
    %slice3A = vector.extract_strided_slice %reshape3A {offsets = [0, 0], sizes = [200, 1], strides = [1, 1]} : vector<800x8xf32> to vector<200x1xf32>
    %mul3A = vector.broadcast %slice3A : vector<200x1xf32> to vector<200x128xf32>
    %mul3A_12 = vector.broadcast %sub3A : vector<1x128xf32> to vector<200x128xf32>
    %mul3A_13 = arith.mulf %mul3A, %mul3A_12 : vector<200x128xf32>
    %slice3A_14 = vector.extract_strided_slice %reshape3A {offsets = [0, 1], sizes = [200, 1], strides = [1, 1]} : vector<800x8xf32> to vector<200x1xf32>
    %mul3A_15 = vector.broadcast %slice3A_14 : vector<200x1xf32> to vector<200x128xf32>
    %mul3A_16 = vector.broadcast %sub3A : vector<1x128xf32> to vector<200x128xf32>
    %mul3A_17 = arith.mulf %mul3A_15, %mul3A_16 : vector<200x128xf32>
    %slice3A_18 = vector.extract_strided_slice %reshape3A {offsets = [0, 2], sizes = [200, 1], strides = [1, 1]} : vector<800x8xf32> to vector<200x1xf32>
    %mul3A_19 = vector.broadcast %slice3A_18 : vector<200x1xf32> to vector<200x128xf32>
    %mul3A_20 = vector.broadcast %sub3A : vector<1x128xf32> to vector<200x128xf32>
    %mul3A_21 = arith.mulf %mul3A_19, %mul3A_20 : vector<200x128xf32>
    %slice3A_22 = vector.extract_strided_slice %reshape3A {offsets = [0, 3], sizes = [200, 1], strides = [1, 1]} : vector<800x8xf32> to vector<200x1xf32>
    %mul3A_23 = vector.broadcast %slice3A_22 : vector<200x1xf32> to vector<200x128xf32>
    %mul3A_24 = vector.broadcast %sub3A : vector<1x128xf32> to vector<200x128xf32>
    %mul3A_25 = arith.mulf %mul3A_23, %mul3A_24 : vector<200x128xf32>
    %slice3A_26 = vector.extract_strided_slice %reshape3A {offsets = [0, 4], sizes = [200, 1], strides = [1, 1]} : vector<800x8xf32> to vector<200x1xf32>
    %mul3A_27 = vector.broadcast %slice3A_26 : vector<200x1xf32> to vector<200x128xf32>
    %mul3A_28 = vector.broadcast %sub3A : vector<1x128xf32> to vector<200x128xf32>
    %mul3A_29 = arith.mulf %mul3A_27, %mul3A_28 : vector<200x128xf32>
    %slice3A_30 = vector.extract_strided_slice %reshape3A {offsets = [0, 5], sizes = [200, 1], strides = [1, 1]} : vector<800x8xf32> to vector<200x1xf32>
    %mul3A_31 = vector.broadcast %slice3A_30 : vector<200x1xf32> to vector<200x128xf32>
    %mul3A_32 = vector.broadcast %sub3A : vector<1x128xf32> to vector<200x128xf32>
    %mul3A_33 = arith.mulf %mul3A_31, %mul3A_32 : vector<200x128xf32>
    %slice3A_34 = vector.extract_strided_slice %reshape3A {offsets = [0, 6], sizes = [200, 1], strides = [1, 1]} : vector<800x8xf32> to vector<200x1xf32>
    %mul3A_35 = vector.broadcast %slice3A_34 : vector<200x1xf32> to vector<200x128xf32>
    %mul3A_36 = vector.broadcast %sub3A : vector<1x128xf32> to vector<200x128xf32>
    %mul3A_37 = arith.mulf %mul3A_35, %mul3A_36 : vector<200x128xf32>
    %slice3A_38 = vector.extract_strided_slice %reshape3A {offsets = [0, 7], sizes = [200, 1], strides = [1, 1]} : vector<800x8xf32> to vector<200x1xf32>
    %mul3A_39 = vector.broadcast %slice3A_38 : vector<200x1xf32> to vector<200x128xf32>
    %mul3A_40 = vector.broadcast %sub3A : vector<1x128xf32> to vector<200x128xf32>
    %mul3A_41 = arith.mulf %mul3A_39, %mul3A_40 : vector<200x128xf32>
    %slice3A_42 = vector.extract_strided_slice %reshape3A {offsets = [200, 0], sizes = [200, 1], strides = [1, 1]} : vector<800x8xf32> to vector<200x1xf32>
    %mul3A_43 = vector.broadcast %slice3A_42 : vector<200x1xf32> to vector<200x128xf32>
    %mul3A_44 = vector.broadcast %sub3A : vector<1x128xf32> to vector<200x128xf32>
    %mul3A_45 = arith.mulf %mul3A_43, %mul3A_44 : vector<200x128xf32>
    %slice3A_46 = vector.extract_strided_slice %reshape3A {offsets = [200, 1], sizes = [200, 1], strides = [1, 1]} : vector<800x8xf32> to vector<200x1xf32>
    %mul3A_47 = vector.broadcast %slice3A_46 : vector<200x1xf32> to vector<200x128xf32>
    %mul3A_48 = vector.broadcast %sub3A : vector<1x128xf32> to vector<200x128xf32>
    %mul3A_49 = arith.mulf %mul3A_47, %mul3A_48 : vector<200x128xf32>
    %slice3A_50 = vector.extract_strided_slice %reshape3A {offsets = [200, 2], sizes = [200, 1], strides = [1, 1]} : vector<800x8xf32> to vector<200x1xf32>
    %mul3A_51 = vector.broadcast %slice3A_50 : vector<200x1xf32> to vector<200x128xf32>
    %mul3A_52 = vector.broadcast %sub3A : vector<1x128xf32> to vector<200x128xf32>
    %mul3A_53 = arith.mulf %mul3A_51, %mul3A_52 : vector<200x128xf32>
    %slice3A_54 = vector.extract_strided_slice %reshape3A {offsets = [200, 3], sizes = [200, 1], strides = [1, 1]} : vector<800x8xf32> to vector<200x1xf32>
    %mul3A_55 = vector.broadcast %slice3A_54 : vector<200x1xf32> to vector<200x128xf32>
    %mul3A_56 = vector.broadcast %sub3A : vector<1x128xf32> to vector<200x128xf32>
    %mul3A_57 = arith.mulf %mul3A_55, %mul3A_56 : vector<200x128xf32>
    %slice3A_58 = vector.extract_strided_slice %reshape3A {offsets = [200, 4], sizes = [200, 1], strides = [1, 1]} : vector<800x8xf32> to vector<200x1xf32>
    %mul3A_59 = vector.broadcast %slice3A_58 : vector<200x1xf32> to vector<200x128xf32>
    %mul3A_60 = vector.broadcast %sub3A : vector<1x128xf32> to vector<200x128xf32>
    %mul3A_61 = arith.mulf %mul3A_59, %mul3A_60 : vector<200x128xf32>
    %slice3A_62 = vector.extract_strided_slice %reshape3A {offsets = [200, 5], sizes = [200, 1], strides = [1, 1]} : vector<800x8xf32> to vector<200x1xf32>
    %mul3A_63 = vector.broadcast %slice3A_62 : vector<200x1xf32> to vector<200x128xf32>
    %mul3A_64 = vector.broadcast %sub3A : vector<1x128xf32> to vector<200x128xf32>
    %mul3A_65 = arith.mulf %mul3A_63, %mul3A_64 : vector<200x128xf32>
    %slice3A_66 = vector.extract_strided_slice %reshape3A {offsets = [200, 6], sizes = [200, 1], strides = [1, 1]} : vector<800x8xf32> to vector<200x1xf32>
    %mul3A_67 = vector.broadcast %slice3A_66 : vector<200x1xf32> to vector<200x128xf32>
    %mul3A_68 = vector.broadcast %sub3A : vector<1x128xf32> to vector<200x128xf32>
    %mul3A_69 = arith.mulf %mul3A_67, %mul3A_68 : vector<200x128xf32>
    %slice3A_70 = vector.extract_strided_slice %reshape3A {offsets = [200, 7], sizes = [200, 1], strides = [1, 1]} : vector<800x8xf32> to vector<200x1xf32>
    %mul3A_71 = vector.broadcast %slice3A_70 : vector<200x1xf32> to vector<200x128xf32>
    %mul3A_72 = vector.broadcast %sub3A : vector<1x128xf32> to vector<200x128xf32>
    %mul3A_73 = arith.mulf %mul3A_71, %mul3A_72 : vector<200x128xf32>
    %slice3A_74 = vector.extract_strided_slice %reshape3A {offsets = [400, 0], sizes = [200, 1], strides = [1, 1]} : vector<800x8xf32> to vector<200x1xf32>
    %mul3A_75 = vector.broadcast %slice3A_74 : vector<200x1xf32> to vector<200x128xf32>
    %mul3A_76 = vector.broadcast %sub3A : vector<1x128xf32> to vector<200x128xf32>
    %mul3A_77 = arith.mulf %mul3A_75, %mul3A_76 : vector<200x128xf32>
    %slice3A_78 = vector.extract_strided_slice %reshape3A {offsets = [400, 1], sizes = [200, 1], strides = [1, 1]} : vector<800x8xf32> to vector<200x1xf32>
    %mul3A_79 = vector.broadcast %slice3A_78 : vector<200x1xf32> to vector<200x128xf32>
    %mul3A_80 = vector.broadcast %sub3A : vector<1x128xf32> to vector<200x128xf32>
    %mul3A_81 = arith.mulf %mul3A_79, %mul3A_80 : vector<200x128xf32>
    %slice3A_82 = vector.extract_strided_slice %reshape3A {offsets = [400, 2], sizes = [200, 1], strides = [1, 1]} : vector<800x8xf32> to vector<200x1xf32>
    %mul3A_83 = vector.broadcast %slice3A_82 : vector<200x1xf32> to vector<200x128xf32>
    %mul3A_84 = vector.broadcast %sub3A : vector<1x128xf32> to vector<200x128xf32>
    %mul3A_85 = arith.mulf %mul3A_83, %mul3A_84 : vector<200x128xf32>
    %slice3A_86 = vector.extract_strided_slice %reshape3A {offsets = [400, 3], sizes = [200, 1], strides = [1, 1]} : vector<800x8xf32> to vector<200x1xf32>
    %mul3A_87 = vector.broadcast %slice3A_86 : vector<200x1xf32> to vector<200x128xf32>
    %mul3A_88 = vector.broadcast %sub3A : vector<1x128xf32> to vector<200x128xf32>
    %mul3A_89 = arith.mulf %mul3A_87, %mul3A_88 : vector<200x128xf32>
    %slice3A_90 = vector.extract_strided_slice %reshape3A {offsets = [400, 4], sizes = [200, 1], strides = [1, 1]} : vector<800x8xf32> to vector<200x1xf32>
    %mul3A_91 = vector.broadcast %slice3A_90 : vector<200x1xf32> to vector<200x128xf32>
    %mul3A_92 = vector.broadcast %sub3A : vector<1x128xf32> to vector<200x128xf32>
    %mul3A_93 = arith.mulf %mul3A_91, %mul3A_92 : vector<200x128xf32>
    %slice3A_94 = vector.extract_strided_slice %reshape3A {offsets = [400, 5], sizes = [200, 1], strides = [1, 1]} : vector<800x8xf32> to vector<200x1xf32>
    %mul3A_95 = vector.broadcast %slice3A_94 : vector<200x1xf32> to vector<200x128xf32>
    %mul3A_96 = vector.broadcast %sub3A : vector<1x128xf32> to vector<200x128xf32>
    %mul3A_97 = arith.mulf %mul3A_95, %mul3A_96 : vector<200x128xf32>
    %slice3A_98 = vector.extract_strided_slice %reshape3A {offsets = [400, 6], sizes = [200, 1], strides = [1, 1]} : vector<800x8xf32> to vector<200x1xf32>
    %mul3A_99 = vector.broadcast %slice3A_98 : vector<200x1xf32> to vector<200x128xf32>
    %mul3A_100 = vector.broadcast %sub3A : vector<1x128xf32> to vector<200x128xf32>
    %mul3A_101 = arith.mulf %mul3A_99, %mul3A_100 : vector<200x128xf32>
    %slice3A_102 = vector.extract_strided_slice %reshape3A {offsets = [400, 7], sizes = [200, 1], strides = [1, 1]} : vector<800x8xf32> to vector<200x1xf32>
    %mul3A_103 = vector.broadcast %slice3A_102 : vector<200x1xf32> to vector<200x128xf32>
    %mul3A_104 = vector.broadcast %sub3A : vector<1x128xf32> to vector<200x128xf32>
    %mul3A_105 = arith.mulf %mul3A_103, %mul3A_104 : vector<200x128xf32>
    %slice3A_106 = vector.extract_strided_slice %reshape3A {offsets = [600, 0], sizes = [200, 1], strides = [1, 1]} : vector<800x8xf32> to vector<200x1xf32>
    %mul3A_107 = vector.broadcast %slice3A_106 : vector<200x1xf32> to vector<200x128xf32>
    %mul3A_108 = vector.broadcast %sub3A : vector<1x128xf32> to vector<200x128xf32>
    %mul3A_109 = arith.mulf %mul3A_107, %mul3A_108 : vector<200x128xf32>
    %slice3A_110 = vector.extract_strided_slice %reshape3A {offsets = [600, 1], sizes = [200, 1], strides = [1, 1]} : vector<800x8xf32> to vector<200x1xf32>
    %mul3A_111 = vector.broadcast %slice3A_110 : vector<200x1xf32> to vector<200x128xf32>
    %mul3A_112 = vector.broadcast %sub3A : vector<1x128xf32> to vector<200x128xf32>
    %mul3A_113 = arith.mulf %mul3A_111, %mul3A_112 : vector<200x128xf32>
    %slice3A_114 = vector.extract_strided_slice %reshape3A {offsets = [600, 2], sizes = [200, 1], strides = [1, 1]} : vector<800x8xf32> to vector<200x1xf32>
    %mul3A_115 = vector.broadcast %slice3A_114 : vector<200x1xf32> to vector<200x128xf32>
    %mul3A_116 = vector.broadcast %sub3A : vector<1x128xf32> to vector<200x128xf32>
    %mul3A_117 = arith.mulf %mul3A_115, %mul3A_116 : vector<200x128xf32>
    %slice3A_118 = vector.extract_strided_slice %reshape3A {offsets = [600, 3], sizes = [200, 1], strides = [1, 1]} : vector<800x8xf32> to vector<200x1xf32>
    %mul3A_119 = vector.broadcast %slice3A_118 : vector<200x1xf32> to vector<200x128xf32>
    %mul3A_120 = vector.broadcast %sub3A : vector<1x128xf32> to vector<200x128xf32>
    %mul3A_121 = arith.mulf %mul3A_119, %mul3A_120 : vector<200x128xf32>
    %slice3A_122 = vector.extract_strided_slice %reshape3A {offsets = [600, 4], sizes = [200, 1], strides = [1, 1]} : vector<800x8xf32> to vector<200x1xf32>
    %mul3A_123 = vector.broadcast %slice3A_122 : vector<200x1xf32> to vector<200x128xf32>
    %mul3A_124 = vector.broadcast %sub3A : vector<1x128xf32> to vector<200x128xf32>
    %mul3A_125 = arith.mulf %mul3A_123, %mul3A_124 : vector<200x128xf32>
    %slice3A_126 = vector.extract_strided_slice %reshape3A {offsets = [600, 5], sizes = [200, 1], strides = [1, 1]} : vector<800x8xf32> to vector<200x1xf32>
    %mul3A_127 = vector.broadcast %slice3A_126 : vector<200x1xf32> to vector<200x128xf32>
    %mul3A_128 = vector.broadcast %sub3A : vector<1x128xf32> to vector<200x128xf32>
    %mul3A_129 = arith.mulf %mul3A_127, %mul3A_128 : vector<200x128xf32>
    %slice3A_130 = vector.extract_strided_slice %reshape3A {offsets = [600, 6], sizes = [200, 1], strides = [1, 1]} : vector<800x8xf32> to vector<200x1xf32>
    %mul3A_131 = vector.broadcast %slice3A_130 : vector<200x1xf32> to vector<200x128xf32>
    %mul3A_132 = vector.broadcast %sub3A : vector<1x128xf32> to vector<200x128xf32>
    %mul3A_133 = arith.mulf %mul3A_131, %mul3A_132 : vector<200x128xf32>
    %slice3A_134 = vector.extract_strided_slice %reshape3A {offsets = [600, 7], sizes = [200, 1], strides = [1, 1]} : vector<800x8xf32> to vector<200x1xf32>
    %mul3A_135 = vector.broadcast %slice3A_134 : vector<200x1xf32> to vector<200x128xf32>
    %mul3A_136 = vector.broadcast %sub3A : vector<1x128xf32> to vector<200x128xf32>
    %mul3A_137 = arith.mulf %mul3A_135, %mul3A_136 : vector<200x128xf32>
    %concatenate3A = tpu.concatenate %mul3A_13, %mul3A_17, %mul3A_21, %mul3A_25, %mul3A_29, %mul3A_33, %mul3A_37, %mul3A_41, %mul3A_45, %mul3A_49, %mul3A_53, %mul3A_57, %mul3A_61, %mul3A_65, %mul3A_69, %mul3A_73, %mul3A_77, %mul3A_81, %mul3A_85, %mul3A_89, %mul3A_93, %mul3A_97, %mul3A_101, %mul3A_105, %mul3A_109, %mul3A_113, %mul3A_117, %mul3A_121, %mul3A_125, %mul3A_129, %mul3A_133, %mul3A_137 in 0 : vector<200x128xf32>, vector<200x128xf32>, vector<200x128xf32>, vector<200x128xf32>, vector<200x128xf32>, vector<200x128xf32>, vector<200x128xf32>, vector<200x128xf32>, vector<200x128xf32>, vector<200x128xf32>, vector<200x128xf32>, vector<200x128xf32>, vector<200x128xf32>, vector<200x128xf32>, vector<200x128xf32>, vector<200x128xf32>, vector<200x128xf32>, vector<200x128xf32>, vector<200x128xf32>, vector<200x128xf32>, vector<200x128xf32>, vector<200x128xf32>, vector<200x128xf32>, vector<200x128xf32>, vector<200x128xf32>, vector<200x128xf32>, vector<200x128xf32>, vector<200x128xf32>, vector<200x128xf32>, vector<200x128xf32>, vector<200x128xf32>, vector<200x128xf32> -> vector<6400x128xf32>
    %add3A = arith.addf %get3A_1, %concatenate3A : vector<6400x128xf32>
    %get3A_138 = arith.constant 0 : index
    %get3A_139 = arith.constant 0 : index
    %get3A_140 = vector.load %arg4[%get3A_138, %get3A_139] : memref<6400x128xf32, #tpu.memory_space<vmem>>, vector<6400x128xf32>
    %add3A_141 = arith.addf %add3A, %get3A_140 : vector<6400x128xf32>
    %broadcast_in_dim3A = arith.constant 7.812500e-03 : bf16
    %broadcast_in_dim3A_142 = vector.broadcast %broadcast_in_dim3A : bf16 to vector<128x128xbf16>
    %convert_element_type3A = arith.truncf %add3A_141 : vector<6400x128xf32> to vector<6400x128xbf16>
    %dot_general3A = arith.constant dense<0.000000e+00> : vector<6400x128xf32>
    %dot_general3A_143 = tpu.matmul %convert_element_type3A, %broadcast_in_dim3A_142, %dot_general3A {dimension_numbers = #tpu.dot_dimension_numbers<[1], [0], [0], [1], [0, 0, 1, 1], [], []>, transpose_lhs_hint = false} : vector<6400x128xbf16>, vector<128x128xbf16>, vector<6400x128xf32> -> vector<6400x128xf32>
    %mul3A_144 = arith.mulf %convert_element_type3A, %convert_element_type3A : vector<6400x128xbf16>
    %dot_general3A_145 = arith.constant dense<0.000000e+00> : vector<6400x128xf32>
    %dot_general3A_146 = tpu.matmul %mul3A_144, %broadcast_in_dim3A_142, %dot_general3A_145 {dimension_numbers = #tpu.dot_dimension_numbers<[1], [0], [0], [1], [0, 0, 1, 1], [], []>, transpose_lhs_hint = false} : vector<6400x128xbf16>, vector<128x128xbf16>, vector<6400x128xf32> -> vector<6400x128xf32>
    %sub3A_147 = arith.subf %add3A_141, %dot_general3A_143 : vector<6400x128xf32>
    %mul3A_148 = arith.mulf %dot_general3A_143, %dot_general3A_143 : vector<6400x128xf32>
    %sub3A_149 = arith.subf %dot_general3A_146, %mul3A_148 : vector<6400x128xf32>
    %add3A_150 = arith.constant 9.99999974E-6 : f32
    %add3A_151 = vector.broadcast %add3A_150 : f32 to vector<6400x128xf32>
    %add3A_152 = arith.addf %sub3A_149, %add3A_151 : vector<6400x128xf32>
    %rsqrt3A = math.rsqrt %add3A_152 : vector<6400x128xf32>
    %get3A_153 = arith.constant 0 : index
    %get3A_154 = arith.constant 0 : index
    %get3A_155 = vector.load %arg5[%get3A_153, %get3A_154] : memref<1x128xf32, #tpu.memory_space<vmem>>, vector<1x128xf32>
    %mul3A_156 = vector.broadcast %get3A_155 : vector<1x128xf32> to vector<6400x128xf32>
    %mul3A_157 = arith.mulf %rsqrt3A, %mul3A_156 : vector<6400x128xf32>
    %mul3A_158 = arith.mulf %sub3A_147, %mul3A_157 : vector<6400x128xf32>
    %get3A_159 = arith.constant 0 : index
    %get3A_160 = arith.constant 0 : index
    %get3A_161 = vector.load %arg6[%get3A_159, %get3A_160] : memref<1x128xf32, #tpu.memory_space<vmem>>, vector<1x128xf32>
    %add3A_162 = vector.broadcast %get3A_161 : vector<1x128xf32> to vector<6400x128xf32>
    %add3A_163 = arith.addf %mul3A_158, %add3A_162 : vector<6400x128xf32>
    %swap3A = arith.constant 0 : index
    %swap3A_164 = arith.constant 0 : index
    %swap3A_165 = vector.load %arg7[%swap3A, %swap3A_164] : memref<6400x128xf32, #tpu.memory_space<vmem>>, vector<6400x128xf32>
    tpu.vector_store %arg7[%swap3A, %swap3A_164], %add3A_163 {strides = array<i32>} : memref<6400x128xf32, #tpu.memory_space<vmem>>, vector<6400x128xf32>,
    return
  }
  func.func @transform_0(%arg0: i32) -> (i32, i32, i32) {
    %add3A = arith.constant 0 : i32
    %add3A_0 = arith.addi %add3A, %arg0 : i32
    %c0_i32 = arith.constant 0 : i32
    %c0_i32_1 = arith.constant 0 : i32
    %c0_i32_2 = arith.constant 0 : i32
    return %add3A_0, %c0_i32, %c0_i32_1 : i32, i32, i32
  }
  func.func @transform_1(%arg0: i32) -> (i32, i32) {
    %c0_i32 = arith.constant 0 : i32
    %c0_i32_0 = arith.constant 0 : i32
    return %arg0, %c0_i32 : i32, i32
  }
  func.func @transform_2(%arg0: i32) -> (i32, i32) {
    %c0_i32 = arith.constant 0 : i32
    %c0_i32_0 = arith.constant 0 : i32
    %c0_i32_1 = arith.constant 0 : i32
    return %c0_i32, %c0_i32_0 : i32, i32
  }
  func.func @transform_3(%arg0: i32) -> (i32, i32) {
    %c0_i32 = arith.constant 0 : i32
    %c0_i32_0 = arith.constant 0 : i32
    %c0_i32_1 = arith.constant 0 : i32
    return %c0_i32, %c0_i32_0 : i32, i32
  }
  func.func @transform_4(%arg0: i32) -> (i32, i32) {
    %c0_i32 = arith.constant 0 : i32
    %c0_i32_0 = arith.constant 0 : i32
    %c0_i32_1 = arith.constant 0 : i32
    return %c0_i32, %c0_i32_0 : i32, i32
  }
  func.func @transform_5(%arg0: i32) -> (i32, i32) {
    %c0_i32 = arith.constant 0 : i32
    %c0_i32_0 = arith.constant 0 : i32
    %c0_i32_1 = arith.constant 0 : i32
    return %c0_i32, %c0_i32_0 : i32, i32
  }
  func.func @transform_6(%arg0: i32) -> (i32, i32) {
    %add3A = arith.constant 0 : i32
    %add3A_0 = arith.addi %add3A, %arg0 : i32
    %c0_i32 = arith.constant 0 : i32
    %c0_i32_1 = arith.constant 0 : i32
    return %add3A_0, %c0_i32 : i32, i32
  }
}

module attributes {stable_mosaic.version = 14 : i64} {
  func.func @_ln_body_acc(%arg0: i32, %arg1: memref<4x200x8xf32, #tpu.memory_space<vmem>>, %arg2: memref<6400x128xf32, #tpu.memory_space<vmem>>, %arg3: memref<2x128xf32, #tpu.memory_space<vmem>>, %arg4: memref<6400x128xf32, #tpu.memory_space<vmem>>, %arg5: memref<1x128xf32, #tpu.memory_space<vmem>>, %arg6: memref<1x128xf32, #tpu.memory_space<vmem>>, %arg7: memref<204800x128xf32, #tpu.memory_space<any>>, %arg8: memref<6400x128xf32, #tpu.memory_space<vmem>>) attributes {dimension_semantics = [#tpu.dimension_semantics<arbitrary>], iteration_bounds = array<i64: 8>, scalar_prefetch = 0 : i64, scratch_operands = 0 : i64, tpu.core_type = #tpu.core_type<tc>, window_params = [{transform_indices = @transform_0, window_bounds = array<i64: 4, 200, 8>}, {transform_indices = @transform_1, window_bounds = array<i64: 6400, 128>}, {pipeline_mode = #tpu.pipeline_mode<synchronous>, transform_indices = @transform_2, window_bounds = array<i64: 2, 128>}, {pipeline_mode = #tpu.pipeline_mode<synchronous>, transform_indices = @transform_3, window_bounds = array<i64: 6400, 128>}, {pipeline_mode = #tpu.pipeline_mode<synchronous>, transform_indices = @transform_4, window_bounds = array<i64: 1, 128>}, {pipeline_mode = #tpu.pipeline_mode<synchronous>, transform_indices = @transform_5, window_bounds = array<i64: 1, 128>}, {}, {transform_indices = @transform_7, window_bounds = array<i64: 6400, 128>}]} {
    %get3A = arith.constant 0 : index
    %get3A_0 = arith.constant 0 : index
    %get3A_1 = vector.load %arg2[%get3A, %get3A_0] : memref<6400x128xf32, #tpu.memory_space<vmem>>, vector<6400x128xf32>
    %get3A_2 = arith.constant 0 : index
    %get3A_3 = arith.constant 0 : index
    %get3A_4 = arith.constant 0 : index
    %get3A_5 = vector.load %arg1[%get3A_2, %get3A_3, %get3A_4] : memref<4x200x8xf32, #tpu.memory_space<vmem>>, vector<4x200x8xf32>
    %reshape3A = vector.shape_cast %get3A_5 : vector<4x200x8xf32> to vector<800x8xf32>
    %get3A_6 = arith.constant 1 : index
    %get3A_7 = arith.constant 0 : index
    %get3A_8 = vector.load %arg3[%get3A_6, %get3A_7] : memref<2x128xf32, #tpu.memory_space<vmem>>, vector<1x128xf32>
    %get3A_9 = arith.constant 0 : index
    %get3A_10 = arith.constant 0 : index
    %get3A_11 = vector.load %arg3[%get3A_9, %get3A_10] : memref<2x128xf32, #tpu.memory_space<vmem>>, vector<1x128xf32>
    %sub3A = arith.subf %get3A_8, %get3A_11 : vector<1x128xf32>
    %slice3A = vector.extract_strided_slice %reshape3A {offsets = [0, 0], sizes = [200, 1], strides = [1, 1]} : vector<800x8xf32> to vector<200x1xf32>
    %mul3A = vector.broadcast %slice3A : vector<200x1xf32> to vector<200x128xf32>
    %mul3A_12 = vector.broadcast %sub3A : vector<1x128xf32> to vector<200x128xf32>
    %mul3A_13 = arith.mulf %mul3A, %mul3A_12 : vector<200x128xf32>
    %slice3A_14 = vector.extract_strided_slice %reshape3A {offsets = [0, 1], sizes = [200, 1], strides = [1, 1]} : vector<800x8xf32> to vector<200x1xf32>
    %mul3A_15 = vector.broadcast %slice3A_14 : vector<200x1xf32> to vector<200x128xf32>
    %mul3A_16 = vector.broadcast %sub3A : vector<1x128xf32> to vector<200x128xf32>
    %mul3A_17 = arith.mulf %mul3A_15, %mul3A_16 : vector<200x128xf32>
    %slice3A_18 = vector.extract_strided_slice %reshape3A {offsets = [0, 2], sizes = [200, 1], strides = [1, 1]} : vector<800x8xf32> to vector<200x1xf32>
    %mul3A_19 = vector.broadcast %slice3A_18 : vector<200x1xf32> to vector<200x128xf32>
    %mul3A_20 = vector.broadcast %sub3A : vector<1x128xf32> to vector<200x128xf32>
    %mul3A_21 = arith.mulf %mul3A_19, %mul3A_20 : vector<200x128xf32>
    %slice3A_22 = vector.extract_strided_slice %reshape3A {offsets = [0, 3], sizes = [200, 1], strides = [1, 1]} : vector<800x8xf32> to vector<200x1xf32>
    %mul3A_23 = vector.broadcast %slice3A_22 : vector<200x1xf32> to vector<200x128xf32>
    %mul3A_24 = vector.broadcast %sub3A : vector<1x128xf32> to vector<200x128xf32>
    %mul3A_25 = arith.mulf %mul3A_23, %mul3A_24 : vector<200x128xf32>
    %slice3A_26 = vector.extract_strided_slice %reshape3A {offsets = [0, 4], sizes = [200, 1], strides = [1, 1]} : vector<800x8xf32> to vector<200x1xf32>
    %mul3A_27 = vector.broadcast %slice3A_26 : vector<200x1xf32> to vector<200x128xf32>
    %mul3A_28 = vector.broadcast %sub3A : vector<1x128xf32> to vector<200x128xf32>
    %mul3A_29 = arith.mulf %mul3A_27, %mul3A_28 : vector<200x128xf32>
    %slice3A_30 = vector.extract_strided_slice %reshape3A {offsets = [0, 5], sizes = [200, 1], strides = [1, 1]} : vector<800x8xf32> to vector<200x1xf32>
    %mul3A_31 = vector.broadcast %slice3A_30 : vector<200x1xf32> to vector<200x128xf32>
    %mul3A_32 = vector.broadcast %sub3A : vector<1x128xf32> to vector<200x128xf32>
    %mul3A_33 = arith.mulf %mul3A_31, %mul3A_32 : vector<200x128xf32>
    %slice3A_34 = vector.extract_strided_slice %reshape3A {offsets = [0, 6], sizes = [200, 1], strides = [1, 1]} : vector<800x8xf32> to vector<200x1xf32>
    %mul3A_35 = vector.broadcast %slice3A_34 : vector<200x1xf32> to vector<200x128xf32>
    %mul3A_36 = vector.broadcast %sub3A : vector<1x128xf32> to vector<200x128xf32>
    %mul3A_37 = arith.mulf %mul3A_35, %mul3A_36 : vector<200x128xf32>
    %slice3A_38 = vector.extract_strided_slice %reshape3A {offsets = [0, 7], sizes = [200, 1], strides = [1, 1]} : vector<800x8xf32> to vector<200x1xf32>
    %mul3A_39 = vector.broadcast %slice3A_38 : vector<200x1xf32> to vector<200x128xf32>
    %mul3A_40 = vector.broadcast %sub3A : vector<1x128xf32> to vector<200x128xf32>
    %mul3A_41 = arith.mulf %mul3A_39, %mul3A_40 : vector<200x128xf32>
    %slice3A_42 = vector.extract_strided_slice %reshape3A {offsets = [200, 0], sizes = [200, 1], strides = [1, 1]} : vector<800x8xf32> to vector<200x1xf32>
    %mul3A_43 = vector.broadcast %slice3A_42 : vector<200x1xf32> to vector<200x128xf32>
    %mul3A_44 = vector.broadcast %sub3A : vector<1x128xf32> to vector<200x128xf32>
    %mul3A_45 = arith.mulf %mul3A_43, %mul3A_44 : vector<200x128xf32>
    %slice3A_46 = vector.extract_strided_slice %reshape3A {offsets = [200, 1], sizes = [200, 1], strides = [1, 1]} : vector<800x8xf32> to vector<200x1xf32>
    %mul3A_47 = vector.broadcast %slice3A_46 : vector<200x1xf32> to vector<200x128xf32>
    %mul3A_48 = vector.broadcast %sub3A : vector<1x128xf32> to vector<200x128xf32>
    %mul3A_49 = arith.mulf %mul3A_47, %mul3A_48 : vector<200x128xf32>
    %slice3A_50 = vector.extract_strided_slice %reshape3A {offsets = [200, 2], sizes = [200, 1], strides = [1, 1]} : vector<800x8xf32> to vector<200x1xf32>
    %mul3A_51 = vector.broadcast %slice3A_50 : vector<200x1xf32> to vector<200x128xf32>
    %mul3A_52 = vector.broadcast %sub3A : vector<1x128xf32> to vector<200x128xf32>
    %mul3A_53 = arith.mulf %mul3A_51, %mul3A_52 : vector<200x128xf32>
    %slice3A_54 = vector.extract_strided_slice %reshape3A {offsets = [200, 3], sizes = [200, 1], strides = [1, 1]} : vector<800x8xf32> to vector<200x1xf32>
    %mul3A_55 = vector.broadcast %slice3A_54 : vector<200x1xf32> to vector<200x128xf32>
    %mul3A_56 = vector.broadcast %sub3A : vector<1x128xf32> to vector<200x128xf32>
    %mul3A_57 = arith.mulf %mul3A_55, %mul3A_56 : vector<200x128xf32>
    %slice3A_58 = vector.extract_strided_slice %reshape3A {offsets = [200, 4], sizes = [200, 1], strides = [1, 1]} : vector<800x8xf32> to vector<200x1xf32>
    %mul3A_59 = vector.broadcast %slice3A_58 : vector<200x1xf32> to vector<200x128xf32>
    %mul3A_60 = vector.broadcast %sub3A : vector<1x128xf32> to vector<200x128xf32>
    %mul3A_61 = arith.mulf %mul3A_59, %mul3A_60 : vector<200x128xf32>
    %slice3A_62 = vector.extract_strided_slice %reshape3A {offsets = [200, 5], sizes = [200, 1], strides = [1, 1]} : vector<800x8xf32> to vector<200x1xf32>
    %mul3A_63 = vector.broadcast %slice3A_62 : vector<200x1xf32> to vector<200x128xf32>
    %mul3A_64 = vector.broadcast %sub3A : vector<1x128xf32> to vector<200x128xf32>
    %mul3A_65 = arith.mulf %mul3A_63, %mul3A_64 : vector<200x128xf32>
    %slice3A_66 = vector.extract_strided_slice %reshape3A {offsets = [200, 6], sizes = [200, 1], strides = [1, 1]} : vector<800x8xf32> to vector<200x1xf32>
    %mul3A_67 = vector.broadcast %slice3A_66 : vector<200x1xf32> to vector<200x128xf32>
    %mul3A_68 = vector.broadcast %sub3A : vector<1x128xf32> to vector<200x128xf32>
    %mul3A_69 = arith.mulf %mul3A_67, %mul3A_68 : vector<200x128xf32>
    %slice3A_70 = vector.extract_strided_slice %reshape3A {offsets = [200, 7], sizes = [200, 1], strides = [1, 1]} : vector<800x8xf32> to vector<200x1xf32>
    %mul3A_71 = vector.broadcast %slice3A_70 : vector<200x1xf32> to vector<200x128xf32>
    %mul3A_72 = vector.broadcast %sub3A : vector<1x128xf32> to vector<200x128xf32>
    %mul3A_73 = arith.mulf %mul3A_71, %mul3A_72 : vector<200x128xf32>
    %slice3A_74 = vector.extract_strided_slice %reshape3A {offsets = [400, 0], sizes = [200, 1], strides = [1, 1]} : vector<800x8xf32> to vector<200x1xf32>
    %mul3A_75 = vector.broadcast %slice3A_74 : vector<200x1xf32> to vector<200x128xf32>
    %mul3A_76 = vector.broadcast %sub3A : vector<1x128xf32> to vector<200x128xf32>
    %mul3A_77 = arith.mulf %mul3A_75, %mul3A_76 : vector<200x128xf32>
    %slice3A_78 = vector.extract_strided_slice %reshape3A {offsets = [400, 1], sizes = [200, 1], strides = [1, 1]} : vector<800x8xf32> to vector<200x1xf32>
    %mul3A_79 = vector.broadcast %slice3A_78 : vector<200x1xf32> to vector<200x128xf32>
    %mul3A_80 = vector.broadcast %sub3A : vector<1x128xf32> to vector<200x128xf32>
    %mul3A_81 = arith.mulf %mul3A_79, %mul3A_80 : vector<200x128xf32>
    %slice3A_82 = vector.extract_strided_slice %reshape3A {offsets = [400, 2], sizes = [200, 1], strides = [1, 1]} : vector<800x8xf32> to vector<200x1xf32>
    %mul3A_83 = vector.broadcast %slice3A_82 : vector<200x1xf32> to vector<200x128xf32>
    %mul3A_84 = vector.broadcast %sub3A : vector<1x128xf32> to vector<200x128xf32>
    %mul3A_85 = arith.mulf %mul3A_83, %mul3A_84 : vector<200x128xf32>
    %slice3A_86 = vector.extract_strided_slice %reshape3A {offsets = [400, 3], sizes = [200, 1], strides = [1, 1]} : vector<800x8xf32> to vector<200x1xf32>
    %mul3A_87 = vector.broadcast %slice3A_86 : vector<200x1xf32> to vector<200x128xf32>
    %mul3A_88 = vector.broadcast %sub3A : vector<1x128xf32> to vector<200x128xf32>
    %mul3A_89 = arith.mulf %mul3A_87, %mul3A_88 : vector<200x128xf32>
    %slice3A_90 = vector.extract_strided_slice %reshape3A {offsets = [400, 4], sizes = [200, 1], strides = [1, 1]} : vector<800x8xf32> to vector<200x1xf32>
    %mul3A_91 = vector.broadcast %slice3A_90 : vector<200x1xf32> to vector<200x128xf32>
    %mul3A_92 = vector.broadcast %sub3A : vector<1x128xf32> to vector<200x128xf32>
    %mul3A_93 = arith.mulf %mul3A_91, %mul3A_92 : vector<200x128xf32>
    %slice3A_94 = vector.extract_strided_slice %reshape3A {offsets = [400, 5], sizes = [200, 1], strides = [1, 1]} : vector<800x8xf32> to vector<200x1xf32>
    %mul3A_95 = vector.broadcast %slice3A_94 : vector<200x1xf32> to vector<200x128xf32>
    %mul3A_96 = vector.broadcast %sub3A : vector<1x128xf32> to vector<200x128xf32>
    %mul3A_97 = arith.mulf %mul3A_95, %mul3A_96 : vector<200x128xf32>
    %slice3A_98 = vector.extract_strided_slice %reshape3A {offsets = [400, 6], sizes = [200, 1], strides = [1, 1]} : vector<800x8xf32> to vector<200x1xf32>
    %mul3A_99 = vector.broadcast %slice3A_98 : vector<200x1xf32> to vector<200x128xf32>
    %mul3A_100 = vector.broadcast %sub3A : vector<1x128xf32> to vector<200x128xf32>
    %mul3A_101 = arith.mulf %mul3A_99, %mul3A_100 : vector<200x128xf32>
    %slice3A_102 = vector.extract_strided_slice %reshape3A {offsets = [400, 7], sizes = [200, 1], strides = [1, 1]} : vector<800x8xf32> to vector<200x1xf32>
    %mul3A_103 = vector.broadcast %slice3A_102 : vector<200x1xf32> to vector<200x128xf32>
    %mul3A_104 = vector.broadcast %sub3A : vector<1x128xf32> to vector<200x128xf32>
    %mul3A_105 = arith.mulf %mul3A_103, %mul3A_104 : vector<200x128xf32>
    %slice3A_106 = vector.extract_strided_slice %reshape3A {offsets = [600, 0], sizes = [200, 1], strides = [1, 1]} : vector<800x8xf32> to vector<200x1xf32>
    %mul3A_107 = vector.broadcast %slice3A_106 : vector<200x1xf32> to vector<200x128xf32>
    %mul3A_108 = vector.broadcast %sub3A : vector<1x128xf32> to vector<200x128xf32>
    %mul3A_109 = arith.mulf %mul3A_107, %mul3A_108 : vector<200x128xf32>
    %slice3A_110 = vector.extract_strided_slice %reshape3A {offsets = [600, 1], sizes = [200, 1], strides = [1, 1]} : vector<800x8xf32> to vector<200x1xf32>
    %mul3A_111 = vector.broadcast %slice3A_110 : vector<200x1xf32> to vector<200x128xf32>
    %mul3A_112 = vector.broadcast %sub3A : vector<1x128xf32> to vector<200x128xf32>
    %mul3A_113 = arith.mulf %mul3A_111, %mul3A_112 : vector<200x128xf32>
    %slice3A_114 = vector.extract_strided_slice %reshape3A {offsets = [600, 2], sizes = [200, 1], strides = [1, 1]} : vector<800x8xf32> to vector<200x1xf32>
    %mul3A_115 = vector.broadcast %slice3A_114 : vector<200x1xf32> to vector<200x128xf32>
    %mul3A_116 = vector.broadcast %sub3A : vector<1x128xf32> to vector<200x128xf32>
    %mul3A_117 = arith.mulf %mul3A_115, %mul3A_116 : vector<200x128xf32>
    %slice3A_118 = vector.extract_strided_slice %reshape3A {offsets = [600, 3], sizes = [200, 1], strides = [1, 1]} : vector<800x8xf32> to vector<200x1xf32>
    %mul3A_119 = vector.broadcast %slice3A_118 : vector<200x1xf32> to vector<200x128xf32>
    %mul3A_120 = vector.broadcast %sub3A : vector<1x128xf32> to vector<200x128xf32>
    %mul3A_121 = arith.mulf %mul3A_119, %mul3A_120 : vector<200x128xf32>
    %slice3A_122 = vector.extract_strided_slice %reshape3A {offsets = [600, 4], sizes = [200, 1], strides = [1, 1]} : vector<800x8xf32> to vector<200x1xf32>
    %mul3A_123 = vector.broadcast %slice3A_122 : vector<200x1xf32> to vector<200x128xf32>
    %mul3A_124 = vector.broadcast %sub3A : vector<1x128xf32> to vector<200x128xf32>
    %mul3A_125 = arith.mulf %mul3A_123, %mul3A_124 : vector<200x128xf32>
    %slice3A_126 = vector.extract_strided_slice %reshape3A {offsets = [600, 5], sizes = [200, 1], strides = [1, 1]} : vector<800x8xf32> to vector<200x1xf32>
    %mul3A_127 = vector.broadcast %slice3A_126 : vector<200x1xf32> to vector<200x128xf32>
    %mul3A_128 = vector.broadcast %sub3A : vector<1x128xf32> to vector<200x128xf32>
    %mul3A_129 = arith.mulf %mul3A_127, %mul3A_128 : vector<200x128xf32>
    %slice3A_130 = vector.extract_strided_slice %reshape3A {offsets = [600, 6], sizes = [200, 1], strides = [1, 1]} : vector<800x8xf32> to vector<200x1xf32>
    %mul3A_131 = vector.broadcast %slice3A_130 : vector<200x1xf32> to vector<200x128xf32>
    %mul3A_132 = vector.broadcast %sub3A : vector<1x128xf32> to vector<200x128xf32>
    %mul3A_133 = arith.mulf %mul3A_131, %mul3A_132 : vector<200x128xf32>
    %slice3A_134 = vector.extract_strided_slice %reshape3A {offsets = [600, 7], sizes = [200, 1], strides = [1, 1]} : vector<800x8xf32> to vector<200x1xf32>
    %mul3A_135 = vector.broadcast %slice3A_134 : vector<200x1xf32> to vector<200x128xf32>
    %mul3A_136 = vector.broadcast %sub3A : vector<1x128xf32> to vector<200x128xf32>
    %mul3A_137 = arith.mulf %mul3A_135, %mul3A_136 : vector<200x128xf32>
    %concatenate3A = tpu.concatenate %mul3A_13, %mul3A_17, %mul3A_21, %mul3A_25, %mul3A_29, %mul3A_33, %mul3A_37, %mul3A_41, %mul3A_45, %mul3A_49, %mul3A_53, %mul3A_57, %mul3A_61, %mul3A_65, %mul3A_69, %mul3A_73, %mul3A_77, %mul3A_81, %mul3A_85, %mul3A_89, %mul3A_93, %mul3A_97, %mul3A_101, %mul3A_105, %mul3A_109, %mul3A_113, %mul3A_117, %mul3A_121, %mul3A_125, %mul3A_129, %mul3A_133, %mul3A_137 in 0 : vector<200x128xf32>, vector<200x128xf32>, vector<200x128xf32>, vector<200x128xf32>, vector<200x128xf32>, vector<200x128xf32>, vector<200x128xf32>, vector<200x128xf32>, vector<200x128xf32>, vector<200x128xf32>, vector<200x128xf32>, vector<200x128xf32>, vector<200x128xf32>, vector<200x128xf32>, vector<200x128xf32>, vector<200x128xf32>, vector<200x128xf32>, vector<200x128xf32>, vector<200x128xf32>, vector<200x128xf32>, vector<200x128xf32>, vector<200x128xf32>, vector<200x128xf32>, vector<200x128xf32>, vector<200x128xf32>, vector<200x128xf32>, vector<200x128xf32>, vector<200x128xf32>, vector<200x128xf32>, vector<200x128xf32>, vector<200x128xf32>, vector<200x128xf32> -> vector<6400x128xf32>
    %add3A = arith.addf %get3A_1, %concatenate3A : vector<6400x128xf32>
    %get3A_138 = arith.constant 0 : index
    %get3A_139 = arith.constant 0 : index
    %get3A_140 = vector.load %arg4[%get3A_138, %get3A_139] : memref<6400x128xf32, #tpu.memory_space<vmem>>, vector<6400x128xf32>
    %add3A_141 = arith.addf %add3A, %get3A_140 : vector<6400x128xf32>
    %broadcast_in_dim3A = arith.constant 7.812500e-03 : bf16
    %broadcast_in_dim3A_142 = vector.broadcast %broadcast_in_dim3A : bf16 to vector<128x128xbf16>
    %convert_element_type3A = arith.truncf %add3A_141 : vector<6400x128xf32> to vector<6400x128xbf16>
    %dot_general3A = arith.constant dense<0.000000e+00> : vector<6400x128xf32>
    %dot_general3A_143 = tpu.matmul %convert_element_type3A, %broadcast_in_dim3A_142, %dot_general3A {dimension_numbers = #tpu.dot_dimension_numbers<[1], [0], [0], [1], [0, 0, 1, 1], [], []>, transpose_lhs_hint = false} : vector<6400x128xbf16>, vector<128x128xbf16>, vector<6400x128xf32> -> vector<6400x128xf32>
    %mul3A_144 = arith.mulf %convert_element_type3A, %convert_element_type3A : vector<6400x128xbf16>
    %dot_general3A_145 = arith.constant dense<0.000000e+00> : vector<6400x128xf32>
    %dot_general3A_146 = tpu.matmul %mul3A_144, %broadcast_in_dim3A_142, %dot_general3A_145 {dimension_numbers = #tpu.dot_dimension_numbers<[1], [0], [0], [1], [0, 0, 1, 1], [], []>, transpose_lhs_hint = false} : vector<6400x128xbf16>, vector<128x128xbf16>, vector<6400x128xf32> -> vector<6400x128xf32>
    %sub3A_147 = arith.subf %add3A_141, %dot_general3A_143 : vector<6400x128xf32>
    %mul3A_148 = arith.mulf %dot_general3A_143, %dot_general3A_143 : vector<6400x128xf32>
    %sub3A_149 = arith.subf %dot_general3A_146, %mul3A_148 : vector<6400x128xf32>
    %add3A_150 = arith.constant 9.99999974E-6 : f32
    %add3A_151 = vector.broadcast %add3A_150 : f32 to vector<6400x128xf32>
    %add3A_152 = arith.addf %sub3A_149, %add3A_151 : vector<6400x128xf32>
    %rsqrt3A = math.rsqrt %add3A_152 : vector<6400x128xf32>
    %get3A_153 = arith.constant 0 : index
    %get3A_154 = arith.constant 0 : index
    %get3A_155 = vector.load %arg5[%get3A_153, %get3A_154] : memref<1x128xf32, #tpu.memory_space<vmem>>, vector<1x128xf32>
    %mul3A_156 = vector.broadcast %get3A_155 : vector<1x128xf32> to vector<6400x128xf32>
    %mul3A_157 = arith.mulf %rsqrt3A, %mul3A_156 : vector<6400x128xf32>
    %mul3A_158 = arith.mulf %sub3A_147, %mul3A_157 : vector<6400x128xf32>
    %get3A_159 = arith.constant 0 : index
    %get3A_160 = arith.constant 0 : index
    %get3A_161 = vector.load %arg6[%get3A_159, %get3A_160] : memref<1x128xf32, #tpu.memory_space<vmem>>, vector<1x128xf32>
    %add3A_162 = vector.broadcast %get3A_161 : vector<1x128xf32> to vector<6400x128xf32>
    %add3A_163 = arith.addf %mul3A_158, %add3A_162 : vector<6400x128xf32>
    %swap3A = arith.constant 0 : index
    %swap3A_164 = arith.constant 0 : index
    %swap3A_165 = vector.load %arg8[%swap3A, %swap3A_164] : memref<6400x128xf32, #tpu.memory_space<vmem>>, vector<6400x128xf32>
    tpu.vector_store %arg8[%swap3A, %swap3A_164], %add3A_163 {strides = array<i32>} : memref<6400x128xf32, #tpu.memory_space<vmem>>, vector<6400x128xf32>,
    return
  }
  func.func @transform_0(%arg0: i32) -> (i32, i32, i32) {
    %add3A = arith.constant 16 : i32
    %add3A_0 = arith.addi %add3A, %arg0 : i32
    %c0_i32 = arith.constant 0 : i32
    %c0_i32_1 = arith.constant 0 : i32
    %c0_i32_2 = arith.constant 0 : i32
    return %add3A_0, %c0_i32, %c0_i32_1 : i32, i32, i32
  }
  func.func @transform_1(%arg0: i32) -> (i32, i32) {
    %c0_i32 = arith.constant 0 : i32
    %c0_i32_0 = arith.constant 0 : i32
    return %arg0, %c0_i32 : i32, i32
  }
  func.func @transform_2(%arg0: i32) -> (i32, i32) {
    %c0_i32 = arith.constant 0 : i32
    %c0_i32_0 = arith.constant 0 : i32
    %c0_i32_1 = arith.constant 0 : i32
    return %c0_i32, %c0_i32_0 : i32, i32
  }
  func.func @transform_3(%arg0: i32) -> (i32, i32) {
    %c0_i32 = arith.constant 0 : i32
    %c0_i32_0 = arith.constant 0 : i32
    %c0_i32_1 = arith.constant 0 : i32
    return %c0_i32, %c0_i32_0 : i32, i32
  }
  func.func @transform_4(%arg0: i32) -> (i32, i32) {
    %c0_i32 = arith.constant 0 : i32
    %c0_i32_0 = arith.constant 0 : i32
    %c0_i32_1 = arith.constant 0 : i32
    return %c0_i32, %c0_i32_0 : i32, i32
  }
  func.func @transform_5(%arg0: i32) -> (i32, i32) {
    %c0_i32 = arith.constant 0 : i32
    %c0_i32_0 = arith.constant 0 : i32
    %c0_i32_1 = arith.constant 0 : i32
    return %c0_i32, %c0_i32_0 : i32, i32
  }
  func.func @transform_7(%arg0: i32) -> (i32, i32) {
    %add3A = arith.constant 16 : i32
    %add3A_0 = arith.addi %add3A, %arg0 : i32
    %c0_i32 = arith.constant 0 : i32
    %c0_i32_1 = arith.constant 0 : i32
    return %add3A_0, %c0_i32 : i32, i32
  }
}

module attributes {stable_mosaic.version = 14 : i64} {
  func.func @_ln_body_acc(%arg0: i32, %arg1: memref<4x200x8xf32, #tpu.memory_space<vmem>>, %arg2: memref<6400x128xf32, #tpu.memory_space<vmem>>, %arg3: memref<2x128xf32, #tpu.memory_space<vmem>>, %arg4: memref<6400x128xf32, #tpu.memory_space<vmem>>, %arg5: memref<1x128xf32, #tpu.memory_space<vmem>>, %arg6: memref<1x128xf32, #tpu.memory_space<vmem>>, %arg7: memref<204800x128xf32, #tpu.memory_space<any>>, %arg8: memref<6400x128xf32, #tpu.memory_space<vmem>>) attributes {dimension_semantics = [#tpu.dimension_semantics<arbitrary>], iteration_bounds = array<i64: 8>, scalar_prefetch = 0 : i64, scratch_operands = 0 : i64, tpu.core_type = #tpu.core_type<tc>, window_params = [{transform_indices = @transform_0, window_bounds = array<i64: 4, 200, 8>}, {transform_indices = @transform_1, window_bounds = array<i64: 6400, 128>}, {pipeline_mode = #tpu.pipeline_mode<synchronous>, transform_indices = @transform_2, window_bounds = array<i64: 2, 128>}, {pipeline_mode = #tpu.pipeline_mode<synchronous>, transform_indices = @transform_3, window_bounds = array<i64: 6400, 128>}, {pipeline_mode = #tpu.pipeline_mode<synchronous>, transform_indices = @transform_4, window_bounds = array<i64: 1, 128>}, {pipeline_mode = #tpu.pipeline_mode<synchronous>, transform_indices = @transform_5, window_bounds = array<i64: 1, 128>}, {}, {transform_indices = @transform_7, window_bounds = array<i64: 6400, 128>}]} {
    %get3A = arith.constant 0 : index
    %get3A_0 = arith.constant 0 : index
    %get3A_1 = vector.load %arg2[%get3A, %get3A_0] : memref<6400x128xf32, #tpu.memory_space<vmem>>, vector<6400x128xf32>
    %get3A_2 = arith.constant 0 : index
    %get3A_3 = arith.constant 0 : index
    %get3A_4 = arith.constant 0 : index
    %get3A_5 = vector.load %arg1[%get3A_2, %get3A_3, %get3A_4] : memref<4x200x8xf32, #tpu.memory_space<vmem>>, vector<4x200x8xf32>
    %reshape3A = vector.shape_cast %get3A_5 : vector<4x200x8xf32> to vector<800x8xf32>
    %get3A_6 = arith.constant 1 : index
    %get3A_7 = arith.constant 0 : index
    %get3A_8 = vector.load %arg3[%get3A_6, %get3A_7] : memref<2x128xf32, #tpu.memory_space<vmem>>, vector<1x128xf32>
    %get3A_9 = arith.constant 0 : index
    %get3A_10 = arith.constant 0 : index
    %get3A_11 = vector.load %arg3[%get3A_9, %get3A_10] : memref<2x128xf32, #tpu.memory_space<vmem>>, vector<1x128xf32>
    %sub3A = arith.subf %get3A_8, %get3A_11 : vector<1x128xf32>
    %slice3A = vector.extract_strided_slice %reshape3A {offsets = [0, 0], sizes = [200, 1], strides = [1, 1]} : vector<800x8xf32> to vector<200x1xf32>
    %mul3A = vector.broadcast %slice3A : vector<200x1xf32> to vector<200x128xf32>
    %mul3A_12 = vector.broadcast %sub3A : vector<1x128xf32> to vector<200x128xf32>
    %mul3A_13 = arith.mulf %mul3A, %mul3A_12 : vector<200x128xf32>
    %slice3A_14 = vector.extract_strided_slice %reshape3A {offsets = [0, 1], sizes = [200, 1], strides = [1, 1]} : vector<800x8xf32> to vector<200x1xf32>
    %mul3A_15 = vector.broadcast %slice3A_14 : vector<200x1xf32> to vector<200x128xf32>
    %mul3A_16 = vector.broadcast %sub3A : vector<1x128xf32> to vector<200x128xf32>
    %mul3A_17 = arith.mulf %mul3A_15, %mul3A_16 : vector<200x128xf32>
    %slice3A_18 = vector.extract_strided_slice %reshape3A {offsets = [0, 2], sizes = [200, 1], strides = [1, 1]} : vector<800x8xf32> to vector<200x1xf32>
    %mul3A_19 = vector.broadcast %slice3A_18 : vector<200x1xf32> to vector<200x128xf32>
    %mul3A_20 = vector.broadcast %sub3A : vector<1x128xf32> to vector<200x128xf32>
    %mul3A_21 = arith.mulf %mul3A_19, %mul3A_20 : vector<200x128xf32>
    %slice3A_22 = vector.extract_strided_slice %reshape3A {offsets = [0, 3], sizes = [200, 1], strides = [1, 1]} : vector<800x8xf32> to vector<200x1xf32>
    %mul3A_23 = vector.broadcast %slice3A_22 : vector<200x1xf32> to vector<200x128xf32>
    %mul3A_24 = vector.broadcast %sub3A : vector<1x128xf32> to vector<200x128xf32>
    %mul3A_25 = arith.mulf %mul3A_23, %mul3A_24 : vector<200x128xf32>
    %slice3A_26 = vector.extract_strided_slice %reshape3A {offsets = [0, 4], sizes = [200, 1], strides = [1, 1]} : vector<800x8xf32> to vector<200x1xf32>
    %mul3A_27 = vector.broadcast %slice3A_26 : vector<200x1xf32> to vector<200x128xf32>
    %mul3A_28 = vector.broadcast %sub3A : vector<1x128xf32> to vector<200x128xf32>
    %mul3A_29 = arith.mulf %mul3A_27, %mul3A_28 : vector<200x128xf32>
    %slice3A_30 = vector.extract_strided_slice %reshape3A {offsets = [0, 5], sizes = [200, 1], strides = [1, 1]} : vector<800x8xf32> to vector<200x1xf32>
    %mul3A_31 = vector.broadcast %slice3A_30 : vector<200x1xf32> to vector<200x128xf32>
    %mul3A_32 = vector.broadcast %sub3A : vector<1x128xf32> to vector<200x128xf32>
    %mul3A_33 = arith.mulf %mul3A_31, %mul3A_32 : vector<200x128xf32>
    %slice3A_34 = vector.extract_strided_slice %reshape3A {offsets = [0, 6], sizes = [200, 1], strides = [1, 1]} : vector<800x8xf32> to vector<200x1xf32>
    %mul3A_35 = vector.broadcast %slice3A_34 : vector<200x1xf32> to vector<200x128xf32>
    %mul3A_36 = vector.broadcast %sub3A : vector<1x128xf32> to vector<200x128xf32>
    %mul3A_37 = arith.mulf %mul3A_35, %mul3A_36 : vector<200x128xf32>
    %slice3A_38 = vector.extract_strided_slice %reshape3A {offsets = [0, 7], sizes = [200, 1], strides = [1, 1]} : vector<800x8xf32> to vector<200x1xf32>
    %mul3A_39 = vector.broadcast %slice3A_38 : vector<200x1xf32> to vector<200x128xf32>
    %mul3A_40 = vector.broadcast %sub3A : vector<1x128xf32> to vector<200x128xf32>
    %mul3A_41 = arith.mulf %mul3A_39, %mul3A_40 : vector<200x128xf32>
    %slice3A_42 = vector.extract_strided_slice %reshape3A {offsets = [200, 0], sizes = [200, 1], strides = [1, 1]} : vector<800x8xf32> to vector<200x1xf32>
    %mul3A_43 = vector.broadcast %slice3A_42 : vector<200x1xf32> to vector<200x128xf32>
    %mul3A_44 = vector.broadcast %sub3A : vector<1x128xf32> to vector<200x128xf32>
    %mul3A_45 = arith.mulf %mul3A_43, %mul3A_44 : vector<200x128xf32>
    %slice3A_46 = vector.extract_strided_slice %reshape3A {offsets = [200, 1], sizes = [200, 1], strides = [1, 1]} : vector<800x8xf32> to vector<200x1xf32>
    %mul3A_47 = vector.broadcast %slice3A_46 : vector<200x1xf32> to vector<200x128xf32>
    %mul3A_48 = vector.broadcast %sub3A : vector<1x128xf32> to vector<200x128xf32>
    %mul3A_49 = arith.mulf %mul3A_47, %mul3A_48 : vector<200x128xf32>
    %slice3A_50 = vector.extract_strided_slice %reshape3A {offsets = [200, 2], sizes = [200, 1], strides = [1, 1]} : vector<800x8xf32> to vector<200x1xf32>
    %mul3A_51 = vector.broadcast %slice3A_50 : vector<200x1xf32> to vector<200x128xf32>
    %mul3A_52 = vector.broadcast %sub3A : vector<1x128xf32> to vector<200x128xf32>
    %mul3A_53 = arith.mulf %mul3A_51, %mul3A_52 : vector<200x128xf32>
    %slice3A_54 = vector.extract_strided_slice %reshape3A {offsets = [200, 3], sizes = [200, 1], strides = [1, 1]} : vector<800x8xf32> to vector<200x1xf32>
    %mul3A_55 = vector.broadcast %slice3A_54 : vector<200x1xf32> to vector<200x128xf32>
    %mul3A_56 = vector.broadcast %sub3A : vector<1x128xf32> to vector<200x128xf32>
    %mul3A_57 = arith.mulf %mul3A_55, %mul3A_56 : vector<200x128xf32>
    %slice3A_58 = vector.extract_strided_slice %reshape3A {offsets = [200, 4], sizes = [200, 1], strides = [1, 1]} : vector<800x8xf32> to vector<200x1xf32>
    %mul3A_59 = vector.broadcast %slice3A_58 : vector<200x1xf32> to vector<200x128xf32>
    %mul3A_60 = vector.broadcast %sub3A : vector<1x128xf32> to vector<200x128xf32>
    %mul3A_61 = arith.mulf %mul3A_59, %mul3A_60 : vector<200x128xf32>
    %slice3A_62 = vector.extract_strided_slice %reshape3A {offsets = [200, 5], sizes = [200, 1], strides = [1, 1]} : vector<800x8xf32> to vector<200x1xf32>
    %mul3A_63 = vector.broadcast %slice3A_62 : vector<200x1xf32> to vector<200x128xf32>
    %mul3A_64 = vector.broadcast %sub3A : vector<1x128xf32> to vector<200x128xf32>
    %mul3A_65 = arith.mulf %mul3A_63, %mul3A_64 : vector<200x128xf32>
    %slice3A_66 = vector.extract_strided_slice %reshape3A {offsets = [200, 6], sizes = [200, 1], strides = [1, 1]} : vector<800x8xf32> to vector<200x1xf32>
    %mul3A_67 = vector.broadcast %slice3A_66 : vector<200x1xf32> to vector<200x128xf32>
    %mul3A_68 = vector.broadcast %sub3A : vector<1x128xf32> to vector<200x128xf32>
    %mul3A_69 = arith.mulf %mul3A_67, %mul3A_68 : vector<200x128xf32>
    %slice3A_70 = vector.extract_strided_slice %reshape3A {offsets = [200, 7], sizes = [200, 1], strides = [1, 1]} : vector<800x8xf32> to vector<200x1xf32>
    %mul3A_71 = vector.broadcast %slice3A_70 : vector<200x1xf32> to vector<200x128xf32>
    %mul3A_72 = vector.broadcast %sub3A : vector<1x128xf32> to vector<200x128xf32>
    %mul3A_73 = arith.mulf %mul3A_71, %mul3A_72 : vector<200x128xf32>
    %slice3A_74 = vector.extract_strided_slice %reshape3A {offsets = [400, 0], sizes = [200, 1], strides = [1, 1]} : vector<800x8xf32> to vector<200x1xf32>
    %mul3A_75 = vector.broadcast %slice3A_74 : vector<200x1xf32> to vector<200x128xf32>
    %mul3A_76 = vector.broadcast %sub3A : vector<1x128xf32> to vector<200x128xf32>
    %mul3A_77 = arith.mulf %mul3A_75, %mul3A_76 : vector<200x128xf32>
    %slice3A_78 = vector.extract_strided_slice %reshape3A {offsets = [400, 1], sizes = [200, 1], strides = [1, 1]} : vector<800x8xf32> to vector<200x1xf32>
    %mul3A_79 = vector.broadcast %slice3A_78 : vector<200x1xf32> to vector<200x128xf32>
    %mul3A_80 = vector.broadcast %sub3A : vector<1x128xf32> to vector<200x128xf32>
    %mul3A_81 = arith.mulf %mul3A_79, %mul3A_80 : vector<200x128xf32>
    %slice3A_82 = vector.extract_strided_slice %reshape3A {offsets = [400, 2], sizes = [200, 1], strides = [1, 1]} : vector<800x8xf32> to vector<200x1xf32>
    %mul3A_83 = vector.broadcast %slice3A_82 : vector<200x1xf32> to vector<200x128xf32>
    %mul3A_84 = vector.broadcast %sub3A : vector<1x128xf32> to vector<200x128xf32>
    %mul3A_85 = arith.mulf %mul3A_83, %mul3A_84 : vector<200x128xf32>
    %slice3A_86 = vector.extract_strided_slice %reshape3A {offsets = [400, 3], sizes = [200, 1], strides = [1, 1]} : vector<800x8xf32> to vector<200x1xf32>
    %mul3A_87 = vector.broadcast %slice3A_86 : vector<200x1xf32> to vector<200x128xf32>
    %mul3A_88 = vector.broadcast %sub3A : vector<1x128xf32> to vector<200x128xf32>
    %mul3A_89 = arith.mulf %mul3A_87, %mul3A_88 : vector<200x128xf32>
    %slice3A_90 = vector.extract_strided_slice %reshape3A {offsets = [400, 4], sizes = [200, 1], strides = [1, 1]} : vector<800x8xf32> to vector<200x1xf32>
    %mul3A_91 = vector.broadcast %slice3A_90 : vector<200x1xf32> to vector<200x128xf32>
    %mul3A_92 = vector.broadcast %sub3A : vector<1x128xf32> to vector<200x128xf32>
    %mul3A_93 = arith.mulf %mul3A_91, %mul3A_92 : vector<200x128xf32>
    %slice3A_94 = vector.extract_strided_slice %reshape3A {offsets = [400, 5], sizes = [200, 1], strides = [1, 1]} : vector<800x8xf32> to vector<200x1xf32>
    %mul3A_95 = vector.broadcast %slice3A_94 : vector<200x1xf32> to vector<200x128xf32>
    %mul3A_96 = vector.broadcast %sub3A : vector<1x128xf32> to vector<200x128xf32>
    %mul3A_97 = arith.mulf %mul3A_95, %mul3A_96 : vector<200x128xf32>
    %slice3A_98 = vector.extract_strided_slice %reshape3A {offsets = [400, 6], sizes = [200, 1], strides = [1, 1]} : vector<800x8xf32> to vector<200x1xf32>
    %mul3A_99 = vector.broadcast %slice3A_98 : vector<200x1xf32> to vector<200x128xf32>
    %mul3A_100 = vector.broadcast %sub3A : vector<1x128xf32> to vector<200x128xf32>
    %mul3A_101 = arith.mulf %mul3A_99, %mul3A_100 : vector<200x128xf32>
    %slice3A_102 = vector.extract_strided_slice %reshape3A {offsets = [400, 7], sizes = [200, 1], strides = [1, 1]} : vector<800x8xf32> to vector<200x1xf32>
    %mul3A_103 = vector.broadcast %slice3A_102 : vector<200x1xf32> to vector<200x128xf32>
    %mul3A_104 = vector.broadcast %sub3A : vector<1x128xf32> to vector<200x128xf32>
    %mul3A_105 = arith.mulf %mul3A_103, %mul3A_104 : vector<200x128xf32>
    %slice3A_106 = vector.extract_strided_slice %reshape3A {offsets = [600, 0], sizes = [200, 1], strides = [1, 1]} : vector<800x8xf32> to vector<200x1xf32>
    %mul3A_107 = vector.broadcast %slice3A_106 : vector<200x1xf32> to vector<200x128xf32>
    %mul3A_108 = vector.broadcast %sub3A : vector<1x128xf32> to vector<200x128xf32>
    %mul3A_109 = arith.mulf %mul3A_107, %mul3A_108 : vector<200x128xf32>
    %slice3A_110 = vector.extract_strided_slice %reshape3A {offsets = [600, 1], sizes = [200, 1], strides = [1, 1]} : vector<800x8xf32> to vector<200x1xf32>
    %mul3A_111 = vector.broadcast %slice3A_110 : vector<200x1xf32> to vector<200x128xf32>
    %mul3A_112 = vector.broadcast %sub3A : vector<1x128xf32> to vector<200x128xf32>
    %mul3A_113 = arith.mulf %mul3A_111, %mul3A_112 : vector<200x128xf32>
    %slice3A_114 = vector.extract_strided_slice %reshape3A {offsets = [600, 2], sizes = [200, 1], strides = [1, 1]} : vector<800x8xf32> to vector<200x1xf32>
    %mul3A_115 = vector.broadcast %slice3A_114 : vector<200x1xf32> to vector<200x128xf32>
    %mul3A_116 = vector.broadcast %sub3A : vector<1x128xf32> to vector<200x128xf32>
    %mul3A_117 = arith.mulf %mul3A_115, %mul3A_116 : vector<200x128xf32>
    %slice3A_118 = vector.extract_strided_slice %reshape3A {offsets = [600, 3], sizes = [200, 1], strides = [1, 1]} : vector<800x8xf32> to vector<200x1xf32>
    %mul3A_119 = vector.broadcast %slice3A_118 : vector<200x1xf32> to vector<200x128xf32>
    %mul3A_120 = vector.broadcast %sub3A : vector<1x128xf32> to vector<200x128xf32>
    %mul3A_121 = arith.mulf %mul3A_119, %mul3A_120 : vector<200x128xf32>
    %slice3A_122 = vector.extract_strided_slice %reshape3A {offsets = [600, 4], sizes = [200, 1], strides = [1, 1]} : vector<800x8xf32> to vector<200x1xf32>
    %mul3A_123 = vector.broadcast %slice3A_122 : vector<200x1xf32> to vector<200x128xf32>
    %mul3A_124 = vector.broadcast %sub3A : vector<1x128xf32> to vector<200x128xf32>
    %mul3A_125 = arith.mulf %mul3A_123, %mul3A_124 : vector<200x128xf32>
    %slice3A_126 = vector.extract_strided_slice %reshape3A {offsets = [600, 5], sizes = [200, 1], strides = [1, 1]} : vector<800x8xf32> to vector<200x1xf32>
    %mul3A_127 = vector.broadcast %slice3A_126 : vector<200x1xf32> to vector<200x128xf32>
    %mul3A_128 = vector.broadcast %sub3A : vector<1x128xf32> to vector<200x128xf32>
    %mul3A_129 = arith.mulf %mul3A_127, %mul3A_128 : vector<200x128xf32>
    %slice3A_130 = vector.extract_strided_slice %reshape3A {offsets = [600, 6], sizes = [200, 1], strides = [1, 1]} : vector<800x8xf32> to vector<200x1xf32>
    %mul3A_131 = vector.broadcast %slice3A_130 : vector<200x1xf32> to vector<200x128xf32>
    %mul3A_132 = vector.broadcast %sub3A : vector<1x128xf32> to vector<200x128xf32>
    %mul3A_133 = arith.mulf %mul3A_131, %mul3A_132 : vector<200x128xf32>
    %slice3A_134 = vector.extract_strided_slice %reshape3A {offsets = [600, 7], sizes = [200, 1], strides = [1, 1]} : vector<800x8xf32> to vector<200x1xf32>
    %mul3A_135 = vector.broadcast %slice3A_134 : vector<200x1xf32> to vector<200x128xf32>
    %mul3A_136 = vector.broadcast %sub3A : vector<1x128xf32> to vector<200x128xf32>
    %mul3A_137 = arith.mulf %mul3A_135, %mul3A_136 : vector<200x128xf32>
    %concatenate3A = tpu.concatenate %mul3A_13, %mul3A_17, %mul3A_21, %mul3A_25, %mul3A_29, %mul3A_33, %mul3A_37, %mul3A_41, %mul3A_45, %mul3A_49, %mul3A_53, %mul3A_57, %mul3A_61, %mul3A_65, %mul3A_69, %mul3A_73, %mul3A_77, %mul3A_81, %mul3A_85, %mul3A_89, %mul3A_93, %mul3A_97, %mul3A_101, %mul3A_105, %mul3A_109, %mul3A_113, %mul3A_117, %mul3A_121, %mul3A_125, %mul3A_129, %mul3A_133, %mul3A_137 in 0 : vector<200x128xf32>, vector<200x128xf32>, vector<200x128xf32>, vector<200x128xf32>, vector<200x128xf32>, vector<200x128xf32>, vector<200x128xf32>, vector<200x128xf32>, vector<200x128xf32>, vector<200x128xf32>, vector<200x128xf32>, vector<200x128xf32>, vector<200x128xf32>, vector<200x128xf32>, vector<200x128xf32>, vector<200x128xf32>, vector<200x128xf32>, vector<200x128xf32>, vector<200x128xf32>, vector<200x128xf32>, vector<200x128xf32>, vector<200x128xf32>, vector<200x128xf32>, vector<200x128xf32>, vector<200x128xf32>, vector<200x128xf32>, vector<200x128xf32>, vector<200x128xf32>, vector<200x128xf32>, vector<200x128xf32>, vector<200x128xf32>, vector<200x128xf32> -> vector<6400x128xf32>
    %add3A = arith.addf %get3A_1, %concatenate3A : vector<6400x128xf32>
    %get3A_138 = arith.constant 0 : index
    %get3A_139 = arith.constant 0 : index
    %get3A_140 = vector.load %arg4[%get3A_138, %get3A_139] : memref<6400x128xf32, #tpu.memory_space<vmem>>, vector<6400x128xf32>
    %add3A_141 = arith.addf %add3A, %get3A_140 : vector<6400x128xf32>
    %broadcast_in_dim3A = arith.constant 7.812500e-03 : bf16
    %broadcast_in_dim3A_142 = vector.broadcast %broadcast_in_dim3A : bf16 to vector<128x128xbf16>
    %convert_element_type3A = arith.truncf %add3A_141 : vector<6400x128xf32> to vector<6400x128xbf16>
    %dot_general3A = arith.constant dense<0.000000e+00> : vector<6400x128xf32>
    %dot_general3A_143 = tpu.matmul %convert_element_type3A, %broadcast_in_dim3A_142, %dot_general3A {dimension_numbers = #tpu.dot_dimension_numbers<[1], [0], [0], [1], [0, 0, 1, 1], [], []>, transpose_lhs_hint = false} : vector<6400x128xbf16>, vector<128x128xbf16>, vector<6400x128xf32> -> vector<6400x128xf32>
    %mul3A_144 = arith.mulf %convert_element_type3A, %convert_element_type3A : vector<6400x128xbf16>
    %dot_general3A_145 = arith.constant dense<0.000000e+00> : vector<6400x128xf32>
    %dot_general3A_146 = tpu.matmul %mul3A_144, %broadcast_in_dim3A_142, %dot_general3A_145 {dimension_numbers = #tpu.dot_dimension_numbers<[1], [0], [0], [1], [0, 0, 1, 1], [], []>, transpose_lhs_hint = false} : vector<6400x128xbf16>, vector<128x128xbf16>, vector<6400x128xf32> -> vector<6400x128xf32>
    %sub3A_147 = arith.subf %add3A_141, %dot_general3A_143 : vector<6400x128xf32>
    %mul3A_148 = arith.mulf %dot_general3A_143, %dot_general3A_143 : vector<6400x128xf32>
    %sub3A_149 = arith.subf %dot_general3A_146, %mul3A_148 : vector<6400x128xf32>
    %add3A_150 = arith.constant 9.99999974E-6 : f32
    %add3A_151 = vector.broadcast %add3A_150 : f32 to vector<6400x128xf32>
    %add3A_152 = arith.addf %sub3A_149, %add3A_151 : vector<6400x128xf32>
    %rsqrt3A = math.rsqrt %add3A_152 : vector<6400x128xf32>
    %get3A_153 = arith.constant 0 : index
    %get3A_154 = arith.constant 0 : index
    %get3A_155 = vector.load %arg5[%get3A_153, %get3A_154] : memref<1x128xf32, #tpu.memory_space<vmem>>, vector<1x128xf32>
    %mul3A_156 = vector.broadcast %get3A_155 : vector<1x128xf32> to vector<6400x128xf32>
    %mul3A_157 = arith.mulf %rsqrt3A, %mul3A_156 : vector<6400x128xf32>
    %mul3A_158 = arith.mulf %sub3A_147, %mul3A_157 : vector<6400x128xf32>
    %get3A_159 = arith.constant 0 : index
    %get3A_160 = arith.constant 0 : index
    %get3A_161 = vector.load %arg6[%get3A_159, %get3A_160] : memref<1x128xf32, #tpu.memory_space<vmem>>, vector<1x128xf32>
    %add3A_162 = vector.broadcast %get3A_161 : vector<1x128xf32> to vector<6400x128xf32>
    %add3A_163 = arith.addf %mul3A_158, %add3A_162 : vector<6400x128xf32>
    %swap3A = arith.constant 0 : index
    %swap3A_164 = arith.constant 0 : index
    %swap3A_165 = vector.load %arg8[%swap3A, %swap3A_164] : memref<6400x128xf32, #tpu.memory_space<vmem>>, vector<6400x128xf32>
    tpu.vector_store %arg8[%swap3A, %swap3A_164], %add3A_163 {strides = array<i32>} : memref<6400x128xf32, #tpu.memory_space<vmem>>, vector<6400x128xf32>,
    return
  }
  func.func @transform_0(%arg0: i32) -> (i32, i32, i32) {
    %add3A = arith.constant 24 : i32
    %add3A_0 = arith.addi %add3A, %arg0 : i32
    %c0_i32 = arith.constant 0 : i32
    %c0_i32_1 = arith.constant 0 : i32
    %c0_i32_2 = arith.constant 0 : i32
    return %add3A_0, %c0_i32, %c0_i32_1 : i32, i32, i32
  }
  func.func @transform_1(%arg0: i32) -> (i32, i32) {
    %c0_i32 = arith.constant 0 : i32
    %c0_i32_0 = arith.constant 0 : i32
    return %arg0, %c0_i32 : i32, i32
  }
  func.func @transform_2(%arg0: i32) -> (i32, i32) {
    %c0_i32 = arith.constant 0 : i32
    %c0_i32_0 = arith.constant 0 : i32
    %c0_i32_1 = arith.constant 0 : i32
    return %c0_i32, %c0_i32_0 : i32, i32
  }
  func.func @transform_3(%arg0: i32) -> (i32, i32) {
    %c0_i32 = arith.constant 0 : i32
    %c0_i32_0 = arith.constant 0 : i32
    %c0_i32_1 = arith.constant 0 : i32
    return %c0_i32, %c0_i32_0 : i32, i32
  }
  func.func @transform_4(%arg0: i32) -> (i32, i32) {
    %c0_i32 = arith.constant 0 : i32
    %c0_i32_0 = arith.constant 0 : i32
    %c0_i32_1 = arith.constant 0 : i32
    return %c0_i32, %c0_i32_0 : i32, i32
  }
  func.func @transform_5(%arg0: i32) -> (i32, i32) {
    %c0_i32 = arith.constant 0 : i32
    %c0_i32_0 = arith.constant 0 : i32
    %c0_i32_1 = arith.constant 0 : i32
    return %c0_i32, %c0_i32_0 : i32, i32
  }
  func.func @transform_7(%arg0: i32) -> (i32, i32) {
    %add3A = arith.constant 24 : i32
    %add3A_0 = arith.addi %add3A, %arg0 : i32
    %c0_i32 = arith.constant 0 : i32
    %c0_i32_1 = arith.constant 0 : i32
    return %add3A_0, %c0_i32 : i32, i32
  }
}

</mosaic_0001>

<sc_bundles>
// kernel: kernel.10.cloned.1.call-start
scs
__scs_entry_jumppad:
0x0: {  	(pc) =	sbr.rel $0x88, $3  }
0x1: {  	(tag) =	ssettag $0x0;
	lr =	simm.s32 $0x1  }
0x2: {  	[smem:$0x3F9A] =	sst lr;
	_ =	strace $0xD0000000  }
0x3: {  	_ = 	snop  }
0x4: {  	_ = 	snop  }
0x5: {  	_ = 	snop  }
0x6: {  	_ = 	snop  }
0x7: {  	_ = 	snop  }
__scs_overlays_trampoline_lowered:
0x8: {  	[smem:$0x3FA9] =	sst s0  }
0x9: {  	[smem:$0x3FAA] =	sst s1  }
0xa: {  	[smem:$0x3FAB] =	sst s2  }
0xb: {  	[smem:$0x3FAC] =	sst s3  }
0xc: {  	[smem:$0x3FAD] =	sst s4  }
0xd: {  	[smem:$0x3FAE] =	sst s5  }
0xe: {  	[smem:$0x3FAF] =	sst s6  }
0xf: {  	[smem:$0x3FB0] =	sst s7  }
0x10: {  	[smem:$0x3FB1] =	sst s8  }
0x11: {  	[smem:$0x3FB2] =	sst s9;
	s0 =	simm.s32 @!p0 $0x0  }
0x12: {  	s1 =	sld [smem:$0x3F98];
	s0 =	simm.s32 @p0 $0x1  }
0x13: {  	[smem:$0x3FB3] =	sst s0;
	s0 =	simm.s32 @!p1 $0x0  }
0x14: {  	s2 =	sld [smem:$0x3F97];
	s0 =	simm.s32 @p1 $0x1  }
0x15: {  	[smem:$0x3FB4] =	sst s0;
	s0 =	simm.s32 @!p2 $0x0  }
0x16: {  	s3 =	sld [smem:$0x3FDB];
	s0 =	simm.s32 @p2 $0x1  }
0x17: {  	s4 =	simm.s32 $0x1BF5;
	[smem:$0x3FB6] =	sst s0  }
0x18: {  	s0 =	sld [smem:$0x3F99];
	_ =	swait.ge [sflag:s4], $0x0  }
0x19: {  	s7 =	sld [smem:$0x3F9A]  }
0x1a: {  	s8 =	sadd.s32 $0xFFFFE003, lr  }
0x1b: {  	s9 =	sadd.s32 $0xFFFFFEF7, lr;
	s5 =	simm.s32 $0xFFFFFFFF;
	p2 =	slt.u32 s8, $0xFFFFF086  }
0x1c: {  	p1 =	slt.u32 s9, $0xF7A;
	s5 =	simm.s32 @!p2 $0x0  }
0x1d: {  	s5 =	simm.s32 @p1 $0x1;
	p0 =	seq.s32 s7, s2  }
0x1e: {  	s7 =	smul.u32 @!p0 $0xF7A, s2;
	p2 =	seq.s32 @!p0 s5, $0x0  }
0x1f: {  	s9 =	smul.u32 $0xF7A, s1;
	s8 =	simm.s32 @!p0 $0x1BF5;
	p2 =	por !p2, p0  }
0x20: {  	[sflag:s8] =	ssyncset.s32 @!p0 $0xFFFFF086;
	s6 =	sadd.s32 @!p0 s3, s7;
	s7 =	simm.s32 @!p0 $0x108  }
0x21: {  	s3 =	sadd.s32 s3, s9;
	s6 =	sadd.s32 @!p0 $0x88, s6;
	s7 =	simm.s32 @p2 $0x1082  }
0x22: {  	[simem:s7], [sflag:s8] =	dma.local @!p0 [hbm:s6], $0xF7A  }
0x23: {  	s9 =	sor.u32 $0xD0000000, s2;
	s6 =	simm.s32 $0x108;
	_ =	swait.ge @!p0 [sflag:s8], $0x0  }
0x24: {  	s3 =	sadd.s32 $0x88, s3;
	s6 =	simm.s32 @!p1 $0x1082;
	[sflag:s4] =	ssyncset.s32 $0xFFFFF086  }
0x25: {  	[simem:s6], [sflag:s4] =	dma.local [hbm:s3], $0xF7A  }
0x26: {  	[smem:$0x3F9A] =	sst s1;
	(tag) =	ssettag s2;
	_ =	strace s9  }
0x27: {  	s1 =	sld [smem:$0x3FAA]  }
0x28: {  	s2 =	sld [smem:$0x3FAB]  }
0x29: {  	s4 =	sld [smem:$0x3FAD]  }
0x2a: {  	p0 =	seq.s32 s5, $0x0;
	s5 =	sld [smem:$0x3FAE]  }
0x2b: {  	s6 =	sld [smem:$0x3FAF]  }
0x2c: {  	s7 =	sld [smem:$0x3FB0]  }
0x2d: {  	s3 =	simm.s32 $0x108;
	s8 =	sld [smem:$0x3FB1]  }
0x2e: {  	s3 =	simm.s32 @!p0 $0x1082;
	s9 =	sld [smem:$0x3FB2]  }
0x2f: {  	lr =	sadd.s32 s0, s3;
	s0 =	sld [smem:$0x3FA9]  }
0x30: {  	s3 =	sld [smem:$0x3FAC]  }
0x31: {  	[smem:$0x3FB5] =	sst s10  }
0x32: {  	s10 =	sld [smem:$0x3FB3];
	_ =	sdelay $0x3  }
0x33: {  	p0 =	seq.s32 s10, $0x1;
	s10 =	sld [smem:$0x3FB5];
	_ =	sdelay $0x3  }
0x34: {  	[smem:$0x3FB5] =	sst s10  }
0x35: {  	s10 =	sld [smem:$0x3FB4];
	_ =	sdelay $0x3  }
0x36: {  	p1 =	seq.s32 s10, $0x1;
	s10 =	sld [smem:$0x3FB5];
	_ =	sdelay $0x3  }
0x37: {  	[smem:$0x3FB5] =	sst s10  }
0x38: {  	s10 =	sld [smem:$0x3FB6]  }
0x39: {  	_ = 	snop;
	(pc) =	sbr.ind lr, $3  }
0x3a: {  	_ = 	snop  }
0x3b: {  	_ = 	snop  }
0x3c: {  	p2 =	seq.s32 s10, $0x1;
	s10 =	sld [smem:$0x3FB5]  }
0x3d: {  	_ =	shalt  }
0x3e: {  	_ =	shalt  }
0x3f: {  	_ =	shalt  }
0x40: {  	_ =	shalt  }
0x41: {  	_ =	shalt  }
0x42: {  	_ =	shalt  }
0x43: {  	_ =	shalt  }
0x44: {  	_ =	shalt  }
0x45: {  	_ =	shalt  }
0x46: {  	_ =	shalt  }
0x47: {  	_ =	shalt  }
0x48: {  	_ =	shalt  }
0x49: {  	_ =	shalt  }
0x4a: {  	_ =	shalt  }
0x4b: {  	_ =	shalt  }
0x4c: {  	_ =	shalt  }
0x4d: {  	_ =	shalt  }
0x4e: {  	_ =	shalt  }
0x4f: {  	_ =	shalt  }
0x50: {  	_ =	shalt  }
0x51: {  	_ =	shalt  }
0x52: {  	_ =	shalt  }
0x53: {  	_ =	shalt  }
0x54: {  	_ =	shalt  }
0x55: {  	_ =	shalt  }
0x56: {  	_ =	shalt  }
0x57: {  	_ =	shalt  }
0x58: {  	_ =	shalt  }
0x59: {  	_ =	shalt  }
0x5a: {  	_ =	shalt  }
0x5b: {  	_ =	shalt  }
0x5c: {  	_ =	shalt  }
0x5d: {  	_ =	shalt  }
0x5e: {  	_ =	shalt  }
0x5f: {  	_ =	shalt  }
0x60: {  	_ =	shalt  }
0x61: {  	_ =	shalt  }
0x62: {  	_ =	shalt  }
0x63: {  	_ =	shalt  }
0x64: {  	_ =	shalt  }
0x65: {  	_ =	shalt  }
0x66: {  	_ =	shalt  }
0x67: {  	_ =	shalt  }
0x68: {  	_ =	shalt  }
0x69: {  	_ =	shalt  }
0x6a: {  	_ =	shalt  }
0x6b: {  	_ =	shalt  }
0x6c: {  	_ =	shalt  }
0x6d: {  	_ =	shalt  }
0x6e: {  	_ =	shalt  }
0x6f: {  	_ =	shalt  }
0x70: {  	_ =	shalt  }
0x71: {  	_ =	shalt  }
0x72: {  	_ =	shalt  }
0x73: {  	_ =	shalt  }
0x74: {  	_ =	shalt  }
0x75: {  	_ =	shalt  }
0x76: {  	_ =	shalt  }
0x77: {  	_ =	shalt  }
0x78: {  	_ =	shalt  }
0x79: {  	_ =	shalt  }
0x7a: {  	_ =	shalt  }
0x7b: {  	_ =	shalt  }
0x7c: {  	_ =	shalt  }
0x7d: {  	_ =	shalt  }
0x7e: {  	_ =	shalt  }
0x7f: {  	_ =	shalt  }
0x80: {  	_ =	shalt  }
0x81: {  	_ =	shalt  }
0x82: {  	_ =	shalt  }
0x83: {  	_ =	shalt  }
0x84: {  	_ =	shalt  }
0x85: {  	_ =	shalt  }
0x86: {  	_ =	shalt  }
0x87: {  	_ =	shalt  }
.Lfunc_end0:
.L_simem_size_0:
called_computation_lowered:
.L_overlay_start_0:
0x88: {  	s2 =	sld [smem:$0x3FD9]  }
0x89: {  	s3 =	sld [smem:$0x3FFE];
	_ =	sdelay $0x1  }
0x8a: {  	s1 =	srdreg.scid  }
0x8b: {  	s0 =	sand.u32 $0x1, s1  }
0x8c: {  	s17 =	sshll.u32 s0, $0xA;
	s2 =	sadd.s32 s3, s2  }
0x8d: {  	s2 =	sadd.s32 s2, s17  }
0x8e: {  	[smem:$0x3FC1] =	sst s2  }
0x8f: {  	_ = 	snop  }
0x90: {  	s2 =	sld [smem:$0x3FC7]  }
0x91: {  	s18 =	sld [smem:$0x3FD0];
	(tm) =	ssettm $0x1  }
0x92: {  	s4 =	sld [smem:$0x3FFB];
	_ =	sdelay $0x3  }
0x93: {  	_ =	strace s4  }
0x94: {  	s4 =	sld [smem:$0x3FFC];
	_ =	sdelay $0x3  }
0x95: {  	_ =	strace s4  }
0x96: {  	s4 =	sld [smem:$0x3FFD];
	_ =	sdelay $0x3  }
0x97: {  	_ =	strace s4  }
0x98: {  	_ =	strace $0x8FFFFFFF  }
0x99: {  	s19 =	sld [smem:$0x3FDB];
	_ =	sdelay $0x1  }
0x9a: {  	s5 =	simm.s32 $_scs_section_size  }
0x9b: {  	s6 =	simm.s32 $_size__tile_overlayer_lowered;
	s7 =	simm.s32 $_tile_overlayer_lowered  }
0x9c: {  	s22 =	simm.s32 $0x1BFF;
	s21 =	sshll.u32 s7, $0x1;
	s4 =	sadd.s32 s5, s19  }
0x9d: {  	s8 =	simm.s32 $0x0;
	s20 =	sshll.u32 s6, $0x1;
	s6 =	sadd.s32 s21, s4  }
0x9e: {  	[timem:s8], [sflag:s22] =	dma.local [hbm:s6], s20  }
0x9f: {  	_ =	swait.ge [sflag:s22], s20  }
0xa0: {  	s5 =	ssub.s32 $0x0, s20;
	[sflag:s22] =	ssyncset.done $0x0  }
0xa1: {  	[sflag:s22] =	ssyncadd.s32 s5;
	_ =	sdelay $0x1  }
0xa2: {  	s23 =	simm.s32 $0x1B8B  }
0xa3: {  	_ =	swait.ge [sflag:s23], $0x1  }
0xa4: {  	[sflag:s23] =	ssyncset.done $0x0  }
0xa5: {  	s25 =	simm.s32 $0x1B8E;
	s24 =	sld [smem:$0x3FFE];
	[sflag:s23] =	ssyncadd.s32 $0xFFFFFFFF  }
0xa6: {  	s26 =	simm.s32 $execute0_lowered;
	[smem:$0x3FD2] =	sst s25  }
0xa7: {  	s6 =	sshll.u32 s26, $0x1;
	_ =	strace $0x80000046;
	[dreg:$0x1] =	wrdreg $0xFFFFFFFF  }
0xa8: {  	s28 =	simm.s32 $_size_execute0_lowered;
	s4 =	sadd.s32 s4, s6;
	[dreg:$0x0] =	wrdreg $0x0  }
0xa9: {  	s6 =	sshll.u32 s28, $0x1;
	[dreg:$0x2] =	wrdreg s4  }
0xaa: {  	[dreg:$0x3] =	wrdreg s6  }
0xab: {  	[dreg:$0x4] =	wrdreg $0xC0  }
0xac: {  	_ =	task [dreg:s8], $0x5FFFF  }
0xad: {  	[dreg:$0x1] =	wrdreg $0xFFFFFFFF  }
0xae: {  	[dreg:$0x0] =	wrdreg $0x60  }
0xaf: {  	[dreg:$0x2] =	wrdreg s18  }
0xb0: {  	[dreg:$0x3] =	wrdreg s2  }
0xb1: {  	[dreg:$0x4] =	wrdreg s24  }
0xb2: {  	[dreg:$0x5] =	wrdreg $0x9  }
0xb3: {  	_ =	task.clear_ibuf [dreg:s8], $0x6FFFF;
	_ =	strace $0x90000046  }
0xb4: {  	s29 =	simm.s32 $0x9;
	_ =	strace $0x80000048  }
0xb5: {  	_ =	swait.ge [sflag:s29], $0x1  }
0xb6: {  	[sflag:s29] =	ssyncadd.s32 $0xFFFFFFFF  }
0xb7: {  	_ =	strace $0x90000048  }
0xb8: {  	_ =	sfence  }
0xb9: {  	s30 =	sld [smem:$0x0];
	_ =	sdelay $0x2  }
0xba: {  	s31 =	sshll.u32 s1, $0xD;
	s1 =	sshrl.u32 s1, $0x2  }
0xbb: {  	s3 =	sand.u32 $0x4000, s31;
	s1 =	sadd.s32 s1, s30  }
0xbc: {  	s0 =	sor.u32 s3, s0;
	s1 =	sshll.u32 s1, $0x11  }
0xbd: {  	s0 =	sor.u32 s1, s0  }
0xbe: {  	s0 =	sadd.s32 $0x8F2B, s0  }
0xbf: {  	[sflag:s0] =	ssyncadd.remote.s32 $0x1  }
0xc0: {  	_ =	sfence.sel $0xFFFF  }
0xc1: {  	[dreg:$0x0] =	wrdreg $0xFFFFFFFF;
	(pc) =	sbr.abs _section_cstart, $3  }
0xc2: {  	[dreg:$0x1] =	wrdreg $0xFFFFFFFF  }
0xc3: {  	_ =	task.clear_ibuf [dreg:s8], $0x2FFFF;
	_ =	strace $0x9FFFFFFF  }
0xc4: {  	(tm) =	ssettm $0x7FFFFFFF  }
0xc5: {  	_ =	shalt  }
tec
execute0_lowered:
.L_overlay_start_1:
0x0: {  	(tag) =	ssettag $0x1  }
0x1: {  	s10 =	rddreg [dreg:$0x0];
	s1 =	srdreg.scid  }
0x2: {  	s0 =	stileid.u32;
	s2 =	rddreg [dreg:$0x1]  }
0x3: {  	s4 =	rddreg [dreg:$0x2];
	s3 =	simm.s32 $0x0;
	s14 =	simm.s32 $0x80  }
0x4: {  	s15 =	simm.s32 $0x2900;
	s16 =	simm.s32 $0x1;
	s17 =	simm.s32 $0x2  }
0x5: {  	s18 =	simm.s32 $0x0;
	s6 =	sand.u32 $0x1, s1;
	s9 =	smul.u32 $0xC800, s0  }
0x6: {  	s25 =	sshll.u32 s0, $0x1;
	s1 =	rddreg [dreg:$0x3];
	s12 =	smul.u32 $0xC80, s0  }
0x7: {  	[smem:$0x7FF] =	sst s3;
	s11 =	sadd.s32 $0x1E00, s4;
	s30 =	smul.u32 $0x640, s6  }
0x8: {  	s5 =	sor.u32 s6, s25;
	s26 =	ssub.s32 $0x2, s6;
	s13 =	smul.u32 $0x6400, s6  }
0x9: {  	_ =	strace $0x80000047;
	s7 =	smul.u32 $0x640, s5;
	s28 =	sshrl.u32 s26, $0x1  }
0xa: {  	s8 =	smul.u32 $0x6400, s5;
	s9 =	sadd.s32 s9, s11;
	s5 =	ssub.s32 s26, s28  }
0xb: {  	s12 =	sadd.s32 s30, s12;
	s9 =	sadd.s32 s13, s9;
	s13 =	simm.s32 $0x100  }
0xc: {  	s29 =	sshrl.u32 s7, $0x3;
	s5 =	smax.u32 s5, $0x1;
	s7 =	sadd.s32 s11, s8  }
0xd: {  	s31 =	sadd.s32 $0xA0, s12;
	s9 =	sadd.s32 $0x500, s9;
	s12 =	simm.s32 $0x50  }
0xe: {  	s4 =	sadd.s32 s10, s29;
	s8 =	sadd.s32 $0x5F00, s7;
	s11 =	sshrl.u32 s31, $0x3  }
0xf: {  	s6 =	sadd.s32 $0xA, s4;
	s10 =	sadd.s32 s11, s10;
	s11 =	simm.s32 $0x3  }
.LBB2_1:
0x10: {  	[tilespmem:s3], [sflag:$0x3] =	stream.linear.gather [hbm4b:s4+s3], $0x50, $0x38;
	[tilespmem:$0x5100] =	vst v63  }
0x11: {  	_ =	swait.ge [sflag:s11], $0x50  }
0x12: {  	[sflag:s11] =	ssyncset.done $0x0  }
0x13: {  	[sflag:s11] =	ssyncadd.s32 $0xFFFFFFB0  }
0x14: {  	[tilespmem:s13], [sflag:$0x1] =	stream.indirect.gather [hbm4b:s2+s12], $0x80, s3, s12, $0xb8;
	[tilespmem:$0x5100] =	vst v63  }
0x15: {  	_ = 	snop  }
0x16: {  	[tilespmem:s14], [sflag:$0x3] =	stream.linear.gather [hbm4b:s6+s3], $0x50, $0x38;
	[tilespmem:$0x5100] =	vst v63  }
0x17: {  	_ =	swait.ge [sflag:s11], $0x50  }
0x18: {  	[sflag:s11] =	ssyncset.done $0x0  }
0x19: {  	[sflag:s11] =	ssyncadd.s32 $0xFFFFFFB0  }
0x1a: {  	[tilespmem:s15], [sflag:$0x1] =	stream.indirect.gather [hbm4b:s2+s12], $0x80, s14, s12, $0xb8;
	[tilespmem:$0x5100] =	vst v63  }
0x1b: {  	_ =	swait.ge [sflag:s16], $0x2800  }
0x1c: {  	[sflag:s16] =	ssyncset.done $0x0  }
0x1d: {  	[sflag:s16] =	ssyncadd.s32 $0xFFFFD800  }
0x1e: {  	[hbm4b:s7+s3] =	stream.linear.scatter [tilespmem:s13], [sflag:$0x2], $0x2800, $0x38;
	[tilespmem:$0x5100] =	vst v63  }
0x1f: {  	_ =	swait.ge [sflag:s17], $0x2800  }
0x20: {  	s20 =	sand.u32 $0x1, s17;
	[sflag:s17] =	ssyncset.done $0x0  }
0x21: {  	s19 =	sshll.u32 s20, $0x7;
	s21 =	smul.u32 $0xA000, s20;
	[sflag:s17] =	ssyncadd.s32 $0xFFFFD800  }
0x22: {  	[tilespmem:s19], [sflag:$0x3] =	stream.linear.gather [hbm4b:s10+s3], $0x50, $0x38;
	[tilespmem:$0x5100] =	vst v63  }
0x23: {  	_ =	swait.ge [sflag:s11], $0x50  }
0x24: {  	s21 =	sshrl.u32 s21, $0x2;
	[sflag:s11] =	ssyncset.done $0x0  }
0x25: {  	s23 =	simm.s32 $0x100;
	s21 =	sor.u32 $0x100, s21;
	[sflag:s11] =	ssyncadd.s32 $0xFFFFFFB0  }
0x26: {  	[tilespmem:s21], [sflag:$0x1] =	stream.indirect.gather [hbm4b:s2+s12], $0x80, s19, s12, $0xb8;
	[tilespmem:$0x5100] =	vst v63  }
0x27: {  	s22 =	smov.u32 s9;
	p0 =	seq.s32 s20, $0x1;
	_ =	swait.ge [sflag:s16], $0x2800  }
0x28: {  	s20 =	sadd.s32 $0xA, s10;
	s23 =	simm.s32 @!p0 $0x2900;
	[sflag:s16] =	ssyncset.done $0x0  }
0x29: {  	s19 =	simm.s32 $0x3;
	s21 =	sadd.s32 $0x500, s9;
	[sflag:s16] =	ssyncadd.s32 $0xFFFFD800  }
.LBB2_2:
0x2a: {  	[hbm4b:s22+s3] =	stream.linear.scatter [tilespmem:s23], [sflag:$0x2], $0x2800, $0x38;
	[tilespmem:$0x5100] =	vst v63  }
0x2b: {  	s23 =	smov.u32 s19;
	s22 =	smov.u32 s21  }
0x2c: {  	p0 =	sne.s32 s19, $0x13;
	s19 =	sadd.s32 $0x1, s19;
	_ =	swait.ge [sflag:s17], $0x2800  }
0x2d: {  	s23 =	sand.u32 $0x1, s23;
	[sflag:s17] =	ssyncset.done $0x0  }
0x2e: {  	s24 =	sshll.u32 s23, $0x7;
	s25 =	smul.u32 $0xA000, s23;
	[sflag:s17] =	ssyncadd.s32 $0xFFFFD800  }
0x2f: {  	[tilespmem:s24], [sflag:$0x3] =	stream.linear.gather [hbm4b:s20+s3], $0x50, $0x38;
	[tilespmem:$0x5100] =	vst v63  }
0x30: {  	p1 =	seq.s32 s23, $0x1;
	s25 =	sshrl.u32 s25, $0x2;
	_ =	swait.ge [sflag:s11], $0x50  }
0x31: {  	[sflag:s11] =	ssyncset.done $0x0  }
.Ltmp0:
0x32: {  	s23 =	sor.u32 $0x100, s25;
	[sflag:s11] =	ssyncadd.s32 $0xFFFFFFB0;
	(pc) =	sbr.rel @p0 .LBB2_2-.Ltmp0, $4  }
0x33: {  	[tilespmem:s23], [sflag:$0x1] =	stream.indirect.gather [hbm4b:s2+s12], $0x80, s24, s12, $0xb8;
	[tilespmem:$0x5100] =	vst v63  }
0x34: {  	_ =	swait.ge [sflag:s16], $0x2800  }
0x35: {  	s20 =	sadd.s32 $0xA, s20;
	s23 =	simm.s32 $0x100;
	[sflag:s16] =	ssyncset.done $0x0  }
0x36: {  	s21 =	sadd.s32 $0x500, s21;
	s23 =	simm.s32 @!p1 $0x2900;
	[sflag:s16] =	ssyncadd.s32 $0xFFFFD800  }
0x37: {  	[hbm4b:s22+s3] =	stream.linear.scatter [tilespmem:s23], [sflag:$0x2], $0x2800, $0x38;
	[tilespmem:$0x5100] =	vst v63  }
0x38: {  	_ =	swait.ge [sflag:s17], $0x2800  }
0x39: {  	[sflag:s17] =	ssyncset.done $0x0  }
0x3a: {  	[sflag:s17] =	ssyncadd.s32 $0xFFFFD800  }
0x3b: {  	s18 =	sadd.s32 $0x1, s18;
	_ =	swait.ge [sflag:s16], $0x2800  }
0x3c: {  	p0 =	sne.s32 s18, s5;
	[sflag:s16] =	ssyncset.done $0x0  }
.Ltmp1:
0x3d: {  	[sflag:s16] =	ssyncadd.s32 $0xFFFFD800;
	(pc) =	sbr.rel @p0 .LBB2_1-.Ltmp1, $4  }
0x3e: {  	[hbm4b:s8+s3] =	stream.linear.scatter [tilespmem:s15], [sflag:$0x2], $0x2800, $0x38;
	[tilespmem:$0x5100] =	vst v63  }
0x3f: {  	_ =	swait.ge [sflag:s17], $0x2800  }
0x40: {  	[sflag:s17] =	ssyncset.done $0x0  }
0x41: {  	[sflag:s17] =	ssyncadd.s32 $0xFFFFD800  }
0x42: {  	_ =	sfence.sel $0x180000  }
0x43: {  	[bflag:$0x0] =	sbarrier.arrive $0xFFFF  }
0x44: {  	p0 =	sne.s32 s0, $0x0;
	_ =	strace $0x90000047  }
0x45: {  	s0 =	sadd.s32 @!p0 $0x100000, s1;
	[bflag:$0x2] =	sbarrier.arrive $0xFFFF  }
0x46: {  	[sflag:s0] =	ssyncadd.tile.s32 @!p0 $0x1;
	_ =	shalt  }
.Lfunc_end2:
_tile_overlayer_lowered:
.L_overlay_start_2:
0x47: {  	(tag) =	ssettag $0x2  }
0x48: {  	s0 =	rddreg [dreg:$0x0];
	s2 =	stileid.u32  }
0x49: {  	s1 =	rddreg [dreg:$0x1];
	p0 =	sne.s32 s2, $0x0  }
0x4a: {  	s3 =	rddreg [dreg:$0x2];
	[bflag:$0x3] =	sbarrier.arrive $0xFFFF;
	s2 =	simm.s32 @!p0 $0x1C03  }
0x4b: {  	[timem:s3], [sflag:s2] =	dma.local @!p0 [hbm:s0], s1  }
0x4c: {  	s0 =	simm.s32 @!p0 $0x3  }
0x4d: {  	_ =	swait.ge @!p0 [sflag:s0], s1  }
0x4e: {  	s1 =	ssub.s32 @!p0 $0x0, s1;
	[sflag:s0] =	ssyncset.done @!p0 $0x0  }
0x4f: {  	[sflag:s0] =	ssyncadd.s32 @!p0 s1  }
0x50: {  	[bflag:$0x3] =	sbarrier.arrive $0xFFFF  }
0x51: {  	_ =	shalt  }

// kernel: kernel.13.cloned.1.call-start
scs
__scs_entry_jumppad:
0x0: {  	(pc) =	sbr.rel $0x88, $3  }
0x1: {  	(tag) =	ssettag $0x0;
	lr =	simm.s32 $0x1  }
0x2: {  	[smem:$0x3F9A] =	sst lr;
	_ =	strace $0xD0000000  }
0x3: {  	_ = 	snop  }
0x4: {  	_ = 	snop  }
0x5: {  	_ = 	snop  }
0x6: {  	_ = 	snop  }
0x7: {  	_ = 	snop  }
__scs_overlays_trampoline_lowered:
0x8: {  	[smem:$0x3FA9] =	sst s0  }
0x9: {  	[smem:$0x3FAA] =	sst s1  }
0xa: {  	[smem:$0x3FAB] =	sst s2  }
0xb: {  	[smem:$0x3FAC] =	sst s3  }
0xc: {  	[smem:$0x3FAD] =	sst s4  }
0xd: {  	[smem:$0x3FAE] =	sst s5  }
0xe: {  	[smem:$0x3FAF] =	sst s6  }
0xf: {  	[smem:$0x3FB0] =	sst s7  }
0x10: {  	[smem:$0x3FB1] =	sst s8  }
0x11: {  	[smem:$0x3FB2] =	sst s9;
	s0 =	simm.s32 @!p0 $0x0  }
0x12: {  	s1 =	sld [smem:$0x3F98];
	s0 =	simm.s32 @p0 $0x1  }
0x13: {  	[smem:$0x3FB3] =	sst s0;
	s0 =	simm.s32 @!p1 $0x0  }
0x14: {  	s2 =	sld [smem:$0x3F97];
	s0 =	simm.s32 @p1 $0x1  }
0x15: {  	[smem:$0x3FB4] =	sst s0;
	s0 =	simm.s32 @!p2 $0x0  }
0x16: {  	s3 =	sld [smem:$0x3FDB];
	s0 =	simm.s32 @p2 $0x1  }
0x17: {  	s4 =	simm.s32 $0x1BF5;
	[smem:$0x3FB6] =	sst s0  }
0x18: {  	s0 =	sld [smem:$0x3F99];
	_ =	swait.ge [sflag:s4], $0x0  }
0x19: {  	s7 =	sld [smem:$0x3F9A]  }
0x1a: {  	s8 =	sadd.s32 $0xFFFFE003, lr  }
0x1b: {  	s9 =	sadd.s32 $0xFFFFFEF7, lr;
	s5 =	simm.s32 $0xFFFFFFFF;
	p2 =	slt.u32 s8, $0xFFFFF086  }
0x1c: {  	p1 =	slt.u32 s9, $0xF7A;
	s5 =	simm.s32 @!p2 $0x0  }
0x1d: {  	s5 =	simm.s32 @p1 $0x1;
	p0 =	seq.s32 s7, s2  }
0x1e: {  	s7 =	smul.u32 @!p0 $0xF7A, s2;
	p2 =	seq.s32 @!p0 s5, $0x0  }
0x1f: {  	s9 =	smul.u32 $0xF7A, s1;
	s8 =	simm.s32 @!p0 $0x1BF5;
	p2 =	por !p2, p0  }
0x20: {  	[sflag:s8] =	ssyncset.s32 @!p0 $0xFFFFF086;
	s6 =	sadd.s32 @!p0 s3, s7;
	s7 =	simm.s32 @!p0 $0x108  }
0x21: {  	s3 =	sadd.s32 s3, s9;
	s6 =	sadd.s32 @!p0 $0x88, s6;
	s7 =	simm.s32 @p2 $0x1082  }
0x22: {  	[simem:s7], [sflag:s8] =	dma.local @!p0 [hbm:s6], $0xF7A  }
0x23: {  	s9 =	sor.u32 $0xD0000000, s2;
	s6 =	simm.s32 $0x108;
	_ =	swait.ge @!p0 [sflag:s8], $0x0  }
0x24: {  	s3 =	sadd.s32 $0x88, s3;
	s6 =	simm.s32 @!p1 $0x1082;
	[sflag:s4] =	ssyncset.s32 $0xFFFFF086  }
0x25: {  	[simem:s6], [sflag:s4] =	dma.local [hbm:s3], $0xF7A  }
0x26: {  	[smem:$0x3F9A] =	sst s1;
	(tag) =	ssettag s2;
	_ =	strace s9  }
0x27: {  	s1 =	sld [smem:$0x3FAA]  }
0x28: {  	s2 =	sld [smem:$0x3FAB]  }
0x29: {  	s4 =	sld [smem:$0x3FAD]  }
0x2a: {  	p0 =	seq.s32 s5, $0x0;
	s5 =	sld [smem:$0x3FAE]  }
0x2b: {  	s6 =	sld [smem:$0x3FAF]  }
0x2c: {  	s7 =	sld [smem:$0x3FB0]  }
0x2d: {  	s3 =	simm.s32 $0x108;
	s8 =	sld [smem:$0x3FB1]  }
0x2e: {  	s3 =	simm.s32 @!p0 $0x1082;
	s9 =	sld [smem:$0x3FB2]  }
0x2f: {  	lr =	sadd.s32 s0, s3;
	s0 =	sld [smem:$0x3FA9]  }
0x30: {  	s3 =	sld [smem:$0x3FAC]  }
0x31: {  	[smem:$0x3FB5] =	sst s10  }
0x32: {  	s10 =	sld [smem:$0x3FB3];
	_ =	sdelay $0x3  }
0x33: {  	p0 =	seq.s32 s10, $0x1;
	s10 =	sld [smem:$0x3FB5];
	_ =	sdelay $0x3  }
0x34: {  	[smem:$0x3FB5] =	sst s10  }
0x35: {  	s10 =	sld [smem:$0x3FB4];
	_ =	sdelay $0x3  }
0x36: {  	p1 =	seq.s32 s10, $0x1;
	s10 =	sld [smem:$0x3FB5];
	_ =	sdelay $0x3  }
0x37: {  	[smem:$0x3FB5] =	sst s10  }
0x38: {  	s10 =	sld [smem:$0x3FB6]  }
0x39: {  	_ = 	snop;
	(pc) =	sbr.ind lr, $3  }
0x3a: {  	_ = 	snop  }
0x3b: {  	_ = 	snop  }
0x3c: {  	p2 =	seq.s32 s10, $0x1;
	s10 =	sld [smem:$0x3FB5]  }
0x3d: {  	_ =	shalt  }
0x3e: {  	_ =	shalt  }
0x3f: {  	_ =	shalt  }
0x40: {  	_ =	shalt  }
0x41: {  	_ =	shalt  }
0x42: {  	_ =	shalt  }
0x43: {  	_ =	shalt  }
0x44: {  	_ =	shalt  }
0x45: {  	_ =	shalt  }
0x46: {  	_ =	shalt  }
0x47: {  	_ =	shalt  }
0x48: {  	_ =	shalt  }
0x49: {  	_ =	shalt  }
0x4a: {  	_ =	shalt  }
0x4b: {  	_ =	shalt  }
0x4c: {  	_ =	shalt  }
0x4d: {  	_ =	shalt  }
0x4e: {  	_ =	shalt  }
0x4f: {  	_ =	shalt  }
0x50: {  	_ =	shalt  }
0x51: {  	_ =	shalt  }
0x52: {  	_ =	shalt  }
0x53: {  	_ =	shalt  }
0x54: {  	_ =	shalt  }
0x55: {  	_ =	shalt  }
0x56: {  	_ =	shalt  }
0x57: {  	_ =	shalt  }
0x58: {  	_ =	shalt  }
0x59: {  	_ =	shalt  }
0x5a: {  	_ =	shalt  }
0x5b: {  	_ =	shalt  }
0x5c: {  	_ =	shalt  }
0x5d: {  	_ =	shalt  }
0x5e: {  	_ =	shalt  }
0x5f: {  	_ =	shalt  }
0x60: {  	_ =	shalt  }
0x61: {  	_ =	shalt  }
0x62: {  	_ =	shalt  }
0x63: {  	_ =	shalt  }
0x64: {  	_ =	shalt  }
0x65: {  	_ =	shalt  }
0x66: {  	_ =	shalt  }
0x67: {  	_ =	shalt  }
0x68: {  	_ =	shalt  }
0x69: {  	_ =	shalt  }
0x6a: {  	_ =	shalt  }
0x6b: {  	_ =	shalt  }
0x6c: {  	_ =	shalt  }
0x6d: {  	_ =	shalt  }
0x6e: {  	_ =	shalt  }
0x6f: {  	_ =	shalt  }
0x70: {  	_ =	shalt  }
0x71: {  	_ =	shalt  }
0x72: {  	_ =	shalt  }
0x73: {  	_ =	shalt  }
0x74: {  	_ =	shalt  }
0x75: {  	_ =	shalt  }
0x76: {  	_ =	shalt  }
0x77: {  	_ =	shalt  }
0x78: {  	_ =	shalt  }
0x79: {  	_ =	shalt  }
0x7a: {  	_ =	shalt  }
0x7b: {  	_ =	shalt  }
0x7c: {  	_ =	shalt  }
0x7d: {  	_ =	shalt  }
0x7e: {  	_ =	shalt  }
0x7f: {  	_ =	shalt  }
0x80: {  	_ =	shalt  }
0x81: {  	_ =	shalt  }
0x82: {  	_ =	shalt  }
0x83: {  	_ =	shalt  }
0x84: {  	_ =	shalt  }
0x85: {  	_ =	shalt  }
0x86: {  	_ =	shalt  }
0x87: {  	_ =	shalt  }
.Lfunc_end0:
.L_simem_size_0:
called_computation.1_lowered:
.L_overlay_start_0:
0x88: {  	s2 =	sld [smem:$0x3FD9]  }
0x89: {  	s3 =	sld [smem:$0x3FFE];
	_ =	sdelay $0x1  }
0x8a: {  	s1 =	srdreg.scid  }
0x8b: {  	s0 =	sand.u32 $0x1, s1  }
0x8c: {  	s17 =	sshll.u32 s0, $0xA;
	s2 =	sadd.s32 s3, s2  }
0x8d: {  	s2 =	sadd.s32 s2, s17  }
0x8e: {  	[smem:$0x3FC1] =	sst s2  }
0x8f: {  	_ = 	snop  }
0x90: {  	s18 =	sld [smem:$0x3FC7];
	(tm) =	ssettm $0x1  }
0x91: {  	s19 =	sld [smem:$0x3FFB];
	_ =	sdelay $0x3  }
0x92: {  	_ =	strace s19  }
0x93: {  	s2 =	sld [smem:$0x3FFC];
	_ =	sdelay $0x3  }
0x94: {  	_ =	strace s2  }
0x95: {  	s2 =	sld [smem:$0x3FFD];
	_ =	sdelay $0x3  }
0x96: {  	_ =	strace s2  }
0x97: {  	_ =	strace $0x8FFFFFFF  }
0x98: {  	s20 =	sld [smem:$0x3FDB];
	_ =	sdelay $0x1  }
0x99: {  	s4 =	simm.s32 $_scs_section_size  }
0x9a: {  	s5 =	simm.s32 $_size__tile_overlayer_lowered;
	s6 =	simm.s32 $_tile_overlayer_lowered  }
0x9b: {  	s7 =	simm.s32 $0x1BFF;
	s21 =	sshll.u32 s6, $0x1;
	s4 =	sadd.s32 s4, s20  }
0x9c: {  	s22 =	simm.s32 $0x0;
	s5 =	sshll.u32 s5, $0x1;
	s6 =	sadd.s32 s21, s4  }
0x9d: {  	[timem:s22], [sflag:s7] =	dma.local [hbm:s6], s5  }
0x9e: {  	_ =	swait.ge [sflag:s7], s5  }
0x9f: {  	s5 =	ssub.s32 $0x0, s5;
	[sflag:s7] =	ssyncset.done $0x0  }
0xa0: {  	[sflag:s7] =	ssyncadd.s32 s5;
	_ =	sdelay $0x1  }
0xa1: {  	s23 =	simm.s32 $0x1B8B  }
0xa2: {  	_ =	swait.ge [sflag:s23], $0x1  }
0xa3: {  	[sflag:s23] =	ssyncset.done $0x0  }
0xa4: {  	[sflag:s23] =	ssyncadd.s32 $0xFFFFFFFF  }
0xa5: {  	s5 =	sld [smem:$0x0]  }
0xa6: {  	s6 =	sand.u32 $0xFFFFFFFE, s1  }
0xa7: {  	p0 =	sne.s32 s1, s6  }
0xa8: {  	s6 =	sshll.u32 @p0 s6, $0xE  }
0xa9: {  	s6 =	sadd.s32 @p0 $0x11B8D, s6;
	s7 =	sshll.u32 @p0 s5, $0x11  }
0xaa: {  	s6 =	sor.u32 @p0 s7, s6  }
0xab: {  	[sflag:s6] =	ssyncadd.remote.s32 @p0 $0x1;
	_ =	sdelay $0x1  }
0xac: {  	s6 =	simm.s32 @p0 $0x1B8D  }
0xad: {  	_ =	swait.eq @p0 [sflag:s6], $0x1  }
0xae: {  	[sflag:s6] =	ssyncadd.s32 @p0 $0xFFFFFFFF  }
0xaf: {  	s7 =	sshll.u32 @!p0 s1, $0xE  }
0xb0: {  	s7 =	sor.u32 @!p0 $0x4000, s7;
	s6 =	simm.s32 @!p0 $0x1B8D  }
0xb1: {  	s5 =	sshll.u32 @!p0 s5, $0x11;
	s7 =	sadd.s32 @!p0 $0x11B8D, s7;
	_ =	swait.eq @!p0 [sflag:s6], $0x1  }
0xb2: {  	s5 =	sor.u32 @!p0 s5, s7;
	[sflag:s6] =	ssyncadd.s32 @!p0 $0xFFFFFFFF  }
0xb3: {  	s25 =	simm.s32 $0x1B8E;
	s24 =	sld [smem:$0x3FFE];
	[sflag:s5] =	ssyncadd.remote.s32 @!p0 $0x1  }
0xb4: {  	s26 =	simm.s32 $execute0_lowered;
	[smem:$0x3FD2] =	sst s25  }
0xb5: {  	s6 =	sshll.u32 s26, $0x1;
	_ =	strace $0x80000049;
	[dreg:$0x1] =	wrdreg $0xFFFFFFFF  }
0xb6: {  	s28 =	simm.s32 $_size_execute0_lowered;
	s4 =	sadd.s32 s4, s6;
	[dreg:$0x0] =	wrdreg $0x0  }
0xb7: {  	s6 =	sshll.u32 s28, $0x1;
	[dreg:$0x2] =	wrdreg s4  }
0xb8: {  	[dreg:$0x3] =	wrdreg s6  }
0xb9: {  	[dreg:$0x4] =	wrdreg $0xC0  }
0xba: {  	_ =	task [dreg:s22], $0x5FFFF  }
0xbb: {  	[dreg:$0x1] =	wrdreg $0xFFFFFFFF  }
0xbc: {  	[dreg:$0x0] =	wrdreg $0x60  }
0xbd: {  	[dreg:$0x2] =	wrdreg s24  }
0xbe: {  	[dreg:$0x3] =	wrdreg s18  }
0xbf: {  	[dreg:$0x4] =	wrdreg $0xA  }
0xc0: {  	_ =	task.clear_ibuf [dreg:s22], $0x5FFFF;
	_ =	strace $0x90000049  }
0xc1: {  	s29 =	simm.s32 $0xA;
	_ =	strace $0x8000004B  }
0xc2: {  	_ =	swait.ge [sflag:s29], $0x1  }
0xc3: {  	[sflag:s29] =	ssyncadd.s32 $0xFFFFFFFF  }
0xc4: {  	_ =	strace $0x9000004B  }
0xc5: {  	_ =	sfence  }
0xc6: {  	s30 =	sld [smem:$0x0];
	_ =	sdelay $0x2  }
0xc7: {  	s31 =	sshll.u32 s1, $0xD;
	s1 =	sshrl.u32 s1, $0x2  }
0xc8: {  	s4 =	sand.u32 $0x4000, s31;
	s1 =	sadd.s32 s1, s30  }
0xc9: {  	s0 =	sor.u32 s4, s0;
	s1 =	sshll.u32 s1, $0x11  }
0xca: {  	s0 =	sor.u32 s1, s0  }
0xcb: {  	s0 =	sadd.s32 $0x8F2B, s0  }
0xcc: {  	[sflag:s0] =	ssyncadd.remote.s32 $0x1  }
0xcd: {  	_ =	sfence.sel $0xFFFF  }
0xce: {  	[dreg:$0x0] =	wrdreg $0xFFFFFFFF;
	(pc) =	sbr.abs _section_cstart, $3  }
0xcf: {  	[dreg:$0x1] =	wrdreg $0xFFFFFFFF  }
0xd0: {  	_ =	task.clear_ibuf [dreg:s22], $0x2FFFF;
	_ =	strace $0x9FFFFFFF  }
0xd1: {  	(tm) =	ssettm $0x7FFFFFFF  }
tec
execute0_lowered:
.L_overlay_start_1:
0x0: {  	(tag) =	ssettag $0x1  }
0x1: {  	s4 =	rddreg [dreg:$0x0];
	s1 =	srdreg.scid  }
0x2: {  	s0 =	stileid.u32;
	s2 =	rddreg [dreg:$0x1]  }
0x3: {  	s3 =	simm.s32 $0x0;
	s14 =	simm.s32 $0x80;
	s15 =	simm.s32 $0x2900  }
0x4: {  	s16 =	simm.s32 $0x1;
	s17 =	simm.s32 $0x2;
	s18 =	simm.s32 $0x0  }
0x5: {  	s6 =	sand.u32 $0x1, s1;
	s1 =	rddreg [dreg:$0x2];
	s9 =	smul.u32 $0xC800, s0  }
0x6: {  	s5 =	sshll.u32 s0, $0x1;
	[smem:$0x7FF] =	sst s3;
	s12 =	smul.u32 $0xC80, s0  }
0x7: {  	s10 =	sadd.s32 $0xC9E00, s4;
	s11 =	sadd.s32 $0xCEC00, s4;
	s30 =	smul.u32 $0x640, s6  }
0x8: {  	s5 =	sor.u32 s6, s5;
	s26 =	ssub.s32 $0x2, s6;
	s13 =	smul.u32 $0x6400, s6  }
0x9: {  	_ =	strace $0x8000004A;
	s7 =	smul.u32 $0x640, s5;
	s28 =	sshrl.u32 s26, $0x1  }
0xa: {  	s8 =	smul.u32 $0x6400, s5;
	s9 =	sadd.s32 s9, s11;
	s5 =	ssub.s32 s26, s28  }
0xb: {  	s12 =	sadd.s32 s30, s12;
	s9 =	sadd.s32 s13, s9;
	s13 =	simm.s32 $0x100  }
0xc: {  	s29 =	sshrl.u32 s7, $0x3;
	s5 =	smax.u32 s5, $0x1;
	s7 =	sadd.s32 s11, s8  }
0xd: {  	s31 =	sadd.s32 $0xA0, s12;
	s9 =	sadd.s32 $0x500, s9;
	s12 =	simm.s32 $0x50  }
0xe: {  	s4 =	sadd.s32 s10, s29;
	s8 =	sadd.s32 $0x5F00, s7;
	s11 =	sshrl.u32 s31, $0x3  }
0xf: {  	s6 =	sadd.s32 $0xA, s4;
	s10 =	sadd.s32 s11, s10;
	s11 =	simm.s32 $0x3  }
.LBB2_1:
0x10: {  	[tilespmem:s3], [sflag:$0x3] =	stream.linear.gather [hbm4b:s4+s3], $0x50, $0x38;
	[tilespmem:$0x5100] =	vst v63  }
0x11: {  	_ =	swait.ge [sflag:s11], $0x50  }
0x12: {  	[sflag:s11] =	ssyncset.done $0x0  }
0x13: {  	[sflag:s11] =	ssyncadd.s32 $0xFFFFFFB0  }
0x14: {  	[tilespmem:s13], [sflag:$0x1] =	stream.indirect.gather [hbm4b:s2+s12], $0x80, s3, s12, $0xb8;
	[tilespmem:$0x5100] =	vst v63  }
0x15: {  	_ = 	snop  }
0x16: {  	[tilespmem:s14], [sflag:$0x3] =	stream.linear.gather [hbm4b:s6+s3], $0x50, $0x38;
	[tilespmem:$0x5100] =	vst v63  }
0x17: {  	_ =	swait.ge [sflag:s11], $0x50  }
0x18: {  	[sflag:s11] =	ssyncset.done $0x0  }
0x19: {  	[sflag:s11] =	ssyncadd.s32 $0xFFFFFFB0  }
0x1a: {  	[tilespmem:s15], [sflag:$0x1] =	stream.indirect.gather [hbm4b:s2+s12], $0x80, s14, s12, $0xb8;
	[tilespmem:$0x5100] =	vst v63  }
0x1b: {  	_ =	swait.ge [sflag:s16], $0x2800  }
0x1c: {  	[sflag:s16] =	ssyncset.done $0x0  }
0x1d: {  	[sflag:s16] =	ssyncadd.s32 $0xFFFFD800  }
0x1e: {  	[hbm4b:s7+s3] =	stream.linear.scatter [tilespmem:s13], [sflag:$0x2], $0x2800, $0x38;
	[tilespmem:$0x5100] =	vst v63  }
0x1f: {  	_ =	swait.ge [sflag:s17], $0x2800  }
0x20: {  	s20 =	sand.u32 $0x1, s17;
	[sflag:s17] =	ssyncset.done $0x0  }
0x21: {  	s19 =	sshll.u32 s20, $0x7;
	s21 =	smul.u32 $0xA000, s20;
	[sflag:s17] =	ssyncadd.s32 $0xFFFFD800  }
0x22: {  	[tilespmem:s19], [sflag:$0x3] =	stream.linear.gather [hbm4b:s10+s3], $0x50, $0x38;
	[tilespmem:$0x5100] =	vst v63  }
0x23: {  	_ =	swait.ge [sflag:s11], $0x50  }
0x24: {  	s21 =	sshrl.u32 s21, $0x2;
	[sflag:s11] =	ssyncset.done $0x0  }
0x25: {  	s23 =	simm.s32 $0x100;
	s21 =	sor.u32 $0x100, s21;
	[sflag:s11] =	ssyncadd.s32 $0xFFFFFFB0  }
0x26: {  	[tilespmem:s21], [sflag:$0x1] =	stream.indirect.gather [hbm4b:s2+s12], $0x80, s19, s12, $0xb8;
	[tilespmem:$0x5100] =	vst v63  }
0x27: {  	s22 =	smov.u32 s9;
	p0 =	seq.s32 s20, $0x1;
	_ =	swait.ge [sflag:s16], $0x2800  }
0x28: {  	s20 =	sadd.s32 $0xA, s10;
	s23 =	simm.s32 @!p0 $0x2900;
	[sflag:s16] =	ssyncset.done $0x0  }
0x29: {  	s19 =	simm.s32 $0x3;
	s21 =	sadd.s32 $0x500, s9;
	[sflag:s16] =	ssyncadd.s32 $0xFFFFD800  }
.LBB2_2:
0x2a: {  	[hbm4b:s22+s3] =	stream.linear.scatter [tilespmem:s23], [sflag:$0x2], $0x2800, $0x38;
	[tilespmem:$0x5100] =	vst v63  }
0x2b: {  	s23 =	smov.u32 s19;
	s22 =	smov.u32 s21  }
0x2c: {  	p0 =	sne.s32 s19, $0x13;
	s19 =	sadd.s32 $0x1, s19;
	_ =	swait.ge [sflag:s17], $0x2800  }
0x2d: {  	s23 =	sand.u32 $0x1, s23;
	[sflag:s17] =	ssyncset.done $0x0  }
0x2e: {  	s24 =	sshll.u32 s23, $0x7;
	s25 =	smul.u32 $0xA000, s23;
	[sflag:s17] =	ssyncadd.s32 $0xFFFFD800  }
0x2f: {  	[tilespmem:s24], [sflag:$0x3] =	stream.linear.gather [hbm4b:s20+s3], $0x50, $0x38;
	[tilespmem:$0x5100] =	vst v63  }
0x30: {  	p1 =	seq.s32 s23, $0x1;
	s25 =	sshrl.u32 s25, $0x2;
	_ =	swait.ge [sflag:s11], $0x50  }
0x31: {  	[sflag:s11] =	ssyncset.done $0x0  }
.Ltmp0:
0x32: {  	s23 =	sor.u32 $0x100, s25;
	[sflag:s11] =	ssyncadd.s32 $0xFFFFFFB0;
	(pc) =	sbr.rel @p0 .LBB2_2-.Ltmp0, $4  }
0x33: {  	[tilespmem:s23], [sflag:$0x1] =	stream.indirect.gather [hbm4b:s2+s12], $0x80, s24, s12, $0xb8;
	[tilespmem:$0x5100] =	vst v63  }
0x34: {  	_ =	swait.ge [sflag:s16], $0x2800  }
0x35: {  	s20 =	sadd.s32 $0xA, s20;
	s23 =	simm.s32 $0x100;
	[sflag:s16] =	ssyncset.done $0x0  }
0x36: {  	s21 =	sadd.s32 $0x500, s21;
	s23 =	simm.s32 @!p1 $0x2900;
	[sflag:s16] =	ssyncadd.s32 $0xFFFFD800  }
0x37: {  	[hbm4b:s22+s3] =	stream.linear.scatter [tilespmem:s23], [sflag:$0x2], $0x2800, $0x38;
	[tilespmem:$0x5100] =	vst v63  }
0x38: {  	_ =	swait.ge [sflag:s17], $0x2800  }
0x39: {  	[sflag:s17] =	ssyncset.done $0x0  }
0x3a: {  	[sflag:s17] =	ssyncadd.s32 $0xFFFFD800  }
0x3b: {  	s18 =	sadd.s32 $0x1, s18;
	_ =	swait.ge [sflag:s16], $0x2800  }
0x3c: {  	p0 =	sne.s32 s18, s5;
	[sflag:s16] =	ssyncset.done $0x0  }
.Ltmp1:
0x3d: {  	[sflag:s16] =	ssyncadd.s32 $0xFFFFD800;
	(pc) =	sbr.rel @p0 .LBB2_1-.Ltmp1, $4  }
0x3e: {  	[hbm4b:s8+s3] =	stream.linear.scatter [tilespmem:s15], [sflag:$0x2], $0x2800, $0x38;
	[tilespmem:$0x5100] =	vst v63  }
0x3f: {  	_ =	swait.ge [sflag:s17], $0x2800  }
0x40: {  	[sflag:s17] =	ssyncset.done $0x0  }
0x41: {  	[sflag:s17] =	ssyncadd.s32 $0xFFFFD800  }
0x42: {  	_ =	sfence.sel $0x180000  }
0x43: {  	[bflag:$0x0] =	sbarrier.arrive $0xFFFF  }
0x44: {  	p0 =	sne.s32 s0, $0x0;
	_ =	strace $0x9000004A  }
0x45: {  	s0 =	sadd.s32 @!p0 $0x100000, s1;
	[bflag:$0x2] =	sbarrier.arrive $0xFFFF  }
0x46: {  	[sflag:s0] =	ssyncadd.tile.s32 @!p0 $0x1;
	_ =	shalt  }
.Lfunc_end2:
_tile_overlayer_lowered:
.L_overlay_start_2:
0x47: {  	(tag) =	ssettag $0x2  }
0x48: {  	s0 =	rddreg [dreg:$0x0];
	s2 =	stileid.u32  }
0x49: {  	s1 =	rddreg [dreg:$0x1];
	p0 =	sne.s32 s2, $0x0  }
0x4a: {  	s3 =	rddreg [dreg:$0x2];
	[bflag:$0x3] =	sbarrier.arrive $0xFFFF;
	s2 =	simm.s32 @!p0 $0x1C03  }
0x4b: {  	[timem:s3], [sflag:s2] =	dma.local @!p0 [hbm:s0], s1  }
0x4c: {  	s0 =	simm.s32 @!p0 $0x3  }
0x4d: {  	_ =	swait.ge @!p0 [sflag:s0], s1  }
0x4e: {  	s1 =	ssub.s32 @!p0 $0x0, s1;
	[sflag:s0] =	ssyncset.done @!p0 $0x0  }
0x4f: {  	[sflag:s0] =	ssyncadd.s32 @!p0 s1  }
0x50: {  	[bflag:$0x3] =	sbarrier.arrive $0xFFFF  }
0x51: {  	_ =	shalt  }

// kernel: kernel.16.cloned.1.call-start
scs
__scs_entry_jumppad:
0x0: {  	(pc) =	sbr.rel $0x88, $3  }
0x1: {  	(tag) =	ssettag $0x0;
	lr =	simm.s32 $0x1  }
0x2: {  	[smem:$0x3F9A] =	sst lr;
	_ =	strace $0xD0000000  }
0x3: {  	_ = 	snop  }
0x4: {  	_ = 	snop  }
0x5: {  	_ = 	snop  }
0x6: {  	_ = 	snop  }
0x7: {  	_ = 	snop  }
__scs_overlays_trampoline_lowered:
0x8: {  	[smem:$0x3FA9] =	sst s0  }
0x9: {  	[smem:$0x3FAA] =	sst s1  }
0xa: {  	[smem:$0x3FAB] =	sst s2  }
0xb: {  	[smem:$0x3FAC] =	sst s3  }
0xc: {  	[smem:$0x3FAD] =	sst s4  }
0xd: {  	[smem:$0x3FAE] =	sst s5  }
0xe: {  	[smem:$0x3FAF] =	sst s6  }
0xf: {  	[smem:$0x3FB0] =	sst s7  }
0x10: {  	[smem:$0x3FB1] =	sst s8  }
0x11: {  	[smem:$0x3FB2] =	sst s9;
	s0 =	simm.s32 @!p0 $0x0  }
0x12: {  	s1 =	sld [smem:$0x3F98];
	s0 =	simm.s32 @p0 $0x1  }
0x13: {  	[smem:$0x3FB3] =	sst s0;
	s0 =	simm.s32 @!p1 $0x0  }
0x14: {  	s2 =	sld [smem:$0x3F97];
	s0 =	simm.s32 @p1 $0x1  }
0x15: {  	[smem:$0x3FB4] =	sst s0;
	s0 =	simm.s32 @!p2 $0x0  }
0x16: {  	s3 =	sld [smem:$0x3FDB];
	s0 =	simm.s32 @p2 $0x1  }
0x17: {  	s4 =	simm.s32 $0x1BF5;
	[smem:$0x3FB6] =	sst s0  }
0x18: {  	s0 =	sld [smem:$0x3F99];
	_ =	swait.ge [sflag:s4], $0x0  }
0x19: {  	s7 =	sld [smem:$0x3F9A]  }
0x1a: {  	s8 =	sadd.s32 $0xFFFFE003, lr  }
0x1b: {  	s9 =	sadd.s32 $0xFFFFFEF7, lr;
	s5 =	simm.s32 $0xFFFFFFFF;
	p2 =	slt.u32 s8, $0xFFFFF086  }
0x1c: {  	p1 =	slt.u32 s9, $0xF7A;
	s5 =	simm.s32 @!p2 $0x0  }
0x1d: {  	s5 =	simm.s32 @p1 $0x1;
	p0 =	seq.s32 s7, s2  }
0x1e: {  	s7 =	smul.u32 @!p0 $0xF7A, s2;
	p2 =	seq.s32 @!p0 s5, $0x0  }
0x1f: {  	s9 =	smul.u32 $0xF7A, s1;
	s8 =	simm.s32 @!p0 $0x1BF5;
	p2 =	por !p2, p0  }
0x20: {  	[sflag:s8] =	ssyncset.s32 @!p0 $0xFFFFF086;
	s6 =	sadd.s32 @!p0 s3, s7;
	s7 =	simm.s32 @!p0 $0x108  }
0x21: {  	s3 =	sadd.s32 s3, s9;
	s6 =	sadd.s32 @!p0 $0x88, s6;
	s7 =	simm.s32 @p2 $0x1082  }
0x22: {  	[simem:s7], [sflag:s8] =	dma.local @!p0 [hbm:s6], $0xF7A  }
0x23: {  	s9 =	sor.u32 $0xD0000000, s2;
	s6 =	simm.s32 $0x108;
	_ =	swait.ge @!p0 [sflag:s8], $0x0  }
0x24: {  	s3 =	sadd.s32 $0x88, s3;
	s6 =	simm.s32 @!p1 $0x1082;
	[sflag:s4] =	ssyncset.s32 $0xFFFFF086  }
0x25: {  	[simem:s6], [sflag:s4] =	dma.local [hbm:s3], $0xF7A  }
0x26: {  	[smem:$0x3F9A] =	sst s1;
	(tag) =	ssettag s2;
	_ =	strace s9  }
0x27: {  	s1 =	sld [smem:$0x3FAA]  }
0x28: {  	s2 =	sld [smem:$0x3FAB]  }
0x29: {  	s4 =	sld [smem:$0x3FAD]  }
0x2a: {  	p0 =	seq.s32 s5, $0x0;
	s5 =	sld [smem:$0x3FAE]  }
0x2b: {  	s6 =	sld [smem:$0x3FAF]  }
0x2c: {  	s7 =	sld [smem:$0x3FB0]  }
0x2d: {  	s3 =	simm.s32 $0x108;
	s8 =	sld [smem:$0x3FB1]  }
0x2e: {  	s3 =	simm.s32 @!p0 $0x1082;
	s9 =	sld [smem:$0x3FB2]  }
0x2f: {  	lr =	sadd.s32 s0, s3;
	s0 =	sld [smem:$0x3FA9]  }
0x30: {  	s3 =	sld [smem:$0x3FAC]  }
0x31: {  	[smem:$0x3FB5] =	sst s10  }
0x32: {  	s10 =	sld [smem:$0x3FB3];
	_ =	sdelay $0x3  }
0x33: {  	p0 =	seq.s32 s10, $0x1;
	s10 =	sld [smem:$0x3FB5];
	_ =	sdelay $0x3  }
0x34: {  	[smem:$0x3FB5] =	sst s10  }
0x35: {  	s10 =	sld [smem:$0x3FB4];
	_ =	sdelay $0x3  }
0x36: {  	p1 =	seq.s32 s10, $0x1;
	s10 =	sld [smem:$0x3FB5];
	_ =	sdelay $0x3  }
0x37: {  	[smem:$0x3FB5] =	sst s10  }
0x38: {  	s10 =	sld [smem:$0x3FB6]  }
0x39: {  	_ = 	snop;
	(pc) =	sbr.ind lr, $3  }
0x3a: {  	_ = 	snop  }
0x3b: {  	_ = 	snop  }
0x3c: {  	p2 =	seq.s32 s10, $0x1;
	s10 =	sld [smem:$0x3FB5]  }
0x3d: {  	_ =	shalt  }
0x3e: {  	_ =	shalt  }
0x3f: {  	_ =	shalt  }
0x40: {  	_ =	shalt  }
0x41: {  	_ =	shalt  }
0x42: {  	_ =	shalt  }
0x43: {  	_ =	shalt  }
0x44: {  	_ =	shalt  }
0x45: {  	_ =	shalt  }
0x46: {  	_ =	shalt  }
0x47: {  	_ =	shalt  }
0x48: {  	_ =	shalt  }
0x49: {  	_ =	shalt  }
0x4a: {  	_ =	shalt  }
0x4b: {  	_ =	shalt  }
0x4c: {  	_ =	shalt  }
0x4d: {  	_ =	shalt  }
0x4e: {  	_ =	shalt  }
0x4f: {  	_ =	shalt  }
0x50: {  	_ =	shalt  }
0x51: {  	_ =	shalt  }
0x52: {  	_ =	shalt  }
0x53: {  	_ =	shalt  }
0x54: {  	_ =	shalt  }
0x55: {  	_ =	shalt  }
0x56: {  	_ =	shalt  }
0x57: {  	_ =	shalt  }
0x58: {  	_ =	shalt  }
0x59: {  	_ =	shalt  }
0x5a: {  	_ =	shalt  }
0x5b: {  	_ =	shalt  }
0x5c: {  	_ =	shalt  }
0x5d: {  	_ =	shalt  }
0x5e: {  	_ =	shalt  }
0x5f: {  	_ =	shalt  }
0x60: {  	_ =	shalt  }
0x61: {  	_ =	shalt  }
0x62: {  	_ =	shalt  }
0x63: {  	_ =	shalt  }
0x64: {  	_ =	shalt  }
0x65: {  	_ =	shalt  }
0x66: {  	_ =	shalt  }
0x67: {  	_ =	shalt  }
0x68: {  	_ =	shalt  }
0x69: {  	_ =	shalt  }
0x6a: {  	_ =	shalt  }
0x6b: {  	_ =	shalt  }
0x6c: {  	_ =	shalt  }
0x6d: {  	_ =	shalt  }
0x6e: {  	_ =	shalt  }
0x6f: {  	_ =	shalt  }
0x70: {  	_ =	shalt  }
0x71: {  	_ =	shalt  }
0x72: {  	_ =	shalt  }
0x73: {  	_ =	shalt  }
0x74: {  	_ =	shalt  }
0x75: {  	_ =	shalt  }
0x76: {  	_ =	shalt  }
0x77: {  	_ =	shalt  }
0x78: {  	_ =	shalt  }
0x79: {  	_ =	shalt  }
0x7a: {  	_ =	shalt  }
0x7b: {  	_ =	shalt  }
0x7c: {  	_ =	shalt  }
0x7d: {  	_ =	shalt  }
0x7e: {  	_ =	shalt  }
0x7f: {  	_ =	shalt  }
0x80: {  	_ =	shalt  }
0x81: {  	_ =	shalt  }
0x82: {  	_ =	shalt  }
0x83: {  	_ =	shalt  }
0x84: {  	_ =	shalt  }
0x85: {  	_ =	shalt  }
0x86: {  	_ =	shalt  }
0x87: {  	_ =	shalt  }
.Lfunc_end0:
.L_simem_size_0:
called_computation.2_lowered:
.L_overlay_start_0:
0x88: {  	s2 =	sld [smem:$0x3FD9]  }
0x89: {  	s3 =	sld [smem:$0x3FFE];
	_ =	sdelay $0x1  }
0x8a: {  	s1 =	srdreg.scid  }
0x8b: {  	s0 =	sand.u32 $0x1, s1  }
0x8c: {  	s17 =	sshll.u32 s0, $0xA;
	s2 =	sadd.s32 s3, s2  }
0x8d: {  	s2 =	sadd.s32 s2, s17  }
0x8e: {  	[smem:$0x3FC1] =	sst s2  }
0x8f: {  	_ = 	snop  }
0x90: {  	s18 =	sld [smem:$0x3FC7];
	(tm) =	ssettm $0x1  }
0x91: {  	s19 =	sld [smem:$0x3FFB];
	_ =	sdelay $0x3  }
0x92: {  	_ =	strace s19  }
0x93: {  	s2 =	sld [smem:$0x3FFC];
	_ =	sdelay $0x3  }
0x94: {  	_ =	strace s2  }
0x95: {  	s2 =	sld [smem:$0x3FFD];
	_ =	sdelay $0x3  }
0x96: {  	_ =	strace s2  }
0x97: {  	_ =	strace $0x8FFFFFFF  }
0x98: {  	s20 =	sld [smem:$0x3FDB];
	_ =	sdelay $0x1  }
0x99: {  	s4 =	simm.s32 $_scs_section_size  }
0x9a: {  	s5 =	simm.s32 $_size__tile_overlayer_lowered;
	s6 =	simm.s32 $_tile_overlayer_lowered  }
0x9b: {  	s7 =	simm.s32 $0x1BFF;
	s21 =	sshll.u32 s6, $0x1;
	s4 =	sadd.s32 s4, s20  }
0x9c: {  	s22 =	simm.s32 $0x0;
	s5 =	sshll.u32 s5, $0x1;
	s6 =	sadd.s32 s21, s4  }
0x9d: {  	[timem:s22], [sflag:s7] =	dma.local [hbm:s6], s5  }
0x9e: {  	_ =	swait.ge [sflag:s7], s5  }
0x9f: {  	s5 =	ssub.s32 $0x0, s5;
	[sflag:s7] =	ssyncset.done $0x0  }
0xa0: {  	[sflag:s7] =	ssyncadd.s32 s5;
	_ =	sdelay $0x1  }
0xa1: {  	s23 =	simm.s32 $0x1B8B  }
0xa2: {  	_ =	swait.ge [sflag:s23], $0x1  }
0xa3: {  	[sflag:s23] =	ssyncset.done $0x0  }
0xa4: {  	[sflag:s23] =	ssyncadd.s32 $0xFFFFFFFF  }
0xa5: {  	s5 =	sld [smem:$0x0]  }
0xa6: {  	s6 =	sand.u32 $0xFFFFFFFE, s1  }
0xa7: {  	p0 =	sne.s32 s1, s6  }
0xa8: {  	s6 =	sshll.u32 @p0 s6, $0xE  }
0xa9: {  	s6 =	sadd.s32 @p0 $0x11B8D, s6;
	s7 =	sshll.u32 @p0 s5, $0x11  }
0xaa: {  	s6 =	sor.u32 @p0 s7, s6  }
0xab: {  	[sflag:s6] =	ssyncadd.remote.s32 @p0 $0x1;
	_ =	sdelay $0x1  }
0xac: {  	s6 =	simm.s32 @p0 $0x1B8D  }
0xad: {  	_ =	swait.eq @p0 [sflag:s6], $0x1  }
0xae: {  	[sflag:s6] =	ssyncadd.s32 @p0 $0xFFFFFFFF  }
0xaf: {  	s7 =	sshll.u32 @!p0 s1, $0xE  }
0xb0: {  	s7 =	sor.u32 @!p0 $0x4000, s7;
	s6 =	simm.s32 @!p0 $0x1B8D  }
0xb1: {  	s5 =	sshll.u32 @!p0 s5, $0x11;
	s7 =	sadd.s32 @!p0 $0x11B8D, s7;
	_ =	swait.eq @!p0 [sflag:s6], $0x1  }
0xb2: {  	s5 =	sor.u32 @!p0 s5, s7;
	[sflag:s6] =	ssyncadd.s32 @!p0 $0xFFFFFFFF  }
0xb3: {  	s25 =	simm.s32 $0x1B8E;
	s24 =	sld [smem:$0x3FFE];
	[sflag:s5] =	ssyncadd.remote.s32 @!p0 $0x1  }
0xb4: {  	s26 =	simm.s32 $execute0_lowered;
	[smem:$0x3FD2] =	sst s25  }
0xb5: {  	s6 =	sshll.u32 s26, $0x1;
	_ =	strace $0x8000004C;
	[dreg:$0x1] =	wrdreg $0xFFFFFFFF  }
0xb6: {  	s28 =	simm.s32 $_size_execute0_lowered;
	s4 =	sadd.s32 s4, s6;
	[dreg:$0x0] =	wrdreg $0x0  }
0xb7: {  	s6 =	sshll.u32 s28, $0x1;
	[dreg:$0x2] =	wrdreg s4  }
0xb8: {  	[dreg:$0x3] =	wrdreg s6  }
0xb9: {  	[dreg:$0x4] =	wrdreg $0xC0  }
0xba: {  	_ =	task [dreg:s22], $0x5FFFF  }
0xbb: {  	[dreg:$0x1] =	wrdreg $0xFFFFFFFF  }
0xbc: {  	[dreg:$0x0] =	wrdreg $0x60  }
0xbd: {  	[dreg:$0x2] =	wrdreg s24  }
0xbe: {  	[dreg:$0x3] =	wrdreg s18  }
0xbf: {  	[dreg:$0x4] =	wrdreg $0xB  }
0xc0: {  	_ =	task.clear_ibuf [dreg:s22], $0x5FFFF;
	_ =	strace $0x9000004C  }
0xc1: {  	s29 =	simm.s32 $0xB;
	_ =	strace $0x8000004E  }
0xc2: {  	_ =	swait.ge [sflag:s29], $0x1  }
0xc3: {  	[sflag:s29] =	ssyncadd.s32 $0xFFFFFFFF  }
0xc4: {  	_ =	strace $0x9000004E  }
0xc5: {  	_ =	sfence  }
0xc6: {  	s30 =	sld [smem:$0x0];
	_ =	sdelay $0x2  }
0xc7: {  	s31 =	sshll.u32 s1, $0xD;
	s1 =	sshrl.u32 s1, $0x2  }
0xc8: {  	s4 =	sand.u32 $0x4000, s31;
	s1 =	sadd.s32 s1, s30  }
0xc9: {  	s0 =	sor.u32 s4, s0;
	s1 =	sshll.u32 s1, $0x11  }
0xca: {  	s0 =	sor.u32 s1, s0  }
0xcb: {  	s0 =	sadd.s32 $0x8F2B, s0  }
0xcc: {  	[sflag:s0] =	ssyncadd.remote.s32 $0x1  }
0xcd: {  	_ =	sfence.sel $0xFFFF  }
0xce: {  	[dreg:$0x0] =	wrdreg $0xFFFFFFFF;
	(pc) =	sbr.abs _section_cstart, $3  }
0xcf: {  	[dreg:$0x1] =	wrdreg $0xFFFFFFFF  }
0xd0: {  	_ =	task.clear_ibuf [dreg:s22], $0x2FFFF;
	_ =	strace $0x9FFFFFFF  }
0xd1: {  	(tm) =	ssettm $0x7FFFFFFF  }
tec
execute0_lowered:
.L_overlay_start_1:
0x0: {  	(tag) =	ssettag $0x1  }
0x1: {  	s4 =	rddreg [dreg:$0x0];
	s1 =	srdreg.scid  }
0x2: {  	s0 =	stileid.u32;
	s2 =	rddreg [dreg:$0x1]  }
0x3: {  	s3 =	simm.s32 $0x0;
	s14 =	simm.s32 $0x80;
	s15 =	simm.s32 $0x2900  }
0x4: {  	s16 =	simm.s32 $0x1;
	s17 =	simm.s32 $0x2;
	s18 =	simm.s32 $0x0  }
0x5: {  	s6 =	sand.u32 $0x1, s1;
	s1 =	rddreg [dreg:$0x2];
	s9 =	smul.u32 $0xC800, s0  }
0x6: {  	s5 =	sshll.u32 s0, $0x1;
	[smem:$0x7FF] =	sst s3;
	s12 =	smul.u32 $0xC80, s0  }
0x7: {  	s10 =	sadd.s32 $0xCB800, s4;
	s11 =	sadd.s32 $0x196C00, s4;
	s30 =	smul.u32 $0x640, s6  }
0x8: {  	s5 =	sor.u32 s6, s5;
	s26 =	ssub.s32 $0x2, s6;
	s13 =	smul.u32 $0x6400, s6  }
0x9: {  	_ =	strace $0x8000004D;
	s7 =	smul.u32 $0x640, s5;
	s28 =	sshrl.u32 s26, $0x1  }
0xa: {  	s8 =	smul.u32 $0x6400, s5;
	s9 =	sadd.s32 s9, s11;
	s5 =	ssub.s32 s26, s28  }
0xb: {  	s12 =	sadd.s32 s30, s12;
	s9 =	sadd.s32 s13, s9;
	s13 =	simm.s32 $0x100  }
0xc: {  	s29 =	sshrl.u32 s7, $0x3;
	s5 =	smax.u32 s5, $0x1;
	s7 =	sadd.s32 s11, s8  }
0xd: {  	s31 =	sadd.s32 $0xA0, s12;
	s9 =	sadd.s32 $0x500, s9;
	s12 =	simm.s32 $0x50  }
0xe: {  	s4 =	sadd.s32 s10, s29;
	s8 =	sadd.s32 $0x5F00, s7;
	s11 =	sshrl.u32 s31, $0x3  }
0xf: {  	s6 =	sadd.s32 $0xA, s4;
	s10 =	sadd.s32 s11, s10;
	s11 =	simm.s32 $0x3  }
.LBB2_1:
0x10: {  	[tilespmem:s3], [sflag:$0x3] =	stream.linear.gather [hbm4b:s4+s3], $0x50, $0x38;
	[tilespmem:$0x5100] =	vst v63  }
0x11: {  	_ =	swait.ge [sflag:s11], $0x50  }
0x12: {  	[sflag:s11] =	ssyncset.done $0x0  }
0x13: {  	[sflag:s11] =	ssyncadd.s32 $0xFFFFFFB0  }
0x14: {  	[tilespmem:s13], [sflag:$0x1] =	stream.indirect.gather [hbm4b:s2+s12], $0x80, s3, s12, $0xb8;
	[tilespmem:$0x5100] =	vst v63  }
0x15: {  	_ = 	snop  }
0x16: {  	[tilespmem:s14], [sflag:$0x3] =	stream.linear.gather [hbm4b:s6+s3], $0x50, $0x38;
	[tilespmem:$0x5100] =	vst v63  }
0x17: {  	_ =	swait.ge [sflag:s11], $0x50  }
0x18: {  	[sflag:s11] =	ssyncset.done $0x0  }
0x19: {  	[sflag:s11] =	ssyncadd.s32 $0xFFFFFFB0  }
0x1a: {  	[tilespmem:s15], [sflag:$0x1] =	stream.indirect.gather [hbm4b:s2+s12], $0x80, s14, s12, $0xb8;
	[tilespmem:$0x5100] =	vst v63  }
0x1b: {  	_ =	swait.ge [sflag:s16], $0x2800  }
0x1c: {  	[sflag:s16] =	ssyncset.done $0x0  }
0x1d: {  	[sflag:s16] =	ssyncadd.s32 $0xFFFFD800  }
0x1e: {  	[hbm4b:s7+s3] =	stream.linear.scatter [tilespmem:s13], [sflag:$0x2], $0x2800, $0x38;
	[tilespmem:$0x5100] =	vst v63  }
0x1f: {  	_ =	swait.ge [sflag:s17], $0x2800  }
0x20: {  	s20 =	sand.u32 $0x1, s17;
	[sflag:s17] =	ssyncset.done $0x0  }
0x21: {  	s19 =	sshll.u32 s20, $0x7;
	s21 =	smul.u32 $0xA000, s20;
	[sflag:s17] =	ssyncadd.s32 $0xFFFFD800  }
0x22: {  	[tilespmem:s19], [sflag:$0x3] =	stream.linear.gather [hbm4b:s10+s3], $0x50, $0x38;
	[tilespmem:$0x5100] =	vst v63  }
0x23: {  	_ =	swait.ge [sflag:s11], $0x50  }
0x24: {  	s21 =	sshrl.u32 s21, $0x2;
	[sflag:s11] =	ssyncset.done $0x0  }
0x25: {  	s23 =	simm.s32 $0x100;
	s21 =	sor.u32 $0x100, s21;
	[sflag:s11] =	ssyncadd.s32 $0xFFFFFFB0  }
0x26: {  	[tilespmem:s21], [sflag:$0x1] =	stream.indirect.gather [hbm4b:s2+s12], $0x80, s19, s12, $0xb8;
	[tilespmem:$0x5100] =	vst v63  }
0x27: {  	s22 =	smov.u32 s9;
	p0 =	seq.s32 s20, $0x1;
	_ =	swait.ge [sflag:s16], $0x2800  }
0x28: {  	s20 =	sadd.s32 $0xA, s10;
	s23 =	simm.s32 @!p0 $0x2900;
	[sflag:s16] =	ssyncset.done $0x0  }
0x29: {  	s19 =	simm.s32 $0x3;
	s21 =	sadd.s32 $0x500, s9;
	[sflag:s16] =	ssyncadd.s32 $0xFFFFD800  }
.LBB2_2:
0x2a: {  	[hbm4b:s22+s3] =	stream.linear.scatter [tilespmem:s23], [sflag:$0x2], $0x2800, $0x38;
	[tilespmem:$0x5100] =	vst v63  }
0x2b: {  	s23 =	smov.u32 s19;
	s22 =	smov.u32 s21  }
0x2c: {  	p0 =	sne.s32 s19, $0x13;
	s19 =	sadd.s32 $0x1, s19;
	_ =	swait.ge [sflag:s17], $0x2800  }
0x2d: {  	s23 =	sand.u32 $0x1, s23;
	[sflag:s17] =	ssyncset.done $0x0  }
0x2e: {  	s24 =	sshll.u32 s23, $0x7;
	s25 =	smul.u32 $0xA000, s23;
	[sflag:s17] =	ssyncadd.s32 $0xFFFFD800  }
0x2f: {  	[tilespmem:s24], [sflag:$0x3] =	stream.linear.gather [hbm4b:s20+s3], $0x50, $0x38;
	[tilespmem:$0x5100] =	vst v63  }
0x30: {  	p1 =	seq.s32 s23, $0x1;
	s25 =	sshrl.u32 s25, $0x2;
	_ =	swait.ge [sflag:s11], $0x50  }
0x31: {  	[sflag:s11] =	ssyncset.done $0x0  }
.Ltmp0:
0x32: {  	s23 =	sor.u32 $0x100, s25;
	[sflag:s11] =	ssyncadd.s32 $0xFFFFFFB0;
	(pc) =	sbr.rel @p0 .LBB2_2-.Ltmp0, $4  }
0x33: {  	[tilespmem:s23], [sflag:$0x1] =	stream.indirect.gather [hbm4b:s2+s12], $0x80, s24, s12, $0xb8;
	[tilespmem:$0x5100] =	vst v63  }
0x34: {  	_ =	swait.ge [sflag:s16], $0x2800  }
0x35: {  	s20 =	sadd.s32 $0xA, s20;
	s23 =	simm.s32 $0x100;
	[sflag:s16] =	ssyncset.done $0x0  }
0x36: {  	s21 =	sadd.s32 $0x500, s21;
	s23 =	simm.s32 @!p1 $0x2900;
	[sflag:s16] =	ssyncadd.s32 $0xFFFFD800  }
0x37: {  	[hbm4b:s22+s3] =	stream.linear.scatter [tilespmem:s23], [sflag:$0x2], $0x2800, $0x38;
	[tilespmem:$0x5100] =	vst v63  }
0x38: {  	_ =	swait.ge [sflag:s17], $0x2800  }
0x39: {  	[sflag:s17] =	ssyncset.done $0x0  }
0x3a: {  	[sflag:s17] =	ssyncadd.s32 $0xFFFFD800  }
0x3b: {  	s18 =	sadd.s32 $0x1, s18;
	_ =	swait.ge [sflag:s16], $0x2800  }
0x3c: {  	p0 =	sne.s32 s18, s5;
	[sflag:s16] =	ssyncset.done $0x0  }
.Ltmp1:
0x3d: {  	[sflag:s16] =	ssyncadd.s32 $0xFFFFD800;
	(pc) =	sbr.rel @p0 .LBB2_1-.Ltmp1, $4  }
0x3e: {  	[hbm4b:s8+s3] =	stream.linear.scatter [tilespmem:s15], [sflag:$0x2], $0x2800, $0x38;
	[tilespmem:$0x5100] =	vst v63  }
0x3f: {  	_ =	swait.ge [sflag:s17], $0x2800  }
0x40: {  	[sflag:s17] =	ssyncset.done $0x0  }
0x41: {  	[sflag:s17] =	ssyncadd.s32 $0xFFFFD800  }
0x42: {  	_ =	sfence.sel $0x180000  }
0x43: {  	[bflag:$0x0] =	sbarrier.arrive $0xFFFF  }
0x44: {  	p0 =	sne.s32 s0, $0x0;
	_ =	strace $0x9000004D  }
0x45: {  	s0 =	sadd.s32 @!p0 $0x100000, s1;
	[bflag:$0x2] =	sbarrier.arrive $0xFFFF  }
0x46: {  	[sflag:s0] =	ssyncadd.tile.s32 @!p0 $0x1;
	_ =	shalt  }
.Lfunc_end2:
_tile_overlayer_lowered:
.L_overlay_start_2:
0x47: {  	(tag) =	ssettag $0x2  }
0x48: {  	s0 =	rddreg [dreg:$0x0];
	s2 =	stileid.u32  }
0x49: {  	s1 =	rddreg [dreg:$0x1];
	p0 =	sne.s32 s2, $0x0  }
0x4a: {  	s3 =	rddreg [dreg:$0x2];
	[bflag:$0x3] =	sbarrier.arrive $0xFFFF;
	s2 =	simm.s32 @!p0 $0x1C03  }
0x4b: {  	[timem:s3], [sflag:s2] =	dma.local @!p0 [hbm:s0], s1  }
0x4c: {  	s0 =	simm.s32 @!p0 $0x3  }
0x4d: {  	_ =	swait.ge @!p0 [sflag:s0], s1  }
0x4e: {  	s1 =	ssub.s32 @!p0 $0x0, s1;
	[sflag:s0] =	ssyncset.done @!p0 $0x0  }
0x4f: {  	[sflag:s0] =	ssyncadd.s32 @!p0 s1  }
0x50: {  	[bflag:$0x3] =	sbarrier.arrive $0xFFFF  }
0x51: {  	_ =	shalt  }

// kernel: kernel.19.cloned.1.call-start
scs
__scs_entry_jumppad:
0x0: {  	(pc) =	sbr.rel $0x88, $3  }
0x1: {  	(tag) =	ssettag $0x0;
	lr =	simm.s32 $0x1  }
0x2: {  	[smem:$0x3F9A] =	sst lr;
	_ =	strace $0xD0000000  }
0x3: {  	_ = 	snop  }
0x4: {  	_ = 	snop  }
0x5: {  	_ = 	snop  }
0x6: {  	_ = 	snop  }
0x7: {  	_ = 	snop  }
__scs_overlays_trampoline_lowered:
0x8: {  	[smem:$0x3FA9] =	sst s0  }
0x9: {  	[smem:$0x3FAA] =	sst s1  }
0xa: {  	[smem:$0x3FAB] =	sst s2  }
0xb: {  	[smem:$0x3FAC] =	sst s3  }
0xc: {  	[smem:$0x3FAD] =	sst s4  }
0xd: {  	[smem:$0x3FAE] =	sst s5  }
0xe: {  	[smem:$0x3FAF] =	sst s6  }
0xf: {  	[smem:$0x3FB0] =	sst s7  }
0x10: {  	[smem:$0x3FB1] =	sst s8  }
0x11: {  	[smem:$0x3FB2] =	sst s9;
	s0 =	simm.s32 @!p0 $0x0  }
0x12: {  	s1 =	sld [smem:$0x3F98];
	s0 =	simm.s32 @p0 $0x1  }
0x13: {  	[smem:$0x3FB3] =	sst s0;
	s0 =	simm.s32 @!p1 $0x0  }
0x14: {  	s2 =	sld [smem:$0x3F97];
	s0 =	simm.s32 @p1 $0x1  }
0x15: {  	[smem:$0x3FB4] =	sst s0;
	s0 =	simm.s32 @!p2 $0x0  }
0x16: {  	s3 =	sld [smem:$0x3FDB];
	s0 =	simm.s32 @p2 $0x1  }
0x17: {  	s4 =	simm.s32 $0x1BF5;
	[smem:$0x3FB6] =	sst s0  }
0x18: {  	s0 =	sld [smem:$0x3F99];
	_ =	swait.ge [sflag:s4], $0x0  }
0x19: {  	s7 =	sld [smem:$0x3F9A]  }
0x1a: {  	s8 =	sadd.s32 $0xFFFFE003, lr  }
0x1b: {  	s9 =	sadd.s32 $0xFFFFFEF7, lr;
	s5 =	simm.s32 $0xFFFFFFFF;
	p2 =	slt.u32 s8, $0xFFFFF086  }
0x1c: {  	p1 =	slt.u32 s9, $0xF7A;
	s5 =	simm.s32 @!p2 $0x0  }
0x1d: {  	s5 =	simm.s32 @p1 $0x1;
	p0 =	seq.s32 s7, s2  }
0x1e: {  	s7 =	smul.u32 @!p0 $0xF7A, s2;
	p2 =	seq.s32 @!p0 s5, $0x0  }
0x1f: {  	s9 =	smul.u32 $0xF7A, s1;
	s8 =	simm.s32 @!p0 $0x1BF5;
	p2 =	por !p2, p0  }
0x20: {  	[sflag:s8] =	ssyncset.s32 @!p0 $0xFFFFF086;
	s6 =	sadd.s32 @!p0 s3, s7;
	s7 =	simm.s32 @!p0 $0x108  }
0x21: {  	s3 =	sadd.s32 s3, s9;
	s6 =	sadd.s32 @!p0 $0x88, s6;
	s7 =	simm.s32 @p2 $0x1082  }
0x22: {  	[simem:s7], [sflag:s8] =	dma.local @!p0 [hbm:s6], $0xF7A  }
0x23: {  	s9 =	sor.u32 $0xD0000000, s2;
	s6 =	simm.s32 $0x108;
	_ =	swait.ge @!p0 [sflag:s8], $0x0  }
0x24: {  	s3 =	sadd.s32 $0x88, s3;
	s6 =	simm.s32 @!p1 $0x1082;
	[sflag:s4] =	ssyncset.s32 $0xFFFFF086  }
0x25: {  	[simem:s6], [sflag:s4] =	dma.local [hbm:s3], $0xF7A  }
0x26: {  	[smem:$0x3F9A] =	sst s1;
	(tag) =	ssettag s2;
	_ =	strace s9  }
0x27: {  	s1 =	sld [smem:$0x3FAA]  }
0x28: {  	s2 =	sld [smem:$0x3FAB]  }
0x29: {  	s4 =	sld [smem:$0x3FAD]  }
0x2a: {  	p0 =	seq.s32 s5, $0x0;
	s5 =	sld [smem:$0x3FAE]  }
0x2b: {  	s6 =	sld [smem:$0x3FAF]  }
0x2c: {  	s7 =	sld [smem:$0x3FB0]  }
0x2d: {  	s3 =	simm.s32 $0x108;
	s8 =	sld [smem:$0x3FB1]  }
0x2e: {  	s3 =	simm.s32 @!p0 $0x1082;
	s9 =	sld [smem:$0x3FB2]  }
0x2f: {  	lr =	sadd.s32 s0, s3;
	s0 =	sld [smem:$0x3FA9]  }
0x30: {  	s3 =	sld [smem:$0x3FAC]  }
0x31: {  	[smem:$0x3FB5] =	sst s10  }
0x32: {  	s10 =	sld [smem:$0x3FB3];
	_ =	sdelay $0x3  }
0x33: {  	p0 =	seq.s32 s10, $0x1;
	s10 =	sld [smem:$0x3FB5];
	_ =	sdelay $0x3  }
0x34: {  	[smem:$0x3FB5] =	sst s10  }
0x35: {  	s10 =	sld [smem:$0x3FB4];
	_ =	sdelay $0x3  }
0x36: {  	p1 =	seq.s32 s10, $0x1;
	s10 =	sld [smem:$0x3FB5];
	_ =	sdelay $0x3  }
0x37: {  	[smem:$0x3FB5] =	sst s10  }
0x38: {  	s10 =	sld [smem:$0x3FB6]  }
0x39: {  	_ = 	snop;
	(pc) =	sbr.ind lr, $3  }
0x3a: {  	_ = 	snop  }
0x3b: {  	_ = 	snop  }
0x3c: {  	p2 =	seq.s32 s10, $0x1;
	s10 =	sld [smem:$0x3FB5]  }
0x3d: {  	_ =	shalt  }
0x3e: {  	_ =	shalt  }
0x3f: {  	_ =	shalt  }
0x40: {  	_ =	shalt  }
0x41: {  	_ =	shalt  }
0x42: {  	_ =	shalt  }
0x43: {  	_ =	shalt  }
0x44: {  	_ =	shalt  }
0x45: {  	_ =	shalt  }
0x46: {  	_ =	shalt  }
0x47: {  	_ =	shalt  }
0x48: {  	_ =	shalt  }
0x49: {  	_ =	shalt  }
0x4a: {  	_ =	shalt  }
0x4b: {  	_ =	shalt  }
0x4c: {  	_ =	shalt  }
0x4d: {  	_ =	shalt  }
0x4e: {  	_ =	shalt  }
0x4f: {  	_ =	shalt  }
0x50: {  	_ =	shalt  }
0x51: {  	_ =	shalt  }
0x52: {  	_ =	shalt  }
0x53: {  	_ =	shalt  }
0x54: {  	_ =	shalt  }
0x55: {  	_ =	shalt  }
0x56: {  	_ =	shalt  }
0x57: {  	_ =	shalt  }
0x58: {  	_ =	shalt  }
0x59: {  	_ =	shalt  }
0x5a: {  	_ =	shalt  }
0x5b: {  	_ =	shalt  }
0x5c: {  	_ =	shalt  }
0x5d: {  	_ =	shalt  }
0x5e: {  	_ =	shalt  }
0x5f: {  	_ =	shalt  }
0x60: {  	_ =	shalt  }
0x61: {  	_ =	shalt  }
0x62: {  	_ =	shalt  }
0x63: {  	_ =	shalt  }
0x64: {  	_ =	shalt  }
0x65: {  	_ =	shalt  }
0x66: {  	_ =	shalt  }
0x67: {  	_ =	shalt  }
0x68: {  	_ =	shalt  }
0x69: {  	_ =	shalt  }
0x6a: {  	_ =	shalt  }
0x6b: {  	_ =	shalt  }
0x6c: {  	_ =	shalt  }
0x6d: {  	_ =	shalt  }
0x6e: {  	_ =	shalt  }
0x6f: {  	_ =	shalt  }
0x70: {  	_ =	shalt  }
0x71: {  	_ =	shalt  }
0x72: {  	_ =	shalt  }
0x73: {  	_ =	shalt  }
0x74: {  	_ =	shalt  }
0x75: {  	_ =	shalt  }
0x76: {  	_ =	shalt  }
0x77: {  	_ =	shalt  }
0x78: {  	_ =	shalt  }
0x79: {  	_ =	shalt  }
0x7a: {  	_ =	shalt  }
0x7b: {  	_ =	shalt  }
0x7c: {  	_ =	shalt  }
0x7d: {  	_ =	shalt  }
0x7e: {  	_ =	shalt  }
0x7f: {  	_ =	shalt  }
0x80: {  	_ =	shalt  }
0x81: {  	_ =	shalt  }
0x82: {  	_ =	shalt  }
0x83: {  	_ =	shalt  }
0x84: {  	_ =	shalt  }
0x85: {  	_ =	shalt  }
0x86: {  	_ =	shalt  }
0x87: {  	_ =	shalt  }
.Lfunc_end0:
.L_simem_size_0:
called_computation.3_lowered:
.L_overlay_start_0:
0x88: {  	s2 =	sld [smem:$0x3FD9]  }
0x89: {  	s3 =	sld [smem:$0x3FFE];
	_ =	sdelay $0x1  }
0x8a: {  	s1 =	srdreg.scid  }
0x8b: {  	s0 =	sand.u32 $0x1, s1  }
0x8c: {  	s17 =	sshll.u32 s0, $0xA;
	s2 =	sadd.s32 s3, s2  }
0x8d: {  	s2 =	sadd.s32 s2, s17  }
0x8e: {  	[smem:$0x3FC1] =	sst s2  }
0x8f: {  	_ = 	snop  }
0x90: {  	s18 =	sld [smem:$0x3FC7];
	(tm) =	ssettm $0x1  }
0x91: {  	s19 =	sld [smem:$0x3FFB];
	_ =	sdelay $0x3  }
0x92: {  	_ =	strace s19  }
0x93: {  	s2 =	sld [smem:$0x3FFC];
	_ =	sdelay $0x3  }
0x94: {  	_ =	strace s2  }
0x95: {  	s2 =	sld [smem:$0x3FFD];
	_ =	sdelay $0x3  }
0x96: {  	_ =	strace s2  }
0x97: {  	_ =	strace $0x8FFFFFFF  }
0x98: {  	s20 =	sld [smem:$0x3FDB];
	_ =	sdelay $0x1  }
0x99: {  	s4 =	simm.s32 $_scs_section_size  }
0x9a: {  	s5 =	simm.s32 $_size__tile_overlayer_lowered;
	s6 =	simm.s32 $_tile_overlayer_lowered  }
0x9b: {  	s7 =	simm.s32 $0x1BFF;
	s21 =	sshll.u32 s6, $0x1;
	s4 =	sadd.s32 s4, s20  }
0x9c: {  	s22 =	simm.s32 $0x0;
	s5 =	sshll.u32 s5, $0x1;
	s6 =	sadd.s32 s21, s4  }
0x9d: {  	[timem:s22], [sflag:s7] =	dma.local [hbm:s6], s5  }
0x9e: {  	_ =	swait.ge [sflag:s7], s5  }
0x9f: {  	s5 =	ssub.s32 $0x0, s5;
	[sflag:s7] =	ssyncset.done $0x0  }
0xa0: {  	[sflag:s7] =	ssyncadd.s32 s5;
	_ =	sdelay $0x1  }
0xa1: {  	s23 =	simm.s32 $0x1B8B  }
0xa2: {  	_ =	swait.ge [sflag:s23], $0x1  }
0xa3: {  	[sflag:s23] =	ssyncset.done $0x0  }
0xa4: {  	[sflag:s23] =	ssyncadd.s32 $0xFFFFFFFF  }
0xa5: {  	s5 =	sld [smem:$0x0]  }
0xa6: {  	s6 =	sand.u32 $0xFFFFFFFE, s1  }
0xa7: {  	p0 =	sne.s32 s1, s6  }
0xa8: {  	s6 =	sshll.u32 @p0 s6, $0xE  }
0xa9: {  	s6 =	sadd.s32 @p0 $0x11B8D, s6;
	s7 =	sshll.u32 @p0 s5, $0x11  }
0xaa: {  	s6 =	sor.u32 @p0 s7, s6  }
0xab: {  	[sflag:s6] =	ssyncadd.remote.s32 @p0 $0x1;
	_ =	sdelay $0x1  }
0xac: {  	s6 =	simm.s32 @p0 $0x1B8D  }
0xad: {  	_ =	swait.eq @p0 [sflag:s6], $0x1  }
0xae: {  	[sflag:s6] =	ssyncadd.s32 @p0 $0xFFFFFFFF  }
0xaf: {  	s7 =	sshll.u32 @!p0 s1, $0xE  }
0xb0: {  	s7 =	sor.u32 @!p0 $0x4000, s7;
	s6 =	simm.s32 @!p0 $0x1B8D  }
0xb1: {  	s5 =	sshll.u32 @!p0 s5, $0x11;
	s7 =	sadd.s32 @!p0 $0x11B8D, s7;
	_ =	swait.eq @!p0 [sflag:s6], $0x1  }
0xb2: {  	s5 =	sor.u32 @!p0 s5, s7;
	[sflag:s6] =	ssyncadd.s32 @!p0 $0xFFFFFFFF  }
0xb3: {  	s25 =	simm.s32 $0x1B8E;
	s24 =	sld [smem:$0x3FFE];
	[sflag:s5] =	ssyncadd.remote.s32 @!p0 $0x1  }
0xb4: {  	s26 =	simm.s32 $execute0_lowered;
	[smem:$0x3FD2] =	sst s25  }
0xb5: {  	s6 =	sshll.u32 s26, $0x1;
	_ =	strace $0x8000004F;
	[dreg:$0x1] =	wrdreg $0xFFFFFFFF  }
0xb6: {  	s28 =	simm.s32 $_size_execute0_lowered;
	s4 =	sadd.s32 s4, s6;
	[dreg:$0x0] =	wrdreg $0x0  }
0xb7: {  	s6 =	sshll.u32 s28, $0x1;
	[dreg:$0x2] =	wrdreg s4  }
0xb8: {  	[dreg:$0x3] =	wrdreg s6  }
0xb9: {  	[dreg:$0x4] =	wrdreg $0xC0  }
0xba: {  	_ =	task [dreg:s22], $0x5FFFF  }
0xbb: {  	[dreg:$0x1] =	wrdreg $0xFFFFFFFF  }
0xbc: {  	[dreg:$0x0] =	wrdreg $0x60  }
0xbd: {  	[dreg:$0x2] =	wrdreg s24  }
0xbe: {  	[dreg:$0x3] =	wrdreg s18  }
0xbf: {  	[dreg:$0x4] =	wrdreg $0xC  }
0xc0: {  	_ =	task.clear_ibuf [dreg:s22], $0x5FFFF;
	_ =	strace $0x9000004F  }
0xc1: {  	s29 =	simm.s32 $0xC;
	_ =	strace $0x80000051  }
0xc2: {  	_ =	swait.ge [sflag:s29], $0x1  }
0xc3: {  	[sflag:s29] =	ssyncadd.s32 $0xFFFFFFFF  }
0xc4: {  	_ =	strace $0x90000051  }
0xc5: {  	_ =	sfence  }
0xc6: {  	s30 =	sld [smem:$0x0];
	_ =	sdelay $0x2  }
0xc7: {  	s31 =	sshll.u32 s1, $0xD;
	s1 =	sshrl.u32 s1, $0x2  }
0xc8: {  	s4 =	sand.u32 $0x4000, s31;
	s1 =	sadd.s32 s1, s30  }
0xc9: {  	s0 =	sor.u32 s4, s0;
	s1 =	sshll.u32 s1, $0x11  }
0xca: {  	s0 =	sor.u32 s1, s0  }
0xcb: {  	s0 =	sadd.s32 $0x8F2B, s0  }
0xcc: {  	[sflag:s0] =	ssyncadd.remote.s32 $0x1  }
0xcd: {  	_ =	sfence.sel $0xFFFF  }
0xce: {  	[dreg:$0x0] =	wrdreg $0xFFFFFFFF;
	(pc) =	sbr.abs _section_cstart, $3  }
0xcf: {  	[dreg:$0x1] =	wrdreg $0xFFFFFFFF  }
0xd0: {  	_ =	task.clear_ibuf [dreg:s22], $0x2FFFF;
	_ =	strace $0x9FFFFFFF  }
0xd1: {  	(tm) =	ssettm $0x7FFFFFFF  }
tec
execute0_lowered:
.L_overlay_start_1:
0x0: {  	(tag) =	ssettag $0x1  }
0x1: {  	s4 =	rddreg [dreg:$0x0];
	s1 =	srdreg.scid  }
0x2: {  	s0 =	stileid.u32;
	s2 =	rddreg [dreg:$0x1]  }
0x3: {  	s3 =	simm.s32 $0x0;
	s14 =	simm.s32 $0x80;
	s15 =	simm.s32 $0x2900  }
0x4: {  	s16 =	simm.s32 $0x1;
	s17 =	simm.s32 $0x2;
	s18 =	simm.s32 $0x0  }
0x5: {  	s6 =	sand.u32 $0x1, s1;
	s1 =	rddreg [dreg:$0x2];
	s9 =	smul.u32 $0xC800, s0  }
0x6: {  	s5 =	sshll.u32 s0, $0x1;
	[smem:$0x7FF] =	sst s3;
	s12 =	smul.u32 $0xC80, s0  }
0x7: {  	s10 =	sadd.s32 $0xCD200, s4;
	s11 =	sadd.s32 $0x25EC00, s4;
	s30 =	smul.u32 $0x640, s6  }
0x8: {  	s5 =	sor.u32 s6, s5;
	s26 =	ssub.s32 $0x2, s6;
	s13 =	smul.u32 $0x6400, s6  }
0x9: {  	_ =	strace $0x80000050;
	s7 =	smul.u32 $0x640, s5;
	s28 =	sshrl.u32 s26, $0x1  }
0xa: {  	s8 =	smul.u32 $0x6400, s5;
	s9 =	sadd.s32 s9, s11;
	s5 =	ssub.s32 s26, s28  }
0xb: {  	s12 =	sadd.s32 s30, s12;
	s9 =	sadd.s32 s13, s9;
	s13 =	simm.s32 $0x100  }
0xc: {  	s29 =	sshrl.u32 s7, $0x3;
	s5 =	smax.u32 s5, $0x1;
	s7 =	sadd.s32 s11, s8  }
0xd: {  	s31 =	sadd.s32 $0xA0, s12;
	s9 =	sadd.s32 $0x500, s9;
	s12 =	simm.s32 $0x50  }
0xe: {  	s4 =	sadd.s32 s10, s29;
	s8 =	sadd.s32 $0x5F00, s7;
	s11 =	sshrl.u32 s31, $0x3  }
0xf: {  	s6 =	sadd.s32 $0xA, s4;
	s10 =	sadd.s32 s11, s10;
	s11 =	simm.s32 $0x3  }
.LBB2_1:
0x10: {  	[tilespmem:s3], [sflag:$0x3] =	stream.linear.gather [hbm4b:s4+s3], $0x50, $0x38;
	[tilespmem:$0x5100] =	vst v63  }
0x11: {  	_ =	swait.ge [sflag:s11], $0x50  }
0x12: {  	[sflag:s11] =	ssyncset.done $0x0  }
0x13: {  	[sflag:s11] =	ssyncadd.s32 $0xFFFFFFB0  }
0x14: {  	[tilespmem:s13], [sflag:$0x1] =	stream.indirect.gather [hbm4b:s2+s12], $0x80, s3, s12, $0xb8;
	[tilespmem:$0x5100] =	vst v63  }
0x15: {  	_ = 	snop  }
0x16: {  	[tilespmem:s14], [sflag:$0x3] =	stream.linear.gather [hbm4b:s6+s3], $0x50, $0x38;
	[tilespmem:$0x5100] =	vst v63  }
0x17: {  	_ =	swait.ge [sflag:s11], $0x50  }
0x18: {  	[sflag:s11] =	ssyncset.done $0x0  }
0x19: {  	[sflag:s11] =	ssyncadd.s32 $0xFFFFFFB0  }
0x1a: {  	[tilespmem:s15], [sflag:$0x1] =	stream.indirect.gather [hbm4b:s2+s12], $0x80, s14, s12, $0xb8;
	[tilespmem:$0x5100] =	vst v63  }
0x1b: {  	_ =	swait.ge [sflag:s16], $0x2800  }
0x1c: {  	[sflag:s16] =	ssyncset.done $0x0  }
0x1d: {  	[sflag:s16] =	ssyncadd.s32 $0xFFFFD800  }
0x1e: {  	[hbm4b:s7+s3] =	stream.linear.scatter [tilespmem:s13], [sflag:$0x2], $0x2800, $0x38;
	[tilespmem:$0x5100] =	vst v63  }
0x1f: {  	_ =	swait.ge [sflag:s17], $0x2800  }
0x20: {  	s20 =	sand.u32 $0x1, s17;
	[sflag:s17] =	ssyncset.done $0x0  }
0x21: {  	s19 =	sshll.u32 s20, $0x7;
	s21 =	smul.u32 $0xA000, s20;
	[sflag:s17] =	ssyncadd.s32 $0xFFFFD800  }
0x22: {  	[tilespmem:s19], [sflag:$0x3] =	stream.linear.gather [hbm4b:s10+s3], $0x50, $0x38;
	[tilespmem:$0x5100] =	vst v63  }
0x23: {  	_ =	swait.ge [sflag:s11], $0x50  }
0x24: {  	s21 =	sshrl.u32 s21, $0x2;
	[sflag:s11] =	ssyncset.done $0x0  }
0x25: {  	s23 =	simm.s32 $0x100;
	s21 =	sor.u32 $0x100, s21;
	[sflag:s11] =	ssyncadd.s32 $0xFFFFFFB0  }
0x26: {  	[tilespmem:s21], [sflag:$0x1] =	stream.indirect.gather [hbm4b:s2+s12], $0x80, s19, s12, $0xb8;
	[tilespmem:$0x5100] =	vst v63  }
0x27: {  	s22 =	smov.u32 s9;
	p0 =	seq.s32 s20, $0x1;
	_ =	swait.ge [sflag:s16], $0x2800  }
0x28: {  	s20 =	sadd.s32 $0xA, s10;
	s23 =	simm.s32 @!p0 $0x2900;
	[sflag:s16] =	ssyncset.done $0x0  }
0x29: {  	s19 =	simm.s32 $0x3;
	s21 =	sadd.s32 $0x500, s9;
	[sflag:s16] =	ssyncadd.s32 $0xFFFFD800  }
.LBB2_2:
0x2a: {  	[hbm4b:s22+s3] =	stream.linear.scatter [tilespmem:s23], [sflag:$0x2], $0x2800, $0x38;
	[tilespmem:$0x5100] =	vst v63  }
0x2b: {  	s23 =	smov.u32 s19;
	s22 =	smov.u32 s21  }
0x2c: {  	p0 =	sne.s32 s19, $0x13;
	s19 =	sadd.s32 $0x1, s19;
	_ =	swait.ge [sflag:s17], $0x2800  }
0x2d: {  	s23 =	sand.u32 $0x1, s23;
	[sflag:s17] =	ssyncset.done $0x0  }
0x2e: {  	s24 =	sshll.u32 s23, $0x7;
	s25 =	smul.u32 $0xA000, s23;
	[sflag:s17] =	ssyncadd.s32 $0xFFFFD800  }
0x2f: {  	[tilespmem:s24], [sflag:$0x3] =	stream.linear.gather [hbm4b:s20+s3], $0x50, $0x38;
	[tilespmem:$0x5100] =	vst v63  }
0x30: {  	p1 =	seq.s32 s23, $0x1;
	s25 =	sshrl.u32 s25, $0x2;
	_ =	swait.ge [sflag:s11], $0x50  }
0x31: {  	[sflag:s11] =	ssyncset.done $0x0  }
.Ltmp0:
0x32: {  	s23 =	sor.u32 $0x100, s25;
	[sflag:s11] =	ssyncadd.s32 $0xFFFFFFB0;
	(pc) =	sbr.rel @p0 .LBB2_2-.Ltmp0, $4  }
0x33: {  	[tilespmem:s23], [sflag:$0x1] =	stream.indirect.gather [hbm4b:s2+s12], $0x80, s24, s12, $0xb8;
	[tilespmem:$0x5100] =	vst v63  }
0x34: {  	_ =	swait.ge [sflag:s16], $0x2800  }
0x35: {  	s20 =	sadd.s32 $0xA, s20;
	s23 =	simm.s32 $0x100;
	[sflag:s16] =	ssyncset.done $0x0  }
0x36: {  	s21 =	sadd.s32 $0x500, s21;
	s23 =	simm.s32 @!p1 $0x2900;
	[sflag:s16] =	ssyncadd.s32 $0xFFFFD800  }
0x37: {  	[hbm4b:s22+s3] =	stream.linear.scatter [tilespmem:s23], [sflag:$0x2], $0x2800, $0x38;
	[tilespmem:$0x5100] =	vst v63  }
0x38: {  	_ =	swait.ge [sflag:s17], $0x2800  }
0x39: {  	[sflag:s17] =	ssyncset.done $0x0  }
0x3a: {  	[sflag:s17] =	ssyncadd.s32 $0xFFFFD800  }
0x3b: {  	s18 =	sadd.s32 $0x1, s18;
	_ =	swait.ge [sflag:s16], $0x2800  }
0x3c: {  	p0 =	sne.s32 s18, s5;
	[sflag:s16] =	ssyncset.done $0x0  }
.Ltmp1:
0x3d: {  	[sflag:s16] =	ssyncadd.s32 $0xFFFFD800;
	(pc) =	sbr.rel @p0 .LBB2_1-.Ltmp1, $4  }
0x3e: {  	[hbm4b:s8+s3] =	stream.linear.scatter [tilespmem:s15], [sflag:$0x2], $0x2800, $0x38;
	[tilespmem:$0x5100] =	vst v63  }
0x3f: {  	_ =	swait.ge [sflag:s17], $0x2800  }
0x40: {  	[sflag:s17] =	ssyncset.done $0x0  }
0x41: {  	[sflag:s17] =	ssyncadd.s32 $0xFFFFD800  }
0x42: {  	_ =	sfence.sel $0x180000  }
0x43: {  	[bflag:$0x0] =	sbarrier.arrive $0xFFFF  }
0x44: {  	p0 =	sne.s32 s0, $0x0;
	_ =	strace $0x90000050  }
0x45: {  	s0 =	sadd.s32 @!p0 $0x100000, s1;
	[bflag:$0x2] =	sbarrier.arrive $0xFFFF  }
0x46: {  	[sflag:s0] =	ssyncadd.tile.s32 @!p0 $0x1;
	_ =	shalt  }
.Lfunc_end2:
_tile_overlayer_lowered:
.L_overlay_start_2:
0x47: {  	(tag) =	ssettag $0x2  }
0x48: {  	s0 =	rddreg [dreg:$0x0];
	s2 =	stileid.u32  }
0x49: {  	s1 =	rddreg [dreg:$0x1];
	p0 =	sne.s32 s2, $0x0  }
0x4a: {  	s3 =	rddreg [dreg:$0x2];
	[bflag:$0x3] =	sbarrier.arrive $0xFFFF;
	s2 =	simm.s32 @!p0 $0x1C03  }
0x4b: {  	[timem:s3], [sflag:s2] =	dma.local @!p0 [hbm:s0], s1  }
0x4c: {  	s0 =	simm.s32 @!p0 $0x3  }
0x4d: {  	_ =	swait.ge @!p0 [sflag:s0], s1  }
0x4e: {  	s1 =	ssub.s32 @!p0 $0x0, s1;
	[sflag:s0] =	ssyncset.done @!p0 $0x0  }
0x4f: {  	[sflag:s0] =	ssyncadd.s32 @!p0 s1  }
0x50: {  	[bflag:$0x3] =	sbarrier.arrive $0xFFFF  }
0x51: {  	_ =	shalt  }

</sc_bundles>
